<compile_context>
chip_gen: v7x
topology: tpu7x:2x2x1
jax: 0.10.2.dev20260603
libtpu: 0.0.44.dev20260713+nightly
codegen_flags: <defaults>
</compile_context>

<pallas_src>
import functools

import jax
import jax.numpy as jnp
from jax import lax
from jax.experimental import pallas as pl
from jax.experimental.pallas import tpu as pltpu
from jax.experimental.pallas import tpu_sc as plsc

B = 1024
V = 100000

_info = plsc.get_sparse_core_info()
_NC, _NS, _L = _info.num_cores, _info.num_subcores, _info.num_lanes
_NW = _NC * _NS
_BPW = B // _NW

_mesh = plsc.VectorSubcoreMesh(core_axis_name="c", subcore_axis_name="s")


@functools.partial(
    pl.kernel,
    mesh=_mesh,
    out_type=jax.ShapeDtypeStruct((B,), jnp.float32),
    scratch_types=[
        pltpu.VMEM((_BPW,), jnp.int32),
        pltpu.VMEM((_BPW, 128), jnp.float32),
        pltpu.VMEM((_BPW,), jnp.float32),
        pltpu.SemaphoreType.DMA,
    ],
    compiler_params=pltpu.CompilerParams(
        use_tc_tiling_on_sc=True,
        needs_layout_passes=False,
    ),
)
def _gather_loss(in_hbm, tgt_hbm, out_hbm, tgt_v, rows_v, val_v, sem):
    wid = lax.axis_index("s") * _NC + lax.axis_index("c")
    base = wid * _BPW
    pltpu.sync_copy(tgt_hbm.at[pl.ds(base, _BPW)], tgt_v)
    iota = lax.broadcasted_iota(jnp.int32, (_L,), 0)
    copies = []
    for k in range(_BPW):
        chunk = tgt_v[pl.ds((k // _L) * _L, _L)]
        t = jnp.sum(jnp.where(iota == (k % _L), chunk, 0))
        c0 = pl.multiple_of((t // 128) * 128, 128)
        cp = pltpu.make_async_copy(
            in_hbm.at[pl.ds(base + k, 1), pl.ds(c0, 128)],
            rows_v.at[pl.ds(k, 1), :],
            sem,
        )
        cp.start()
        copies.append(cp)
    for cp in copies:
        cp.wait()
    for j in range(_BPW // _L):
        ridx = lax.broadcasted_iota(jnp.int32, (_L,), 0) + j * _L
        cidx = tgt_v[pl.ds(j * _L, _L)] % 128
        val_v[pl.ds(j * _L, _L)] = plsc.load_gather(rows_v, [ridx, cidx])
    pltpu.sync_copy(val_v, out_hbm.at[pl.ds(base, _BPW)])


def kernel(inputs, targets):
    tgt = targets.astype(jnp.int32)
    return _gather_loss(inputs, tgt)

# --- scband reference (transcript-rebuilt; emitter-appended) ---
"""Pipeline reference for scband-my-loss-86973087744019 (READ-ONLY COPY).

The authoritative reference and input builder live on the scoring server;
editing this copy changes nothing except your own understanding.
"""

import jax, jax.numpy as jnp
import numpy as np

B = 1024
V = 100000

def setup_inputs(seed: int = 0) -> dict:
    key = jax.random.key(seed)
    k1, k2 = jax.random.split(key)
    inputs = jax.random.normal(k1, (B, V), dtype=jnp.float32)
    targets = jax.random.randint(k2, (B,), 0, V, dtype=jnp.int64)
    return {"inputs": inputs, "targets": targets}

def reference(inputs, targets):
    # target_expanded = zeros_like(inputs); scatter 1.0 at (row, targets[row])
    rows = jnp.arange(inputs.shape[0])
    target_expanded = jnp.zeros(inputs.shape, dtype=inputs.dtype).at[rows, targets].set(1.0)
    loss = target_expanded * inputs
    loss = jnp.sum(loss, axis=1)
    return loss

if __name__ == "__main__":
    import jax
    _d = setup_inputs()
    print(jax.jit(kernel)(*tuple(_d.values())))

</pallas_src>

<mosaic_0001>
#map = affine_map<(d0, d1) -> (0, 0)>
#map1 = affine_map<(d0, d1) -> (0)>
module attributes {stable_mosaic.version = 14 : i64} {
  func.func @_gather_loss(%arg0: i32, %arg1: i32, %arg2: memref<1024x100000xf32, #tpu.memory_space<hbm>>, %arg3: memref<1024xi32, #tpu.memory_space<hbm>>, %arg4: memref<1024xf32, #tpu.memory_space<hbm>>, %arg5: memref<32xi32, #tpu.memory_space<vmem>>, %arg6: memref<32x128xf32, #tpu.memory_space<vmem>>, %arg7: memref<32xf32, #tpu.memory_space<vmem>>, %arg8: memref<!tpu.dma_semaphore, #tpu.memory_space<semaphore_mem>>) attributes {dimension_semantics = [#tpu.dimension_semantics<core_parallel>, #tpu.dimension_semantics<subcore_parallel>], iteration_bounds = array<i64: 2, 16>, scalar_prefetch = 0 : i64, scratch_operands = 4 : i64, tpu.core_type = #tpu.core_type<sc_vector_subcore>, window_params = [{transform_indices = #map}, {transform_indices = #map1}, {transform_indices = #map1}]} {
    %mul3A = arith.constant 2 : i32
    %mul3A_0 = arith.muli %arg1, %mul3A : i32
    %add3A = arith.addi %mul3A_0, %arg0 : i32
    %mul3A_1 = arith.constant 32 : i32
    %mul3A_2 = arith.muli %add3A, %mul3A_1 : i32
    "tpu.region"() ({
      %run_scoped3A = tpu.sem_alloc : memref<!tpu.dma_semaphore, #tpu.memory_space<semaphore_mem>>
      %dma_start3A_1871 = tpu.memref_slice %arg3[%mul3A_2] : memref<1024xi32, #tpu.memory_space<hbm>> -> memref<32xi32, #tpu.memory_space<hbm>>
      %dma_start3A_1872 = tpu.memref_slice %arg3[%mul3A_2] : memref<1024xi32, #tpu.memory_space<hbm>> -> memref<32xi32, #tpu.memory_space<hbm>>
      tpu.enqueue_dma source(%dma_start3A_1872 : memref<32xi32, #tpu.memory_space<hbm>>) target(%arg5 : memref<32xi32, #tpu.memory_space<vmem>>) target_semaphore(%run_scoped3A : memref<!tpu.dma_semaphore, #tpu.memory_space<semaphore_mem>>)
      %dma_wait3A_1873 = tpu.memref_slice %arg3[%mul3A_2] : memref<1024xi32, #tpu.memory_space<hbm>> -> memref<32xi32, #tpu.memory_space<hbm>>
      %dma_wait3A_1874 = tpu.memref_slice %arg3[%mul3A_2] : memref<1024xi32, #tpu.memory_space<hbm>> -> memref<32xi32, #tpu.memory_space<hbm>>
      tpu.wait_dma2 semaphore(%run_scoped3A : memref<!tpu.dma_semaphore, #tpu.memory_space<semaphore_mem>>) src(%dma_wait3A_1874 : memref<32xi32, #tpu.memory_space<hbm>>) dst(%arg5 : memref<32xi32, #tpu.memory_space<vmem>>)
      tpu.yield
    }) : () -> ()
    %iota3A = tpu.iota {dimensions = array<i32: 0>} : vector<16xi32>
    %get3A = arith.constant 0 : index
    %get3A_3 = tpu.vector_load %arg5[%get3A] {strides = array<i32>} : memref<32xi32, #tpu.memory_space<vmem>>, vector<16xi32>,
    %eq3A = arith.constant 0 : i32
    %eq3A_4 = vector.broadcast %eq3A : i32 to vector<16xi32>
    %eq3A_5 = arith.cmpi eq, %iota3A, %eq3A_4 : vector<16xi32>
    %jit3A = arith.constant 0 : i32
    %broadcast_in_dim3A = vector.broadcast %jit3A : i32 to vector<16xi32>
    %select_n3A = arith.select %eq3A_5, %get3A_3, %broadcast_in_dim3A : vector<16xi1>, vector<16xi32>
    %reduce_sum3A = arith.constant true
    %reduce_sum3A_6 = vector.broadcast %reduce_sum3A : i1 to vector<16xi1>
    %reduce_sum3A_7 = tpu.scan <sum>, %select_n3A masked %reduce_sum3A_6 : vector<16xi32>, vector<16xi1> -> vector<16xi32>
    %reduce_sum3A_8 = vector.extract %reduce_sum3A_7[15] : i32 from vector<16xi32>
    %jit3A_9 = arith.constant 128 : i32
    %div3A = arith.divsi %reduce_sum3A_8, %jit3A_9 : i32
    %sign3A = arith.constant 0 : i32
    %sign3A_10 = arith.cmpi sgt, %reduce_sum3A_8, %sign3A : i32
    %sign3A_11 = arith.extui %sign3A_10 : i1 to i32
    %sign3A_12 = arith.constant 0 : i32
    %sign3A_13 = arith.cmpi slt, %reduce_sum3A_8, %sign3A_12 : i32
    %sign3A_14 = arith.extui %sign3A_13 : i1 to i32
    %sign3A_15 = arith.subi %sign3A_11, %sign3A_14 : i32
    %sign3A_16 = arith.constant 0 : i32
    %sign3A_17 = arith.cmpi sgt, %jit3A_9, %sign3A_16 : i32
    %sign3A_18 = arith.extui %sign3A_17 : i1 to i32
    %sign3A_19 = arith.constant 0 : i32
    %sign3A_20 = arith.cmpi slt, %jit3A_9, %sign3A_19 : i32
    %sign3A_21 = arith.extui %sign3A_20 : i1 to i32
    %sign3A_22 = arith.subi %sign3A_18, %sign3A_21 : i32
    %ne3A = arith.cmpi ne, %sign3A_15, %sign3A_22 : i32
    %rem3A = arith.remsi %reduce_sum3A_8, %jit3A_9 : i32
    %ne3A_23 = arith.constant 0 : i32
    %ne3A_24 = arith.cmpi ne, %rem3A, %ne3A_23 : i32
    %and3A = arith.andi %ne3A, %ne3A_24 : i1
    %sub3A = arith.constant 1 : i32
    %sub3A_25 = arith.subi %div3A, %sub3A : i32
    %select_n3A_26 = arith.select %and3A, %sub3A_25, %div3A : i32
    %mul3A_27 = arith.constant 128 : i32
    %mul3A_28 = arith.muli %select_n3A_26, %mul3A_27 : i32
    %multiple_of3A = tpu.assume_multiple %mul3A_28, 128 : i32
    %add3A_29 = arith.constant 0 : i32
    %add3A_30 = arith.addi %mul3A_2, %add3A_29 : i32
    %dma_start3A = arith.constant 0 : i32
    %dma_start3A_31 = arith.constant 0 : i32
    %dma_start3A_32 = tpu.memref_slice %arg6[%dma_start3A, %dma_start3A_31] : memref<32x128xf32, #tpu.memory_space<vmem>> -> memref<1x128xf32, #tpu.memory_space<vmem>>
    %dma_start3A_33 = tpu.memref_slice %arg2[%add3A_30, %multiple_of3A] : memref<1024x100000xf32, #tpu.memory_space<hbm>> -> memref<1x128xf32, #tpu.memory_space<hbm>>
    %dma_start3A_34 = arith.constant 0 : i32
    %dma_start3A_35 = arith.constant 0 : i32
    %dma_start3A_36 = tpu.memref_slice %arg6[%dma_start3A_34, %dma_start3A_35] : memref<32x128xf32, #tpu.memory_space<vmem>> -> memref<1x128xf32, #tpu.memory_space<vmem>>
    %dma_start3A_37 = tpu.memref_slice %arg2[%add3A_30, %multiple_of3A] : memref<1024x100000xf32, #tpu.memory_space<hbm>> -> memref<1x128xf32, #tpu.memory_space<hbm>>
    tpu.enqueue_dma source(%dma_start3A_37 : memref<1x128xf32, #tpu.memory_space<hbm>>) target(%dma_start3A_36 : memref<1x128xf32, #tpu.memory_space<vmem>>) target_semaphore(%arg8 : memref<!tpu.dma_semaphore, #tpu.memory_space<semaphore_mem>>)
    %get3A_38 = arith.constant 0 : index
    %get3A_39 = tpu.vector_load %arg5[%get3A_38] {strides = array<i32>} : memref<32xi32, #tpu.memory_space<vmem>>, vector<16xi32>,
    %eq3A_40 = arith.constant 1 : i32
    %eq3A_41 = vector.broadcast %eq3A_40 : i32 to vector<16xi32>
    %eq3A_42 = arith.cmpi eq, %iota3A, %eq3A_41 : vector<16xi32>
    %jit3A_43 = arith.constant 0 : i32
    %broadcast_in_dim3A_44 = vector.broadcast %jit3A_43 : i32 to vector<16xi32>
    %select_n3A_45 = arith.select %eq3A_42, %get3A_39, %broadcast_in_dim3A_44 : vector<16xi1>, vector<16xi32>
    %reduce_sum3A_46 = arith.constant true
    %reduce_sum3A_47 = vector.broadcast %reduce_sum3A_46 : i1 to vector<16xi1>
    %reduce_sum3A_48 = tpu.scan <sum>, %select_n3A_45 masked %reduce_sum3A_47 : vector<16xi32>, vector<16xi1> -> vector<16xi32>
    %reduce_sum3A_49 = vector.extract %reduce_sum3A_48[15] : i32 from vector<16xi32>
    %jit3A_50 = arith.constant 128 : i32
    %div3A_51 = arith.divsi %reduce_sum3A_49, %jit3A_50 : i32
    %sign3A_52 = arith.constant 0 : i32
    %sign3A_53 = arith.cmpi sgt, %reduce_sum3A_49, %sign3A_52 : i32
    %sign3A_54 = arith.extui %sign3A_53 : i1 to i32
    %sign3A_55 = arith.constant 0 : i32
    %sign3A_56 = arith.cmpi slt, %reduce_sum3A_49, %sign3A_55 : i32
    %sign3A_57 = arith.extui %sign3A_56 : i1 to i32
    %sign3A_58 = arith.subi %sign3A_54, %sign3A_57 : i32
    %sign3A_59 = arith.constant 0 : i32
    %sign3A_60 = arith.cmpi sgt, %jit3A_50, %sign3A_59 : i32
    %sign3A_61 = arith.extui %sign3A_60 : i1 to i32
    %sign3A_62 = arith.constant 0 : i32
    %sign3A_63 = arith.cmpi slt, %jit3A_50, %sign3A_62 : i32
    %sign3A_64 = arith.extui %sign3A_63 : i1 to i32
    %sign3A_65 = arith.subi %sign3A_61, %sign3A_64 : i32
    %ne3A_66 = arith.cmpi ne, %sign3A_58, %sign3A_65 : i32
    %rem3A_67 = arith.remsi %reduce_sum3A_49, %jit3A_50 : i32
    %ne3A_68 = arith.constant 0 : i32
    %ne3A_69 = arith.cmpi ne, %rem3A_67, %ne3A_68 : i32
    %and3A_70 = arith.andi %ne3A_66, %ne3A_69 : i1
    %sub3A_71 = arith.constant 1 : i32
    %sub3A_72 = arith.subi %div3A_51, %sub3A_71 : i32
    %select_n3A_73 = arith.select %and3A_70, %sub3A_72, %div3A_51 : i32
    %mul3A_74 = arith.constant 128 : i32
    %mul3A_75 = arith.muli %select_n3A_73, %mul3A_74 : i32
    %multiple_of3A_76 = tpu.assume_multiple %mul3A_75, 128 : i32
    %add3A_77 = arith.constant 1 : i32
    %add3A_78 = arith.addi %mul3A_2, %add3A_77 : i32
    %dma_start3A_79 = arith.constant 1 : i32
    %dma_start3A_80 = arith.constant 0 : i32
    %dma_start3A_81 = tpu.memref_slice %arg6[%dma_start3A_79, %dma_start3A_80] : memref<32x128xf32, #tpu.memory_space<vmem>> -> memref<1x128xf32, #tpu.memory_space<vmem>>
    %dma_start3A_82 = tpu.memref_slice %arg2[%add3A_78, %multiple_of3A_76] : memref<1024x100000xf32, #tpu.memory_space<hbm>> -> memref<1x128xf32, #tpu.memory_space<hbm>>
    %dma_start3A_83 = arith.constant 1 : i32
    %dma_start3A_84 = arith.constant 0 : i32
    %dma_start3A_85 = tpu.memref_slice %arg6[%dma_start3A_83, %dma_start3A_84] : memref<32x128xf32, #tpu.memory_space<vmem>> -> memref<1x128xf32, #tpu.memory_space<vmem>>
    %dma_start3A_86 = tpu.memref_slice %arg2[%add3A_78, %multiple_of3A_76] : memref<1024x100000xf32, #tpu.memory_space<hbm>> -> memref<1x128xf32, #tpu.memory_space<hbm>>
    tpu.enqueue_dma source(%dma_start3A_86 : memref<1x128xf32, #tpu.memory_space<hbm>>) target(%dma_start3A_85 : memref<1x128xf32, #tpu.memory_space<vmem>>) target_semaphore(%arg8 : memref<!tpu.dma_semaphore, #tpu.memory_space<semaphore_mem>>)
    %get3A_87 = arith.constant 0 : index
    %get3A_88 = tpu.vector_load %arg5[%get3A_87] {strides = array<i32>} : memref<32xi32, #tpu.memory_space<vmem>>, vector<16xi32>,
    %eq3A_89 = arith.constant 2 : i32
    %eq3A_90 = vector.broadcast %eq3A_89 : i32 to vector<16xi32>
    %eq3A_91 = arith.cmpi eq, %iota3A, %eq3A_90 : vector<16xi32>
    %jit3A_92 = arith.constant 0 : i32
    %broadcast_in_dim3A_93 = vector.broadcast %jit3A_92 : i32 to vector<16xi32>
    %select_n3A_94 = arith.select %eq3A_91, %get3A_88, %broadcast_in_dim3A_93 : vector<16xi1>, vector<16xi32>
    %reduce_sum3A_95 = arith.constant true
    %reduce_sum3A_96 = vector.broadcast %reduce_sum3A_95 : i1 to vector<16xi1>
    %reduce_sum3A_97 = tpu.scan <sum>, %select_n3A_94 masked %reduce_sum3A_96 : vector<16xi32>, vector<16xi1> -> vector<16xi32>
    %reduce_sum3A_98 = vector.extract %reduce_sum3A_97[15] : i32 from vector<16xi32>
    %jit3A_99 = arith.constant 128 : i32
    %div3A_100 = arith.divsi %reduce_sum3A_98, %jit3A_99 : i32
    %sign3A_101 = arith.constant 0 : i32
    %sign3A_102 = arith.cmpi sgt, %reduce_sum3A_98, %sign3A_101 : i32
    %sign3A_103 = arith.extui %sign3A_102 : i1 to i32
    %sign3A_104 = arith.constant 0 : i32
    %sign3A_105 = arith.cmpi slt, %reduce_sum3A_98, %sign3A_104 : i32
    %sign3A_106 = arith.extui %sign3A_105 : i1 to i32
    %sign3A_107 = arith.subi %sign3A_103, %sign3A_106 : i32
    %sign3A_108 = arith.constant 0 : i32
    %sign3A_109 = arith.cmpi sgt, %jit3A_99, %sign3A_108 : i32
    %sign3A_110 = arith.extui %sign3A_109 : i1 to i32
    %sign3A_111 = arith.constant 0 : i32
    %sign3A_112 = arith.cmpi slt, %jit3A_99, %sign3A_111 : i32
    %sign3A_113 = arith.extui %sign3A_112 : i1 to i32
    %sign3A_114 = arith.subi %sign3A_110, %sign3A_113 : i32
    %ne3A_115 = arith.cmpi ne, %sign3A_107, %sign3A_114 : i32
    %rem3A_116 = arith.remsi %reduce_sum3A_98, %jit3A_99 : i32
    %ne3A_117 = arith.constant 0 : i32
    %ne3A_118 = arith.cmpi ne, %rem3A_116, %ne3A_117 : i32
    %and3A_119 = arith.andi %ne3A_115, %ne3A_118 : i1
    %sub3A_120 = arith.constant 1 : i32
    %sub3A_121 = arith.subi %div3A_100, %sub3A_120 : i32
    %select_n3A_122 = arith.select %and3A_119, %sub3A_121, %div3A_100 : i32
    %mul3A_123 = arith.constant 128 : i32
    %mul3A_124 = arith.muli %select_n3A_122, %mul3A_123 : i32
    %multiple_of3A_125 = tpu.assume_multiple %mul3A_124, 128 : i32
    %add3A_126 = arith.constant 2 : i32
    %add3A_127 = arith.addi %mul3A_2, %add3A_126 : i32
    %dma_start3A_128 = arith.constant 2 : i32
    %dma_start3A_129 = arith.constant 0 : i32
    %dma_start3A_130 = tpu.memref_slice %arg6[%dma_start3A_128, %dma_start3A_129] : memref<32x128xf32, #tpu.memory_space<vmem>> -> memref<1x128xf32, #tpu.memory_space<vmem>>
    %dma_start3A_131 = tpu.memref_slice %arg2[%add3A_127, %multiple_of3A_125] : memref<1024x100000xf32, #tpu.memory_space<hbm>> -> memref<1x128xf32, #tpu.memory_space<hbm>>
    %dma_start3A_132 = arith.constant 2 : i32
    %dma_start3A_133 = arith.constant 0 : i32
    %dma_start3A_134 = tpu.memref_slice %arg6[%dma_start3A_132, %dma_start3A_133] : memref<32x128xf32, #tpu.memory_space<vmem>> -> memref<1x128xf32, #tpu.memory_space<vmem>>
    %dma_start3A_135 = tpu.memref_slice %arg2[%add3A_127, %multiple_of3A_125] : memref<1024x100000xf32, #tpu.memory_space<hbm>> -> memref<1x128xf32, #tpu.memory_space<hbm>>
    tpu.enqueue_dma source(%dma_start3A_135 : memref<1x128xf32, #tpu.memory_space<hbm>>) target(%dma_start3A_134 : memref<1x128xf32, #tpu.memory_space<vmem>>) target_semaphore(%arg8 : memref<!tpu.dma_semaphore, #tpu.memory_space<semaphore_mem>>)
    %get3A_136 = arith.constant 0 : index
    %get3A_137 = tpu.vector_load %arg5[%get3A_136] {strides = array<i32>} : memref<32xi32, #tpu.memory_space<vmem>>, vector<16xi32>,
    %eq3A_138 = arith.constant 3 : i32
    %eq3A_139 = vector.broadcast %eq3A_138 : i32 to vector<16xi32>
    %eq3A_140 = arith.cmpi eq, %iota3A, %eq3A_139 : vector<16xi32>
    %jit3A_141 = arith.constant 0 : i32
    %broadcast_in_dim3A_142 = vector.broadcast %jit3A_141 : i32 to vector<16xi32>
    %select_n3A_143 = arith.select %eq3A_140, %get3A_137, %broadcast_in_dim3A_142 : vector<16xi1>, vector<16xi32>
    %reduce_sum3A_144 = arith.constant true
    %reduce_sum3A_145 = vector.broadcast %reduce_sum3A_144 : i1 to vector<16xi1>
    %reduce_sum3A_146 = tpu.scan <sum>, %select_n3A_143 masked %reduce_sum3A_145 : vector<16xi32>, vector<16xi1> -> vector<16xi32>
    %reduce_sum3A_147 = vector.extract %reduce_sum3A_146[15] : i32 from vector<16xi32>
    %jit3A_148 = arith.constant 128 : i32
    %div3A_149 = arith.divsi %reduce_sum3A_147, %jit3A_148 : i32
    %sign3A_150 = arith.constant 0 : i32
    %sign3A_151 = arith.cmpi sgt, %reduce_sum3A_147, %sign3A_150 : i32
    %sign3A_152 = arith.extui %sign3A_151 : i1 to i32
    %sign3A_153 = arith.constant 0 : i32
    %sign3A_154 = arith.cmpi slt, %reduce_sum3A_147, %sign3A_153 : i32
    %sign3A_155 = arith.extui %sign3A_154 : i1 to i32
    %sign3A_156 = arith.subi %sign3A_152, %sign3A_155 : i32
    %sign3A_157 = arith.constant 0 : i32
    %sign3A_158 = arith.cmpi sgt, %jit3A_148, %sign3A_157 : i32
    %sign3A_159 = arith.extui %sign3A_158 : i1 to i32
    %sign3A_160 = arith.constant 0 : i32
    %sign3A_161 = arith.cmpi slt, %jit3A_148, %sign3A_160 : i32
    %sign3A_162 = arith.extui %sign3A_161 : i1 to i32
    %sign3A_163 = arith.subi %sign3A_159, %sign3A_162 : i32
    %ne3A_164 = arith.cmpi ne, %sign3A_156, %sign3A_163 : i32
    %rem3A_165 = arith.remsi %reduce_sum3A_147, %jit3A_148 : i32
    %ne3A_166 = arith.constant 0 : i32
    %ne3A_167 = arith.cmpi ne, %rem3A_165, %ne3A_166 : i32
    %and3A_168 = arith.andi %ne3A_164, %ne3A_167 : i1
    %sub3A_169 = arith.constant 1 : i32
    %sub3A_170 = arith.subi %div3A_149, %sub3A_169 : i32
    %select_n3A_171 = arith.select %and3A_168, %sub3A_170, %div3A_149 : i32
    %mul3A_172 = arith.constant 128 : i32
    %mul3A_173 = arith.muli %select_n3A_171, %mul3A_172 : i32
    %multiple_of3A_174 = tpu.assume_multiple %mul3A_173, 128 : i32
    %add3A_175 = arith.constant 3 : i32
    %add3A_176 = arith.addi %mul3A_2, %add3A_175 : i32
    %dma_start3A_177 = arith.constant 3 : i32
    %dma_start3A_178 = arith.constant 0 : i32
    %dma_start3A_179 = tpu.memref_slice %arg6[%dma_start3A_177, %dma_start3A_178] : memref<32x128xf32, #tpu.memory_space<vmem>> -> memref<1x128xf32, #tpu.memory_space<vmem>>
    %dma_start3A_180 = tpu.memref_slice %arg2[%add3A_176, %multiple_of3A_174] : memref<1024x100000xf32, #tpu.memory_space<hbm>> -> memref<1x128xf32, #tpu.memory_space<hbm>>
    %dma_start3A_181 = arith.constant 3 : i32
    %dma_start3A_182 = arith.constant 0 : i32
    %dma_start3A_183 = tpu.memref_slice %arg6[%dma_start3A_181, %dma_start3A_182] : memref<32x128xf32, #tpu.memory_space<vmem>> -> memref<1x128xf32, #tpu.memory_space<vmem>>
    %dma_start3A_184 = tpu.memref_slice %arg2[%add3A_176, %multiple_of3A_174] : memref<1024x100000xf32, #tpu.memory_space<hbm>> -> memref<1x128xf32, #tpu.memory_space<hbm>>
    tpu.enqueue_dma source(%dma_start3A_184 : memref<1x128xf32, #tpu.memory_space<hbm>>) target(%dma_start3A_183 : memref<1x128xf32, #tpu.memory_space<vmem>>) target_semaphore(%arg8 : memref<!tpu.dma_semaphore, #tpu.memory_space<semaphore_mem>>)
    %get3A_185 = arith.constant 0 : index
    %get3A_186 = tpu.vector_load %arg5[%get3A_185] {strides = array<i32>} : memref<32xi32, #tpu.memory_space<vmem>>, vector<16xi32>,
    %eq3A_187 = arith.constant 4 : i32
    %eq3A_188 = vector.broadcast %eq3A_187 : i32 to vector<16xi32>
    %eq3A_189 = arith.cmpi eq, %iota3A, %eq3A_188 : vector<16xi32>
    %jit3A_190 = arith.constant 0 : i32
    %broadcast_in_dim3A_191 = vector.broadcast %jit3A_190 : i32 to vector<16xi32>
    %select_n3A_192 = arith.select %eq3A_189, %get3A_186, %broadcast_in_dim3A_191 : vector<16xi1>, vector<16xi32>
    %reduce_sum3A_193 = arith.constant true
    %reduce_sum3A_194 = vector.broadcast %reduce_sum3A_193 : i1 to vector<16xi1>
    %reduce_sum3A_195 = tpu.scan <sum>, %select_n3A_192 masked %reduce_sum3A_194 : vector<16xi32>, vector<16xi1> -> vector<16xi32>
    %reduce_sum3A_196 = vector.extract %reduce_sum3A_195[15] : i32 from vector<16xi32>
    %jit3A_197 = arith.constant 128 : i32
    %div3A_198 = arith.divsi %reduce_sum3A_196, %jit3A_197 : i32
    %sign3A_199 = arith.constant 0 : i32
    %sign3A_200 = arith.cmpi sgt, %reduce_sum3A_196, %sign3A_199 : i32
    %sign3A_201 = arith.extui %sign3A_200 : i1 to i32
    %sign3A_202 = arith.constant 0 : i32
    %sign3A_203 = arith.cmpi slt, %reduce_sum3A_196, %sign3A_202 : i32
    %sign3A_204 = arith.extui %sign3A_203 : i1 to i32
    %sign3A_205 = arith.subi %sign3A_201, %sign3A_204 : i32
    %sign3A_206 = arith.constant 0 : i32
    %sign3A_207 = arith.cmpi sgt, %jit3A_197, %sign3A_206 : i32
    %sign3A_208 = arith.extui %sign3A_207 : i1 to i32
    %sign3A_209 = arith.constant 0 : i32
    %sign3A_210 = arith.cmpi slt, %jit3A_197, %sign3A_209 : i32
    %sign3A_211 = arith.extui %sign3A_210 : i1 to i32
    %sign3A_212 = arith.subi %sign3A_208, %sign3A_211 : i32
    %ne3A_213 = arith.cmpi ne, %sign3A_205, %sign3A_212 : i32
    %rem3A_214 = arith.remsi %reduce_sum3A_196, %jit3A_197 : i32
    %ne3A_215 = arith.constant 0 : i32
    %ne3A_216 = arith.cmpi ne, %rem3A_214, %ne3A_215 : i32
    %and3A_217 = arith.andi %ne3A_213, %ne3A_216 : i1
    %sub3A_218 = arith.constant 1 : i32
    %sub3A_219 = arith.subi %div3A_198, %sub3A_218 : i32
    %select_n3A_220 = arith.select %and3A_217, %sub3A_219, %div3A_198 : i32
    %mul3A_221 = arith.constant 128 : i32
    %mul3A_222 = arith.muli %select_n3A_220, %mul3A_221 : i32
    %multiple_of3A_223 = tpu.assume_multiple %mul3A_222, 128 : i32
    %add3A_224 = arith.constant 4 : i32
    %add3A_225 = arith.addi %mul3A_2, %add3A_224 : i32
    %dma_start3A_226 = arith.constant 4 : i32
    %dma_start3A_227 = arith.constant 0 : i32
    %dma_start3A_228 = tpu.memref_slice %arg6[%dma_start3A_226, %dma_start3A_227] : memref<32x128xf32, #tpu.memory_space<vmem>> -> memref<1x128xf32, #tpu.memory_space<vmem>>
    %dma_start3A_229 = tpu.memref_slice %arg2[%add3A_225, %multiple_of3A_223] : memref<1024x100000xf32, #tpu.memory_space<hbm>> -> memref<1x128xf32, #tpu.memory_space<hbm>>
    %dma_start3A_230 = arith.constant 4 : i32
    %dma_start3A_231 = arith.constant 0 : i32
    %dma_start3A_232 = tpu.memref_slice %arg6[%dma_start3A_230, %dma_start3A_231] : memref<32x128xf32, #tpu.memory_space<vmem>> -> memref<1x128xf32, #tpu.memory_space<vmem>>
    %dma_start3A_233 = tpu.memref_slice %arg2[%add3A_225, %multiple_of3A_223] : memref<1024x100000xf32, #tpu.memory_space<hbm>> -> memref<1x128xf32, #tpu.memory_space<hbm>>
    tpu.enqueue_dma source(%dma_start3A_233 : memref<1x128xf32, #tpu.memory_space<hbm>>) target(%dma_start3A_232 : memref<1x128xf32, #tpu.memory_space<vmem>>) target_semaphore(%arg8 : memref<!tpu.dma_semaphore, #tpu.memory_space<semaphore_mem>>)
    %get3A_234 = arith.constant 0 : index
    %get3A_235 = tpu.vector_load %arg5[%get3A_234] {strides = array<i32>} : memref<32xi32, #tpu.memory_space<vmem>>, vector<16xi32>,
    %eq3A_236 = arith.constant 5 : i32
    %eq3A_237 = vector.broadcast %eq3A_236 : i32 to vector<16xi32>
    %eq3A_238 = arith.cmpi eq, %iota3A, %eq3A_237 : vector<16xi32>
    %jit3A_239 = arith.constant 0 : i32
    %broadcast_in_dim3A_240 = vector.broadcast %jit3A_239 : i32 to vector<16xi32>
    %select_n3A_241 = arith.select %eq3A_238, %get3A_235, %broadcast_in_dim3A_240 : vector<16xi1>, vector<16xi32>
    %reduce_sum3A_242 = arith.constant true
    %reduce_sum3A_243 = vector.broadcast %reduce_sum3A_242 : i1 to vector<16xi1>
    %reduce_sum3A_244 = tpu.scan <sum>, %select_n3A_241 masked %reduce_sum3A_243 : vector<16xi32>, vector<16xi1> -> vector<16xi32>
    %reduce_sum3A_245 = vector.extract %reduce_sum3A_244[15] : i32 from vector<16xi32>
    %jit3A_246 = arith.constant 128 : i32
    %div3A_247 = arith.divsi %reduce_sum3A_245, %jit3A_246 : i32
    %sign3A_248 = arith.constant 0 : i32
    %sign3A_249 = arith.cmpi sgt, %reduce_sum3A_245, %sign3A_248 : i32
    %sign3A_250 = arith.extui %sign3A_249 : i1 to i32
    %sign3A_251 = arith.constant 0 : i32
    %sign3A_252 = arith.cmpi slt, %reduce_sum3A_245, %sign3A_251 : i32
    %sign3A_253 = arith.extui %sign3A_252 : i1 to i32
    %sign3A_254 = arith.subi %sign3A_250, %sign3A_253 : i32
    %sign3A_255 = arith.constant 0 : i32
    %sign3A_256 = arith.cmpi sgt, %jit3A_246, %sign3A_255 : i32
    %sign3A_257 = arith.extui %sign3A_256 : i1 to i32
    %sign3A_258 = arith.constant 0 : i32
    %sign3A_259 = arith.cmpi slt, %jit3A_246, %sign3A_258 : i32
    %sign3A_260 = arith.extui %sign3A_259 : i1 to i32
    %sign3A_261 = arith.subi %sign3A_257, %sign3A_260 : i32
    %ne3A_262 = arith.cmpi ne, %sign3A_254, %sign3A_261 : i32
    %rem3A_263 = arith.remsi %reduce_sum3A_245, %jit3A_246 : i32
    %ne3A_264 = arith.constant 0 : i32
    %ne3A_265 = arith.cmpi ne, %rem3A_263, %ne3A_264 : i32
    %and3A_266 = arith.andi %ne3A_262, %ne3A_265 : i1
    %sub3A_267 = arith.constant 1 : i32
    %sub3A_268 = arith.subi %div3A_247, %sub3A_267 : i32
    %select_n3A_269 = arith.select %and3A_266, %sub3A_268, %div3A_247 : i32
    %mul3A_270 = arith.constant 128 : i32
    %mul3A_271 = arith.muli %select_n3A_269, %mul3A_270 : i32
    %multiple_of3A_272 = tpu.assume_multiple %mul3A_271, 128 : i32
    %add3A_273 = arith.constant 5 : i32
    %add3A_274 = arith.addi %mul3A_2, %add3A_273 : i32
    %dma_start3A_275 = arith.constant 5 : i32
    %dma_start3A_276 = arith.constant 0 : i32
    %dma_start3A_277 = tpu.memref_slice %arg6[%dma_start3A_275, %dma_start3A_276] : memref<32x128xf32, #tpu.memory_space<vmem>> -> memref<1x128xf32, #tpu.memory_space<vmem>>
    %dma_start3A_278 = tpu.memref_slice %arg2[%add3A_274, %multiple_of3A_272] : memref<1024x100000xf32, #tpu.memory_space<hbm>> -> memref<1x128xf32, #tpu.memory_space<hbm>>
    %dma_start3A_279 = arith.constant 5 : i32
    %dma_start3A_280 = arith.constant 0 : i32
    %dma_start3A_281 = tpu.memref_slice %arg6[%dma_start3A_279, %dma_start3A_280] : memref<32x128xf32, #tpu.memory_space<vmem>> -> memref<1x128xf32, #tpu.memory_space<vmem>>
    %dma_start3A_282 = tpu.memref_slice %arg2[%add3A_274, %multiple_of3A_272] : memref<1024x100000xf32, #tpu.memory_space<hbm>> -> memref<1x128xf32, #tpu.memory_space<hbm>>
    tpu.enqueue_dma source(%dma_start3A_282 : memref<1x128xf32, #tpu.memory_space<hbm>>) target(%dma_start3A_281 : memref<1x128xf32, #tpu.memory_space<vmem>>) target_semaphore(%arg8 : memref<!tpu.dma_semaphore, #tpu.memory_space<semaphore_mem>>)
    %get3A_283 = arith.constant 0 : index
    %get3A_284 = tpu.vector_load %arg5[%get3A_283] {strides = array<i32>} : memref<32xi32, #tpu.memory_space<vmem>>, vector<16xi32>,
    %eq3A_285 = arith.constant 6 : i32
    %eq3A_286 = vector.broadcast %eq3A_285 : i32 to vector<16xi32>
    %eq3A_287 = arith.cmpi eq, %iota3A, %eq3A_286 : vector<16xi32>
    %jit3A_288 = arith.constant 0 : i32
    %broadcast_in_dim3A_289 = vector.broadcast %jit3A_288 : i32 to vector<16xi32>
    %select_n3A_290 = arith.select %eq3A_287, %get3A_284, %broadcast_in_dim3A_289 : vector<16xi1>, vector<16xi32>
    %reduce_sum3A_291 = arith.constant true
    %reduce_sum3A_292 = vector.broadcast %reduce_sum3A_291 : i1 to vector<16xi1>
    %reduce_sum3A_293 = tpu.scan <sum>, %select_n3A_290 masked %reduce_sum3A_292 : vector<16xi32>, vector<16xi1> -> vector<16xi32>
    %reduce_sum3A_294 = vector.extract %reduce_sum3A_293[15] : i32 from vector<16xi32>
    %jit3A_295 = arith.constant 128 : i32
    %div3A_296 = arith.divsi %reduce_sum3A_294, %jit3A_295 : i32
    %sign3A_297 = arith.constant 0 : i32
    %sign3A_298 = arith.cmpi sgt, %reduce_sum3A_294, %sign3A_297 : i32
    %sign3A_299 = arith.extui %sign3A_298 : i1 to i32
    %sign3A_300 = arith.constant 0 : i32
    %sign3A_301 = arith.cmpi slt, %reduce_sum3A_294, %sign3A_300 : i32
    %sign3A_302 = arith.extui %sign3A_301 : i1 to i32
    %sign3A_303 = arith.subi %sign3A_299, %sign3A_302 : i32
    %sign3A_304 = arith.constant 0 : i32
    %sign3A_305 = arith.cmpi sgt, %jit3A_295, %sign3A_304 : i32
    %sign3A_306 = arith.extui %sign3A_305 : i1 to i32
    %sign3A_307 = arith.constant 0 : i32
    %sign3A_308 = arith.cmpi slt, %jit3A_295, %sign3A_307 : i32
    %sign3A_309 = arith.extui %sign3A_308 : i1 to i32
    %sign3A_310 = arith.subi %sign3A_306, %sign3A_309 : i32
    %ne3A_311 = arith.cmpi ne, %sign3A_303, %sign3A_310 : i32
    %rem3A_312 = arith.remsi %reduce_sum3A_294, %jit3A_295 : i32
    %ne3A_313 = arith.constant 0 : i32
    %ne3A_314 = arith.cmpi ne, %rem3A_312, %ne3A_313 : i32
    %and3A_315 = arith.andi %ne3A_311, %ne3A_314 : i1
    %sub3A_316 = arith.constant 1 : i32
    %sub3A_317 = arith.subi %div3A_296, %sub3A_316 : i32
    %select_n3A_318 = arith.select %and3A_315, %sub3A_317, %div3A_296 : i32
    %mul3A_319 = arith.constant 128 : i32
    %mul3A_320 = arith.muli %select_n3A_318, %mul3A_319 : i32
    %multiple_of3A_321 = tpu.assume_multiple %mul3A_320, 128 : i32
    %add3A_322 = arith.constant 6 : i32
    %add3A_323 = arith.addi %mul3A_2, %add3A_322 : i32
    %dma_start3A_324 = arith.constant 6 : i32
    %dma_start3A_325 = arith.constant 0 : i32
    %dma_start3A_326 = tpu.memref_slice %arg6[%dma_start3A_324, %dma_start3A_325] : memref<32x128xf32, #tpu.memory_space<vmem>> -> memref<1x128xf32, #tpu.memory_space<vmem>>
    %dma_start3A_327 = tpu.memref_slice %arg2[%add3A_323, %multiple_of3A_321] : memref<1024x100000xf32, #tpu.memory_space<hbm>> -> memref<1x128xf32, #tpu.memory_space<hbm>>
    %dma_start3A_328 = arith.constant 6 : i32
    %dma_start3A_329 = arith.constant 0 : i32
    %dma_start3A_330 = tpu.memref_slice %arg6[%dma_start3A_328, %dma_start3A_329] : memref<32x128xf32, #tpu.memory_space<vmem>> -> memref<1x128xf32, #tpu.memory_space<vmem>>
    %dma_start3A_331 = tpu.memref_slice %arg2[%add3A_323, %multiple_of3A_321] : memref<1024x100000xf32, #tpu.memory_space<hbm>> -> memref<1x128xf32, #tpu.memory_space<hbm>>
    tpu.enqueue_dma source(%dma_start3A_331 : memref<1x128xf32, #tpu.memory_space<hbm>>) target(%dma_start3A_330 : memref<1x128xf32, #tpu.memory_space<vmem>>) target_semaphore(%arg8 : memref<!tpu.dma_semaphore, #tpu.memory_space<semaphore_mem>>)
    %get3A_332 = arith.constant 0 : index
    %get3A_333 = tpu.vector_load %arg5[%get3A_332] {strides = array<i32>} : memref<32xi32, #tpu.memory_space<vmem>>, vector<16xi32>,
    %eq3A_334 = arith.constant 7 : i32
    %eq3A_335 = vector.broadcast %eq3A_334 : i32 to vector<16xi32>
    %eq3A_336 = arith.cmpi eq, %iota3A, %eq3A_335 : vector<16xi32>
    %jit3A_337 = arith.constant 0 : i32
    %broadcast_in_dim3A_338 = vector.broadcast %jit3A_337 : i32 to vector<16xi32>
    %select_n3A_339 = arith.select %eq3A_336, %get3A_333, %broadcast_in_dim3A_338 : vector<16xi1>, vector<16xi32>
    %reduce_sum3A_340 = arith.constant true
    %reduce_sum3A_341 = vector.broadcast %reduce_sum3A_340 : i1 to vector<16xi1>
    %reduce_sum3A_342 = tpu.scan <sum>, %select_n3A_339 masked %reduce_sum3A_341 : vector<16xi32>, vector<16xi1> -> vector<16xi32>
    %reduce_sum3A_343 = vector.extract %reduce_sum3A_342[15] : i32 from vector<16xi32>
    %jit3A_344 = arith.constant 128 : i32
    %div3A_345 = arith.divsi %reduce_sum3A_343, %jit3A_344 : i32
    %sign3A_346 = arith.constant 0 : i32
    %sign3A_347 = arith.cmpi sgt, %reduce_sum3A_343, %sign3A_346 : i32
    %sign3A_348 = arith.extui %sign3A_347 : i1 to i32
    %sign3A_349 = arith.constant 0 : i32
    %sign3A_350 = arith.cmpi slt, %reduce_sum3A_343, %sign3A_349 : i32
    %sign3A_351 = arith.extui %sign3A_350 : i1 to i32
    %sign3A_352 = arith.subi %sign3A_348, %sign3A_351 : i32
    %sign3A_353 = arith.constant 0 : i32
    %sign3A_354 = arith.cmpi sgt, %jit3A_344, %sign3A_353 : i32
    %sign3A_355 = arith.extui %sign3A_354 : i1 to i32
    %sign3A_356 = arith.constant 0 : i32
    %sign3A_357 = arith.cmpi slt, %jit3A_344, %sign3A_356 : i32
    %sign3A_358 = arith.extui %sign3A_357 : i1 to i32
    %sign3A_359 = arith.subi %sign3A_355, %sign3A_358 : i32
    %ne3A_360 = arith.cmpi ne, %sign3A_352, %sign3A_359 : i32
    %rem3A_361 = arith.remsi %reduce_sum3A_343, %jit3A_344 : i32
    %ne3A_362 = arith.constant 0 : i32
    %ne3A_363 = arith.cmpi ne, %rem3A_361, %ne3A_362 : i32
    %and3A_364 = arith.andi %ne3A_360, %ne3A_363 : i1
    %sub3A_365 = arith.constant 1 : i32
    %sub3A_366 = arith.subi %div3A_345, %sub3A_365 : i32
    %select_n3A_367 = arith.select %and3A_364, %sub3A_366, %div3A_345 : i32
    %mul3A_368 = arith.constant 128 : i32
    %mul3A_369 = arith.muli %select_n3A_367, %mul3A_368 : i32
    %multiple_of3A_370 = tpu.assume_multiple %mul3A_369, 128 : i32
    %add3A_371 = arith.constant 7 : i32
    %add3A_372 = arith.addi %mul3A_2, %add3A_371 : i32
    %dma_start3A_373 = arith.constant 7 : i32
    %dma_start3A_374 = arith.constant 0 : i32
    %dma_start3A_375 = tpu.memref_slice %arg6[%dma_start3A_373, %dma_start3A_374] : memref<32x128xf32, #tpu.memory_space<vmem>> -> memref<1x128xf32, #tpu.memory_space<vmem>>
    %dma_start3A_376 = tpu.memref_slice %arg2[%add3A_372, %multiple_of3A_370] : memref<1024x100000xf32, #tpu.memory_space<hbm>> -> memref<1x128xf32, #tpu.memory_space<hbm>>
    %dma_start3A_377 = arith.constant 7 : i32
    %dma_start3A_378 = arith.constant 0 : i32
    %dma_start3A_379 = tpu.memref_slice %arg6[%dma_start3A_377, %dma_start3A_378] : memref<32x128xf32, #tpu.memory_space<vmem>> -> memref<1x128xf32, #tpu.memory_space<vmem>>
    %dma_start3A_380 = tpu.memref_slice %arg2[%add3A_372, %multiple_of3A_370] : memref<1024x100000xf32, #tpu.memory_space<hbm>> -> memref<1x128xf32, #tpu.memory_space<hbm>>
    tpu.enqueue_dma source(%dma_start3A_380 : memref<1x128xf32, #tpu.memory_space<hbm>>) target(%dma_start3A_379 : memref<1x128xf32, #tpu.memory_space<vmem>>) target_semaphore(%arg8 : memref<!tpu.dma_semaphore, #tpu.memory_space<semaphore_mem>>)
    %get3A_381 = arith.constant 0 : index
    %get3A_382 = tpu.vector_load %arg5[%get3A_381] {strides = array<i32>} : memref<32xi32, #tpu.memory_space<vmem>>, vector<16xi32>,
    %eq3A_383 = arith.constant 8 : i32
    %eq3A_384 = vector.broadcast %eq3A_383 : i32 to vector<16xi32>
    %eq3A_385 = arith.cmpi eq, %iota3A, %eq3A_384 : vector<16xi32>
    %jit3A_386 = arith.constant 0 : i32
    %broadcast_in_dim3A_387 = vector.broadcast %jit3A_386 : i32 to vector<16xi32>
    %select_n3A_388 = arith.select %eq3A_385, %get3A_382, %broadcast_in_dim3A_387 : vector<16xi1>, vector<16xi32>
    %reduce_sum3A_389 = arith.constant true
    %reduce_sum3A_390 = vector.broadcast %reduce_sum3A_389 : i1 to vector<16xi1>
    %reduce_sum3A_391 = tpu.scan <sum>, %select_n3A_388 masked %reduce_sum3A_390 : vector<16xi32>, vector<16xi1> -> vector<16xi32>
    %reduce_sum3A_392 = vector.extract %reduce_sum3A_391[15] : i32 from vector<16xi32>
    %jit3A_393 = arith.constant 128 : i32
    %div3A_394 = arith.divsi %reduce_sum3A_392, %jit3A_393 : i32
    %sign3A_395 = arith.constant 0 : i32
    %sign3A_396 = arith.cmpi sgt, %reduce_sum3A_392, %sign3A_395 : i32
    %sign3A_397 = arith.extui %sign3A_396 : i1 to i32
    %sign3A_398 = arith.constant 0 : i32
    %sign3A_399 = arith.cmpi slt, %reduce_sum3A_392, %sign3A_398 : i32
    %sign3A_400 = arith.extui %sign3A_399 : i1 to i32
    %sign3A_401 = arith.subi %sign3A_397, %sign3A_400 : i32
    %sign3A_402 = arith.constant 0 : i32
    %sign3A_403 = arith.cmpi sgt, %jit3A_393, %sign3A_402 : i32
    %sign3A_404 = arith.extui %sign3A_403 : i1 to i32
    %sign3A_405 = arith.constant 0 : i32
    %sign3A_406 = arith.cmpi slt, %jit3A_393, %sign3A_405 : i32
    %sign3A_407 = arith.extui %sign3A_406 : i1 to i32
    %sign3A_408 = arith.subi %sign3A_404, %sign3A_407 : i32
    %ne3A_409 = arith.cmpi ne, %sign3A_401, %sign3A_408 : i32
    %rem3A_410 = arith.remsi %reduce_sum3A_392, %jit3A_393 : i32
    %ne3A_411 = arith.constant 0 : i32
    %ne3A_412 = arith.cmpi ne, %rem3A_410, %ne3A_411 : i32
    %and3A_413 = arith.andi %ne3A_409, %ne3A_412 : i1
    %sub3A_414 = arith.constant 1 : i32
    %sub3A_415 = arith.subi %div3A_394, %sub3A_414 : i32
    %select_n3A_416 = arith.select %and3A_413, %sub3A_415, %div3A_394 : i32
    %mul3A_417 = arith.constant 128 : i32
    %mul3A_418 = arith.muli %select_n3A_416, %mul3A_417 : i32
    %multiple_of3A_419 = tpu.assume_multiple %mul3A_418, 128 : i32
    %add3A_420 = arith.constant 8 : i32
    %add3A_421 = arith.addi %mul3A_2, %add3A_420 : i32
    %dma_start3A_422 = arith.constant 8 : i32
    %dma_start3A_423 = arith.constant 0 : i32
    %dma_start3A_424 = tpu.memref_slice %arg6[%dma_start3A_422, %dma_start3A_423] : memref<32x128xf32, #tpu.memory_space<vmem>> -> memref<1x128xf32, #tpu.memory_space<vmem>>
    %dma_start3A_425 = tpu.memref_slice %arg2[%add3A_421, %multiple_of3A_419] : memref<1024x100000xf32, #tpu.memory_space<hbm>> -> memref<1x128xf32, #tpu.memory_space<hbm>>
    %dma_start3A_426 = arith.constant 8 : i32
    %dma_start3A_427 = arith.constant 0 : i32
    %dma_start3A_428 = tpu.memref_slice %arg6[%dma_start3A_426, %dma_start3A_427] : memref<32x128xf32, #tpu.memory_space<vmem>> -> memref<1x128xf32, #tpu.memory_space<vmem>>
    %dma_start3A_429 = tpu.memref_slice %arg2[%add3A_421, %multiple_of3A_419] : memref<1024x100000xf32, #tpu.memory_space<hbm>> -> memref<1x128xf32, #tpu.memory_space<hbm>>
    tpu.enqueue_dma source(%dma_start3A_429 : memref<1x128xf32, #tpu.memory_space<hbm>>) target(%dma_start3A_428 : memref<1x128xf32, #tpu.memory_space<vmem>>) target_semaphore(%arg8 : memref<!tpu.dma_semaphore, #tpu.memory_space<semaphore_mem>>)
    %get3A_430 = arith.constant 0 : index
    %get3A_431 = tpu.vector_load %arg5[%get3A_430] {strides = array<i32>} : memref<32xi32, #tpu.memory_space<vmem>>, vector<16xi32>,
    %eq3A_432 = arith.constant 9 : i32
    %eq3A_433 = vector.broadcast %eq3A_432 : i32 to vector<16xi32>
    %eq3A_434 = arith.cmpi eq, %iota3A, %eq3A_433 : vector<16xi32>
    %jit3A_435 = arith.constant 0 : i32
    %broadcast_in_dim3A_436 = vector.broadcast %jit3A_435 : i32 to vector<16xi32>
    %select_n3A_437 = arith.select %eq3A_434, %get3A_431, %broadcast_in_dim3A_436 : vector<16xi1>, vector<16xi32>
    %reduce_sum3A_438 = arith.constant true
    %reduce_sum3A_439 = vector.broadcast %reduce_sum3A_438 : i1 to vector<16xi1>
    %reduce_sum3A_440 = tpu.scan <sum>, %select_n3A_437 masked %reduce_sum3A_439 : vector<16xi32>, vector<16xi1> -> vector<16xi32>
    %reduce_sum3A_441 = vector.extract %reduce_sum3A_440[15] : i32 from vector<16xi32>
    %jit3A_442 = arith.constant 128 : i32
    %div3A_443 = arith.divsi %reduce_sum3A_441, %jit3A_442 : i32
    %sign3A_444 = arith.constant 0 : i32
    %sign3A_445 = arith.cmpi sgt, %reduce_sum3A_441, %sign3A_444 : i32
    %sign3A_446 = arith.extui %sign3A_445 : i1 to i32
    %sign3A_447 = arith.constant 0 : i32
    %sign3A_448 = arith.cmpi slt, %reduce_sum3A_441, %sign3A_447 : i32
    %sign3A_449 = arith.extui %sign3A_448 : i1 to i32
    %sign3A_450 = arith.subi %sign3A_446, %sign3A_449 : i32
    %sign3A_451 = arith.constant 0 : i32
    %sign3A_452 = arith.cmpi sgt, %jit3A_442, %sign3A_451 : i32
    %sign3A_453 = arith.extui %sign3A_452 : i1 to i32
    %sign3A_454 = arith.constant 0 : i32
    %sign3A_455 = arith.cmpi slt, %jit3A_442, %sign3A_454 : i32
    %sign3A_456 = arith.extui %sign3A_455 : i1 to i32
    %sign3A_457 = arith.subi %sign3A_453, %sign3A_456 : i32
    %ne3A_458 = arith.cmpi ne, %sign3A_450, %sign3A_457 : i32
    %rem3A_459 = arith.remsi %reduce_sum3A_441, %jit3A_442 : i32
    %ne3A_460 = arith.constant 0 : i32
    %ne3A_461 = arith.cmpi ne, %rem3A_459, %ne3A_460 : i32
    %and3A_462 = arith.andi %ne3A_458, %ne3A_461 : i1
    %sub3A_463 = arith.constant 1 : i32
    %sub3A_464 = arith.subi %div3A_443, %sub3A_463 : i32
    %select_n3A_465 = arith.select %and3A_462, %sub3A_464, %div3A_443 : i32
    %mul3A_466 = arith.constant 128 : i32
    %mul3A_467 = arith.muli %select_n3A_465, %mul3A_466 : i32
    %multiple_of3A_468 = tpu.assume_multiple %mul3A_467, 128 : i32
    %add3A_469 = arith.constant 9 : i32
    %add3A_470 = arith.addi %mul3A_2, %add3A_469 : i32
    %dma_start3A_471 = arith.constant 9 : i32
    %dma_start3A_472 = arith.constant 0 : i32
    %dma_start3A_473 = tpu.memref_slice %arg6[%dma_start3A_471, %dma_start3A_472] : memref<32x128xf32, #tpu.memory_space<vmem>> -> memref<1x128xf32, #tpu.memory_space<vmem>>
    %dma_start3A_474 = tpu.memref_slice %arg2[%add3A_470, %multiple_of3A_468] : memref<1024x100000xf32, #tpu.memory_space<hbm>> -> memref<1x128xf32, #tpu.memory_space<hbm>>
    %dma_start3A_475 = arith.constant 9 : i32
    %dma_start3A_476 = arith.constant 0 : i32
    %dma_start3A_477 = tpu.memref_slice %arg6[%dma_start3A_475, %dma_start3A_476] : memref<32x128xf32, #tpu.memory_space<vmem>> -> memref<1x128xf32, #tpu.memory_space<vmem>>
    %dma_start3A_478 = tpu.memref_slice %arg2[%add3A_470, %multiple_of3A_468] : memref<1024x100000xf32, #tpu.memory_space<hbm>> -> memref<1x128xf32, #tpu.memory_space<hbm>>
    tpu.enqueue_dma source(%dma_start3A_478 : memref<1x128xf32, #tpu.memory_space<hbm>>) target(%dma_start3A_477 : memref<1x128xf32, #tpu.memory_space<vmem>>) target_semaphore(%arg8 : memref<!tpu.dma_semaphore, #tpu.memory_space<semaphore_mem>>)
    %get3A_479 = arith.constant 0 : index
    %get3A_480 = tpu.vector_load %arg5[%get3A_479] {strides = array<i32>} : memref<32xi32, #tpu.memory_space<vmem>>, vector<16xi32>,
    %eq3A_481 = arith.constant 10 : i32
    %eq3A_482 = vector.broadcast %eq3A_481 : i32 to vector<16xi32>
    %eq3A_483 = arith.cmpi eq, %iota3A, %eq3A_482 : vector<16xi32>
    %jit3A_484 = arith.constant 0 : i32
    %broadcast_in_dim3A_485 = vector.broadcast %jit3A_484 : i32 to vector<16xi32>
    %select_n3A_486 = arith.select %eq3A_483, %get3A_480, %broadcast_in_dim3A_485 : vector<16xi1>, vector<16xi32>
    %reduce_sum3A_487 = arith.constant true
    %reduce_sum3A_488 = vector.broadcast %reduce_sum3A_487 : i1 to vector<16xi1>
    %reduce_sum3A_489 = tpu.scan <sum>, %select_n3A_486 masked %reduce_sum3A_488 : vector<16xi32>, vector<16xi1> -> vector<16xi32>
    %reduce_sum3A_490 = vector.extract %reduce_sum3A_489[15] : i32 from vector<16xi32>
    %jit3A_491 = arith.constant 128 : i32
    %div3A_492 = arith.divsi %reduce_sum3A_490, %jit3A_491 : i32
    %sign3A_493 = arith.constant 0 : i32
    %sign3A_494 = arith.cmpi sgt, %reduce_sum3A_490, %sign3A_493 : i32
    %sign3A_495 = arith.extui %sign3A_494 : i1 to i32
    %sign3A_496 = arith.constant 0 : i32
    %sign3A_497 = arith.cmpi slt, %reduce_sum3A_490, %sign3A_496 : i32
    %sign3A_498 = arith.extui %sign3A_497 : i1 to i32
    %sign3A_499 = arith.subi %sign3A_495, %sign3A_498 : i32
    %sign3A_500 = arith.constant 0 : i32
    %sign3A_501 = arith.cmpi sgt, %jit3A_491, %sign3A_500 : i32
    %sign3A_502 = arith.extui %sign3A_501 : i1 to i32
    %sign3A_503 = arith.constant 0 : i32
    %sign3A_504 = arith.cmpi slt, %jit3A_491, %sign3A_503 : i32
    %sign3A_505 = arith.extui %sign3A_504 : i1 to i32
    %sign3A_506 = arith.subi %sign3A_502, %sign3A_505 : i32
    %ne3A_507 = arith.cmpi ne, %sign3A_499, %sign3A_506 : i32
    %rem3A_508 = arith.remsi %reduce_sum3A_490, %jit3A_491 : i32
    %ne3A_509 = arith.constant 0 : i32
    %ne3A_510 = arith.cmpi ne, %rem3A_508, %ne3A_509 : i32
    %and3A_511 = arith.andi %ne3A_507, %ne3A_510 : i1
    %sub3A_512 = arith.constant 1 : i32
    %sub3A_513 = arith.subi %div3A_492, %sub3A_512 : i32
    %select_n3A_514 = arith.select %and3A_511, %sub3A_513, %div3A_492 : i32
    %mul3A_515 = arith.constant 128 : i32
    %mul3A_516 = arith.muli %select_n3A_514, %mul3A_515 : i32
    %multiple_of3A_517 = tpu.assume_multiple %mul3A_516, 128 : i32
    %add3A_518 = arith.constant 10 : i32
    %add3A_519 = arith.addi %mul3A_2, %add3A_518 : i32
    %dma_start3A_520 = arith.constant 10 : i32
    %dma_start3A_521 = arith.constant 0 : i32
    %dma_start3A_522 = tpu.memref_slice %arg6[%dma_start3A_520, %dma_start3A_521] : memref<32x128xf32, #tpu.memory_space<vmem>> -> memref<1x128xf32, #tpu.memory_space<vmem>>
    %dma_start3A_523 = tpu.memref_slice %arg2[%add3A_519, %multiple_of3A_517] : memref<1024x100000xf32, #tpu.memory_space<hbm>> -> memref<1x128xf32, #tpu.memory_space<hbm>>
    %dma_start3A_524 = arith.constant 10 : i32
    %dma_start3A_525 = arith.constant 0 : i32
    %dma_start3A_526 = tpu.memref_slice %arg6[%dma_start3A_524, %dma_start3A_525] : memref<32x128xf32, #tpu.memory_space<vmem>> -> memref<1x128xf32, #tpu.memory_space<vmem>>
    %dma_start3A_527 = tpu.memref_slice %arg2[%add3A_519, %multiple_of3A_517] : memref<1024x100000xf32, #tpu.memory_space<hbm>> -> memref<1x128xf32, #tpu.memory_space<hbm>>
    tpu.enqueue_dma source(%dma_start3A_527 : memref<1x128xf32, #tpu.memory_space<hbm>>) target(%dma_start3A_526 : memref<1x128xf32, #tpu.memory_space<vmem>>) target_semaphore(%arg8 : memref<!tpu.dma_semaphore, #tpu.memory_space<semaphore_mem>>)
    %get3A_528 = arith.constant 0 : index
    %get3A_529 = tpu.vector_load %arg5[%get3A_528] {strides = array<i32>} : memref<32xi32, #tpu.memory_space<vmem>>, vector<16xi32>,
    %eq3A_530 = arith.constant 11 : i32
    %eq3A_531 = vector.broadcast %eq3A_530 : i32 to vector<16xi32>
    %eq3A_532 = arith.cmpi eq, %iota3A, %eq3A_531 : vector<16xi32>
    %jit3A_533 = arith.constant 0 : i32
    %broadcast_in_dim3A_534 = vector.broadcast %jit3A_533 : i32 to vector<16xi32>
    %select_n3A_535 = arith.select %eq3A_532, %get3A_529, %broadcast_in_dim3A_534 : vector<16xi1>, vector<16xi32>
    %reduce_sum3A_536 = arith.constant true
    %reduce_sum3A_537 = vector.broadcast %reduce_sum3A_536 : i1 to vector<16xi1>
    %reduce_sum3A_538 = tpu.scan <sum>, %select_n3A_535 masked %reduce_sum3A_537 : vector<16xi32>, vector<16xi1> -> vector<16xi32>
    %reduce_sum3A_539 = vector.extract %reduce_sum3A_538[15] : i32 from vector<16xi32>
    %jit3A_540 = arith.constant 128 : i32
    %div3A_541 = arith.divsi %reduce_sum3A_539, %jit3A_540 : i32
    %sign3A_542 = arith.constant 0 : i32
    %sign3A_543 = arith.cmpi sgt, %reduce_sum3A_539, %sign3A_542 : i32
    %sign3A_544 = arith.extui %sign3A_543 : i1 to i32
    %sign3A_545 = arith.constant 0 : i32
    %sign3A_546 = arith.cmpi slt, %reduce_sum3A_539, %sign3A_545 : i32
    %sign3A_547 = arith.extui %sign3A_546 : i1 to i32
    %sign3A_548 = arith.subi %sign3A_544, %sign3A_547 : i32
    %sign3A_549 = arith.constant 0 : i32
    %sign3A_550 = arith.cmpi sgt, %jit3A_540, %sign3A_549 : i32
    %sign3A_551 = arith.extui %sign3A_550 : i1 to i32
    %sign3A_552 = arith.constant 0 : i32
    %sign3A_553 = arith.cmpi slt, %jit3A_540, %sign3A_552 : i32
    %sign3A_554 = arith.extui %sign3A_553 : i1 to i32
    %sign3A_555 = arith.subi %sign3A_551, %sign3A_554 : i32
    %ne3A_556 = arith.cmpi ne, %sign3A_548, %sign3A_555 : i32
    %rem3A_557 = arith.remsi %reduce_sum3A_539, %jit3A_540 : i32
    %ne3A_558 = arith.constant 0 : i32
    %ne3A_559 = arith.cmpi ne, %rem3A_557, %ne3A_558 : i32
    %and3A_560 = arith.andi %ne3A_556, %ne3A_559 : i1
    %sub3A_561 = arith.constant 1 : i32
    %sub3A_562 = arith.subi %div3A_541, %sub3A_561 : i32
    %select_n3A_563 = arith.select %and3A_560, %sub3A_562, %div3A_541 : i32
    %mul3A_564 = arith.constant 128 : i32
    %mul3A_565 = arith.muli %select_n3A_563, %mul3A_564 : i32
    %multiple_of3A_566 = tpu.assume_multiple %mul3A_565, 128 : i32
    %add3A_567 = arith.constant 11 : i32
    %add3A_568 = arith.addi %mul3A_2, %add3A_567 : i32
    %dma_start3A_569 = arith.constant 11 : i32
    %dma_start3A_570 = arith.constant 0 : i32
    %dma_start3A_571 = tpu.memref_slice %arg6[%dma_start3A_569, %dma_start3A_570] : memref<32x128xf32, #tpu.memory_space<vmem>> -> memref<1x128xf32, #tpu.memory_space<vmem>>
    %dma_start3A_572 = tpu.memref_slice %arg2[%add3A_568, %multiple_of3A_566] : memref<1024x100000xf32, #tpu.memory_space<hbm>> -> memref<1x128xf32, #tpu.memory_space<hbm>>
    %dma_start3A_573 = arith.constant 11 : i32
    %dma_start3A_574 = arith.constant 0 : i32
    %dma_start3A_575 = tpu.memref_slice %arg6[%dma_start3A_573, %dma_start3A_574] : memref<32x128xf32, #tpu.memory_space<vmem>> -> memref<1x128xf32, #tpu.memory_space<vmem>>
    %dma_start3A_576 = tpu.memref_slice %arg2[%add3A_568, %multiple_of3A_566] : memref<1024x100000xf32, #tpu.memory_space<hbm>> -> memref<1x128xf32, #tpu.memory_space<hbm>>
    tpu.enqueue_dma source(%dma_start3A_576 : memref<1x128xf32, #tpu.memory_space<hbm>>) target(%dma_start3A_575 : memref<1x128xf32, #tpu.memory_space<vmem>>) target_semaphore(%arg8 : memref<!tpu.dma_semaphore, #tpu.memory_space<semaphore_mem>>)
    %get3A_577 = arith.constant 0 : index
    %get3A_578 = tpu.vector_load %arg5[%get3A_577] {strides = array<i32>} : memref<32xi32, #tpu.memory_space<vmem>>, vector<16xi32>,
    %eq3A_579 = arith.constant 12 : i32
    %eq3A_580 = vector.broadcast %eq3A_579 : i32 to vector<16xi32>
    %eq3A_581 = arith.cmpi eq, %iota3A, %eq3A_580 : vector<16xi32>
    %jit3A_582 = arith.constant 0 : i32
    %broadcast_in_dim3A_583 = vector.broadcast %jit3A_582 : i32 to vector<16xi32>
    %select_n3A_584 = arith.select %eq3A_581, %get3A_578, %broadcast_in_dim3A_583 : vector<16xi1>, vector<16xi32>
    %reduce_sum3A_585 = arith.constant true
    %reduce_sum3A_586 = vector.broadcast %reduce_sum3A_585 : i1 to vector<16xi1>
    %reduce_sum3A_587 = tpu.scan <sum>, %select_n3A_584 masked %reduce_sum3A_586 : vector<16xi32>, vector<16xi1> -> vector<16xi32>
    %reduce_sum3A_588 = vector.extract %reduce_sum3A_587[15] : i32 from vector<16xi32>
    %jit3A_589 = arith.constant 128 : i32
    %div3A_590 = arith.divsi %reduce_sum3A_588, %jit3A_589 : i32
    %sign3A_591 = arith.constant 0 : i32
    %sign3A_592 = arith.cmpi sgt, %reduce_sum3A_588, %sign3A_591 : i32
    %sign3A_593 = arith.extui %sign3A_592 : i1 to i32
    %sign3A_594 = arith.constant 0 : i32
    %sign3A_595 = arith.cmpi slt, %reduce_sum3A_588, %sign3A_594 : i32
    %sign3A_596 = arith.extui %sign3A_595 : i1 to i32
    %sign3A_597 = arith.subi %sign3A_593, %sign3A_596 : i32
    %sign3A_598 = arith.constant 0 : i32
    %sign3A_599 = arith.cmpi sgt, %jit3A_589, %sign3A_598 : i32
    %sign3A_600 = arith.extui %sign3A_599 : i1 to i32
    %sign3A_601 = arith.constant 0 : i32
    %sign3A_602 = arith.cmpi slt, %jit3A_589, %sign3A_601 : i32
    %sign3A_603 = arith.extui %sign3A_602 : i1 to i32
    %sign3A_604 = arith.subi %sign3A_600, %sign3A_603 : i32
    %ne3A_605 = arith.cmpi ne, %sign3A_597, %sign3A_604 : i32
    %rem3A_606 = arith.remsi %reduce_sum3A_588, %jit3A_589 : i32
    %ne3A_607 = arith.constant 0 : i32
    %ne3A_608 = arith.cmpi ne, %rem3A_606, %ne3A_607 : i32
    %and3A_609 = arith.andi %ne3A_605, %ne3A_608 : i1
    %sub3A_610 = arith.constant 1 : i32
    %sub3A_611 = arith.subi %div3A_590, %sub3A_610 : i32
    %select_n3A_612 = arith.select %and3A_609, %sub3A_611, %div3A_590 : i32
    %mul3A_613 = arith.constant 128 : i32
    %mul3A_614 = arith.muli %select_n3A_612, %mul3A_613 : i32
    %multiple_of3A_615 = tpu.assume_multiple %mul3A_614, 128 : i32
    %add3A_616 = arith.constant 12 : i32
    %add3A_617 = arith.addi %mul3A_2, %add3A_616 : i32
    %dma_start3A_618 = arith.constant 12 : i32
    %dma_start3A_619 = arith.constant 0 : i32
    %dma_start3A_620 = tpu.memref_slice %arg6[%dma_start3A_618, %dma_start3A_619] : memref<32x128xf32, #tpu.memory_space<vmem>> -> memref<1x128xf32, #tpu.memory_space<vmem>>
    %dma_start3A_621 = tpu.memref_slice %arg2[%add3A_617, %multiple_of3A_615] : memref<1024x100000xf32, #tpu.memory_space<hbm>> -> memref<1x128xf32, #tpu.memory_space<hbm>>
    %dma_start3A_622 = arith.constant 12 : i32
    %dma_start3A_623 = arith.constant 0 : i32
    %dma_start3A_624 = tpu.memref_slice %arg6[%dma_start3A_622, %dma_start3A_623] : memref<32x128xf32, #tpu.memory_space<vmem>> -> memref<1x128xf32, #tpu.memory_space<vmem>>
    %dma_start3A_625 = tpu.memref_slice %arg2[%add3A_617, %multiple_of3A_615] : memref<1024x100000xf32, #tpu.memory_space<hbm>> -> memref<1x128xf32, #tpu.memory_space<hbm>>
    tpu.enqueue_dma source(%dma_start3A_625 : memref<1x128xf32, #tpu.memory_space<hbm>>) target(%dma_start3A_624 : memref<1x128xf32, #tpu.memory_space<vmem>>) target_semaphore(%arg8 : memref<!tpu.dma_semaphore, #tpu.memory_space<semaphore_mem>>)
    %get3A_626 = arith.constant 0 : index
    %get3A_627 = tpu.vector_load %arg5[%get3A_626] {strides = array<i32>} : memref<32xi32, #tpu.memory_space<vmem>>, vector<16xi32>,
    %eq3A_628 = arith.constant 13 : i32
    %eq3A_629 = vector.broadcast %eq3A_628 : i32 to vector<16xi32>
    %eq3A_630 = arith.cmpi eq, %iota3A, %eq3A_629 : vector<16xi32>
    %jit3A_631 = arith.constant 0 : i32
    %broadcast_in_dim3A_632 = vector.broadcast %jit3A_631 : i32 to vector<16xi32>
    %select_n3A_633 = arith.select %eq3A_630, %get3A_627, %broadcast_in_dim3A_632 : vector<16xi1>, vector<16xi32>
    %reduce_sum3A_634 = arith.constant true
    %reduce_sum3A_635 = vector.broadcast %reduce_sum3A_634 : i1 to vector<16xi1>
    %reduce_sum3A_636 = tpu.scan <sum>, %select_n3A_633 masked %reduce_sum3A_635 : vector<16xi32>, vector<16xi1> -> vector<16xi32>
    %reduce_sum3A_637 = vector.extract %reduce_sum3A_636[15] : i32 from vector<16xi32>
    %jit3A_638 = arith.constant 128 : i32
    %div3A_639 = arith.divsi %reduce_sum3A_637, %jit3A_638 : i32
    %sign3A_640 = arith.constant 0 : i32
    %sign3A_641 = arith.cmpi sgt, %reduce_sum3A_637, %sign3A_640 : i32
    %sign3A_642 = arith.extui %sign3A_641 : i1 to i32
    %sign3A_643 = arith.constant 0 : i32
    %sign3A_644 = arith.cmpi slt, %reduce_sum3A_637, %sign3A_643 : i32
    %sign3A_645 = arith.extui %sign3A_644 : i1 to i32
    %sign3A_646 = arith.subi %sign3A_642, %sign3A_645 : i32
    %sign3A_647 = arith.constant 0 : i32
    %sign3A_648 = arith.cmpi sgt, %jit3A_638, %sign3A_647 : i32
    %sign3A_649 = arith.extui %sign3A_648 : i1 to i32
    %sign3A_650 = arith.constant 0 : i32
    %sign3A_651 = arith.cmpi slt, %jit3A_638, %sign3A_650 : i32
    %sign3A_652 = arith.extui %sign3A_651 : i1 to i32
    %sign3A_653 = arith.subi %sign3A_649, %sign3A_652 : i32
    %ne3A_654 = arith.cmpi ne, %sign3A_646, %sign3A_653 : i32
    %rem3A_655 = arith.remsi %reduce_sum3A_637, %jit3A_638 : i32
    %ne3A_656 = arith.constant 0 : i32
    %ne3A_657 = arith.cmpi ne, %rem3A_655, %ne3A_656 : i32
    %and3A_658 = arith.andi %ne3A_654, %ne3A_657 : i1
    %sub3A_659 = arith.constant 1 : i32
    %sub3A_660 = arith.subi %div3A_639, %sub3A_659 : i32
    %select_n3A_661 = arith.select %and3A_658, %sub3A_660, %div3A_639 : i32
    %mul3A_662 = arith.constant 128 : i32
    %mul3A_663 = arith.muli %select_n3A_661, %mul3A_662 : i32
    %multiple_of3A_664 = tpu.assume_multiple %mul3A_663, 128 : i32
    %add3A_665 = arith.constant 13 : i32
    %add3A_666 = arith.addi %mul3A_2, %add3A_665 : i32
    %dma_start3A_667 = arith.constant 13 : i32
    %dma_start3A_668 = arith.constant 0 : i32
    %dma_start3A_669 = tpu.memref_slice %arg6[%dma_start3A_667, %dma_start3A_668] : memref<32x128xf32, #tpu.memory_space<vmem>> -> memref<1x128xf32, #tpu.memory_space<vmem>>
    %dma_start3A_670 = tpu.memref_slice %arg2[%add3A_666, %multiple_of3A_664] : memref<1024x100000xf32, #tpu.memory_space<hbm>> -> memref<1x128xf32, #tpu.memory_space<hbm>>
    %dma_start3A_671 = arith.constant 13 : i32
    %dma_start3A_672 = arith.constant 0 : i32
    %dma_start3A_673 = tpu.memref_slice %arg6[%dma_start3A_671, %dma_start3A_672] : memref<32x128xf32, #tpu.memory_space<vmem>> -> memref<1x128xf32, #tpu.memory_space<vmem>>
    %dma_start3A_674 = tpu.memref_slice %arg2[%add3A_666, %multiple_of3A_664] : memref<1024x100000xf32, #tpu.memory_space<hbm>> -> memref<1x128xf32, #tpu.memory_space<hbm>>
    tpu.enqueue_dma source(%dma_start3A_674 : memref<1x128xf32, #tpu.memory_space<hbm>>) target(%dma_start3A_673 : memref<1x128xf32, #tpu.memory_space<vmem>>) target_semaphore(%arg8 : memref<!tpu.dma_semaphore, #tpu.memory_space<semaphore_mem>>)
    %get3A_675 = arith.constant 0 : index
    %get3A_676 = tpu.vector_load %arg5[%get3A_675] {strides = array<i32>} : memref<32xi32, #tpu.memory_space<vmem>>, vector<16xi32>,
    %eq3A_677 = arith.constant 14 : i32
    %eq3A_678 = vector.broadcast %eq3A_677 : i32 to vector<16xi32>
    %eq3A_679 = arith.cmpi eq, %iota3A, %eq3A_678 : vector<16xi32>
    %jit3A_680 = arith.constant 0 : i32
    %broadcast_in_dim3A_681 = vector.broadcast %jit3A_680 : i32 to vector<16xi32>
    %select_n3A_682 = arith.select %eq3A_679, %get3A_676, %broadcast_in_dim3A_681 : vector<16xi1>, vector<16xi32>
    %reduce_sum3A_683 = arith.constant true
    %reduce_sum3A_684 = vector.broadcast %reduce_sum3A_683 : i1 to vector<16xi1>
    %reduce_sum3A_685 = tpu.scan <sum>, %select_n3A_682 masked %reduce_sum3A_684 : vector<16xi32>, vector<16xi1> -> vector<16xi32>
    %reduce_sum3A_686 = vector.extract %reduce_sum3A_685[15] : i32 from vector<16xi32>
    %jit3A_687 = arith.constant 128 : i32
    %div3A_688 = arith.divsi %reduce_sum3A_686, %jit3A_687 : i32
    %sign3A_689 = arith.constant 0 : i32
    %sign3A_690 = arith.cmpi sgt, %reduce_sum3A_686, %sign3A_689 : i32
    %sign3A_691 = arith.extui %sign3A_690 : i1 to i32
    %sign3A_692 = arith.constant 0 : i32
    %sign3A_693 = arith.cmpi slt, %reduce_sum3A_686, %sign3A_692 : i32
    %sign3A_694 = arith.extui %sign3A_693 : i1 to i32
    %sign3A_695 = arith.subi %sign3A_691, %sign3A_694 : i32
    %sign3A_696 = arith.constant 0 : i32
    %sign3A_697 = arith.cmpi sgt, %jit3A_687, %sign3A_696 : i32
    %sign3A_698 = arith.extui %sign3A_697 : i1 to i32
    %sign3A_699 = arith.constant 0 : i32
    %sign3A_700 = arith.cmpi slt, %jit3A_687, %sign3A_699 : i32
    %sign3A_701 = arith.extui %sign3A_700 : i1 to i32
    %sign3A_702 = arith.subi %sign3A_698, %sign3A_701 : i32
    %ne3A_703 = arith.cmpi ne, %sign3A_695, %sign3A_702 : i32
    %rem3A_704 = arith.remsi %reduce_sum3A_686, %jit3A_687 : i32
    %ne3A_705 = arith.constant 0 : i32
    %ne3A_706 = arith.cmpi ne, %rem3A_704, %ne3A_705 : i32
    %and3A_707 = arith.andi %ne3A_703, %ne3A_706 : i1
    %sub3A_708 = arith.constant 1 : i32
    %sub3A_709 = arith.subi %div3A_688, %sub3A_708 : i32
    %select_n3A_710 = arith.select %and3A_707, %sub3A_709, %div3A_688 : i32
    %mul3A_711 = arith.constant 128 : i32
    %mul3A_712 = arith.muli %select_n3A_710, %mul3A_711 : i32
    %multiple_of3A_713 = tpu.assume_multiple %mul3A_712, 128 : i32
    %add3A_714 = arith.constant 14 : i32
    %add3A_715 = arith.addi %mul3A_2, %add3A_714 : i32
    %dma_start3A_716 = arith.constant 14 : i32
    %dma_start3A_717 = arith.constant 0 : i32
    %dma_start3A_718 = tpu.memref_slice %arg6[%dma_start3A_716, %dma_start3A_717] : memref<32x128xf32, #tpu.memory_space<vmem>> -> memref<1x128xf32, #tpu.memory_space<vmem>>
    %dma_start3A_719 = tpu.memref_slice %arg2[%add3A_715, %multiple_of3A_713] : memref<1024x100000xf32, #tpu.memory_space<hbm>> -> memref<1x128xf32, #tpu.memory_space<hbm>>
    %dma_start3A_720 = arith.constant 14 : i32
    %dma_start3A_721 = arith.constant 0 : i32
    %dma_start3A_722 = tpu.memref_slice %arg6[%dma_start3A_720, %dma_start3A_721] : memref<32x128xf32, #tpu.memory_space<vmem>> -> memref<1x128xf32, #tpu.memory_space<vmem>>
    %dma_start3A_723 = tpu.memref_slice %arg2[%add3A_715, %multiple_of3A_713] : memref<1024x100000xf32, #tpu.memory_space<hbm>> -> memref<1x128xf32, #tpu.memory_space<hbm>>
    tpu.enqueue_dma source(%dma_start3A_723 : memref<1x128xf32, #tpu.memory_space<hbm>>) target(%dma_start3A_722 : memref<1x128xf32, #tpu.memory_space<vmem>>) target_semaphore(%arg8 : memref<!tpu.dma_semaphore, #tpu.memory_space<semaphore_mem>>)
    %get3A_724 = arith.constant 0 : index
    %get3A_725 = tpu.vector_load %arg5[%get3A_724] {strides = array<i32>} : memref<32xi32, #tpu.memory_space<vmem>>, vector<16xi32>,
    %eq3A_726 = arith.constant 15 : i32
    %eq3A_727 = vector.broadcast %eq3A_726 : i32 to vector<16xi32>
    %eq3A_728 = arith.cmpi eq, %iota3A, %eq3A_727 : vector<16xi32>
    %jit3A_729 = arith.constant 0 : i32
    %broadcast_in_dim3A_730 = vector.broadcast %jit3A_729 : i32 to vector<16xi32>
    %select_n3A_731 = arith.select %eq3A_728, %get3A_725, %broadcast_in_dim3A_730 : vector<16xi1>, vector<16xi32>
    %reduce_sum3A_732 = arith.constant true
    %reduce_sum3A_733 = vector.broadcast %reduce_sum3A_732 : i1 to vector<16xi1>
    %reduce_sum3A_734 = tpu.scan <sum>, %select_n3A_731 masked %reduce_sum3A_733 : vector<16xi32>, vector<16xi1> -> vector<16xi32>
    %reduce_sum3A_735 = vector.extract %reduce_sum3A_734[15] : i32 from vector<16xi32>
    %jit3A_736 = arith.constant 128 : i32
    %div3A_737 = arith.divsi %reduce_sum3A_735, %jit3A_736 : i32
    %sign3A_738 = arith.constant 0 : i32
    %sign3A_739 = arith.cmpi sgt, %reduce_sum3A_735, %sign3A_738 : i32
    %sign3A_740 = arith.extui %sign3A_739 : i1 to i32
    %sign3A_741 = arith.constant 0 : i32
    %sign3A_742 = arith.cmpi slt, %reduce_sum3A_735, %sign3A_741 : i32
    %sign3A_743 = arith.extui %sign3A_742 : i1 to i32
    %sign3A_744 = arith.subi %sign3A_740, %sign3A_743 : i32
    %sign3A_745 = arith.constant 0 : i32
    %sign3A_746 = arith.cmpi sgt, %jit3A_736, %sign3A_745 : i32
    %sign3A_747 = arith.extui %sign3A_746 : i1 to i32
    %sign3A_748 = arith.constant 0 : i32
    %sign3A_749 = arith.cmpi slt, %jit3A_736, %sign3A_748 : i32
    %sign3A_750 = arith.extui %sign3A_749 : i1 to i32
    %sign3A_751 = arith.subi %sign3A_747, %sign3A_750 : i32
    %ne3A_752 = arith.cmpi ne, %sign3A_744, %sign3A_751 : i32
    %rem3A_753 = arith.remsi %reduce_sum3A_735, %jit3A_736 : i32
    %ne3A_754 = arith.constant 0 : i32
    %ne3A_755 = arith.cmpi ne, %rem3A_753, %ne3A_754 : i32
    %and3A_756 = arith.andi %ne3A_752, %ne3A_755 : i1
    %sub3A_757 = arith.constant 1 : i32
    %sub3A_758 = arith.subi %div3A_737, %sub3A_757 : i32
    %select_n3A_759 = arith.select %and3A_756, %sub3A_758, %div3A_737 : i32
    %mul3A_760 = arith.constant 128 : i32
    %mul3A_761 = arith.muli %select_n3A_759, %mul3A_760 : i32
    %multiple_of3A_762 = tpu.assume_multiple %mul3A_761, 128 : i32
    %add3A_763 = arith.constant 15 : i32
    %add3A_764 = arith.addi %mul3A_2, %add3A_763 : i32
    %dma_start3A_765 = arith.constant 15 : i32
    %dma_start3A_766 = arith.constant 0 : i32
    %dma_start3A_767 = tpu.memref_slice %arg6[%dma_start3A_765, %dma_start3A_766] : memref<32x128xf32, #tpu.memory_space<vmem>> -> memref<1x128xf32, #tpu.memory_space<vmem>>
    %dma_start3A_768 = tpu.memref_slice %arg2[%add3A_764, %multiple_of3A_762] : memref<1024x100000xf32, #tpu.memory_space<hbm>> -> memref<1x128xf32, #tpu.memory_space<hbm>>
    %dma_start3A_769 = arith.constant 15 : i32
    %dma_start3A_770 = arith.constant 0 : i32
    %dma_start3A_771 = tpu.memref_slice %arg6[%dma_start3A_769, %dma_start3A_770] : memref<32x128xf32, #tpu.memory_space<vmem>> -> memref<1x128xf32, #tpu.memory_space<vmem>>
    %dma_start3A_772 = tpu.memref_slice %arg2[%add3A_764, %multiple_of3A_762] : memref<1024x100000xf32, #tpu.memory_space<hbm>> -> memref<1x128xf32, #tpu.memory_space<hbm>>
    tpu.enqueue_dma source(%dma_start3A_772 : memref<1x128xf32, #tpu.memory_space<hbm>>) target(%dma_start3A_771 : memref<1x128xf32, #tpu.memory_space<vmem>>) target_semaphore(%arg8 : memref<!tpu.dma_semaphore, #tpu.memory_space<semaphore_mem>>)
    %get3A_773 = arith.constant 16 : index
    %get3A_774 = tpu.vector_load %arg5[%get3A_773] {strides = array<i32>} : memref<32xi32, #tpu.memory_space<vmem>>, vector<16xi32>,
    %eq3A_775 = arith.constant 0 : i32
    %eq3A_776 = vector.broadcast %eq3A_775 : i32 to vector<16xi32>
    %eq3A_777 = arith.cmpi eq, %iota3A, %eq3A_776 : vector<16xi32>
    %jit3A_778 = arith.constant 0 : i32
    %broadcast_in_dim3A_779 = vector.broadcast %jit3A_778 : i32 to vector<16xi32>
    %select_n3A_780 = arith.select %eq3A_777, %get3A_774, %broadcast_in_dim3A_779 : vector<16xi1>, vector<16xi32>
    %reduce_sum3A_781 = arith.constant true
    %reduce_sum3A_782 = vector.broadcast %reduce_sum3A_781 : i1 to vector<16xi1>
    %reduce_sum3A_783 = tpu.scan <sum>, %select_n3A_780 masked %reduce_sum3A_782 : vector<16xi32>, vector<16xi1> -> vector<16xi32>
    %reduce_sum3A_784 = vector.extract %reduce_sum3A_783[15] : i32 from vector<16xi32>
    %jit3A_785 = arith.constant 128 : i32
    %div3A_786 = arith.divsi %reduce_sum3A_784, %jit3A_785 : i32
    %sign3A_787 = arith.constant 0 : i32
    %sign3A_788 = arith.cmpi sgt, %reduce_sum3A_784, %sign3A_787 : i32
    %sign3A_789 = arith.extui %sign3A_788 : i1 to i32
    %sign3A_790 = arith.constant 0 : i32
    %sign3A_791 = arith.cmpi slt, %reduce_sum3A_784, %sign3A_790 : i32
    %sign3A_792 = arith.extui %sign3A_791 : i1 to i32
    %sign3A_793 = arith.subi %sign3A_789, %sign3A_792 : i32
    %sign3A_794 = arith.constant 0 : i32
    %sign3A_795 = arith.cmpi sgt, %jit3A_785, %sign3A_794 : i32
    %sign3A_796 = arith.extui %sign3A_795 : i1 to i32
    %sign3A_797 = arith.constant 0 : i32
    %sign3A_798 = arith.cmpi slt, %jit3A_785, %sign3A_797 : i32
    %sign3A_799 = arith.extui %sign3A_798 : i1 to i32
    %sign3A_800 = arith.subi %sign3A_796, %sign3A_799 : i32
    %ne3A_801 = arith.cmpi ne, %sign3A_793, %sign3A_800 : i32
    %rem3A_802 = arith.remsi %reduce_sum3A_784, %jit3A_785 : i32
    %ne3A_803 = arith.constant 0 : i32
    %ne3A_804 = arith.cmpi ne, %rem3A_802, %ne3A_803 : i32
    %and3A_805 = arith.andi %ne3A_801, %ne3A_804 : i1
    %sub3A_806 = arith.constant 1 : i32
    %sub3A_807 = arith.subi %div3A_786, %sub3A_806 : i32
    %select_n3A_808 = arith.select %and3A_805, %sub3A_807, %div3A_786 : i32
    %mul3A_809 = arith.constant 128 : i32
    %mul3A_810 = arith.muli %select_n3A_808, %mul3A_809 : i32
    %multiple_of3A_811 = tpu.assume_multiple %mul3A_810, 128 : i32
    %add3A_812 = arith.constant 16 : i32
    %add3A_813 = arith.addi %mul3A_2, %add3A_812 : i32
    %dma_start3A_814 = arith.constant 16 : i32
    %dma_start3A_815 = arith.constant 0 : i32
    %dma_start3A_816 = tpu.memref_slice %arg6[%dma_start3A_814, %dma_start3A_815] : memref<32x128xf32, #tpu.memory_space<vmem>> -> memref<1x128xf32, #tpu.memory_space<vmem>>
    %dma_start3A_817 = tpu.memref_slice %arg2[%add3A_813, %multiple_of3A_811] : memref<1024x100000xf32, #tpu.memory_space<hbm>> -> memref<1x128xf32, #tpu.memory_space<hbm>>
    %dma_start3A_818 = arith.constant 16 : i32
    %dma_start3A_819 = arith.constant 0 : i32
    %dma_start3A_820 = tpu.memref_slice %arg6[%dma_start3A_818, %dma_start3A_819] : memref<32x128xf32, #tpu.memory_space<vmem>> -> memref<1x128xf32, #tpu.memory_space<vmem>>
    %dma_start3A_821 = tpu.memref_slice %arg2[%add3A_813, %multiple_of3A_811] : memref<1024x100000xf32, #tpu.memory_space<hbm>> -> memref<1x128xf32, #tpu.memory_space<hbm>>
    tpu.enqueue_dma source(%dma_start3A_821 : memref<1x128xf32, #tpu.memory_space<hbm>>) target(%dma_start3A_820 : memref<1x128xf32, #tpu.memory_space<vmem>>) target_semaphore(%arg8 : memref<!tpu.dma_semaphore, #tpu.memory_space<semaphore_mem>>)
    %get3A_822 = arith.constant 16 : index
    %get3A_823 = tpu.vector_load %arg5[%get3A_822] {strides = array<i32>} : memref<32xi32, #tpu.memory_space<vmem>>, vector<16xi32>,
    %eq3A_824 = arith.constant 1 : i32
    %eq3A_825 = vector.broadcast %eq3A_824 : i32 to vector<16xi32>
    %eq3A_826 = arith.cmpi eq, %iota3A, %eq3A_825 : vector<16xi32>
    %jit3A_827 = arith.constant 0 : i32
    %broadcast_in_dim3A_828 = vector.broadcast %jit3A_827 : i32 to vector<16xi32>
    %select_n3A_829 = arith.select %eq3A_826, %get3A_823, %broadcast_in_dim3A_828 : vector<16xi1>, vector<16xi32>
    %reduce_sum3A_830 = arith.constant true
    %reduce_sum3A_831 = vector.broadcast %reduce_sum3A_830 : i1 to vector<16xi1>
    %reduce_sum3A_832 = tpu.scan <sum>, %select_n3A_829 masked %reduce_sum3A_831 : vector<16xi32>, vector<16xi1> -> vector<16xi32>
    %reduce_sum3A_833 = vector.extract %reduce_sum3A_832[15] : i32 from vector<16xi32>
    %jit3A_834 = arith.constant 128 : i32
    %div3A_835 = arith.divsi %reduce_sum3A_833, %jit3A_834 : i32
    %sign3A_836 = arith.constant 0 : i32
    %sign3A_837 = arith.cmpi sgt, %reduce_sum3A_833, %sign3A_836 : i32
    %sign3A_838 = arith.extui %sign3A_837 : i1 to i32
    %sign3A_839 = arith.constant 0 : i32
    %sign3A_840 = arith.cmpi slt, %reduce_sum3A_833, %sign3A_839 : i32
    %sign3A_841 = arith.extui %sign3A_840 : i1 to i32
    %sign3A_842 = arith.subi %sign3A_838, %sign3A_841 : i32
    %sign3A_843 = arith.constant 0 : i32
    %sign3A_844 = arith.cmpi sgt, %jit3A_834, %sign3A_843 : i32
    %sign3A_845 = arith.extui %sign3A_844 : i1 to i32
    %sign3A_846 = arith.constant 0 : i32
    %sign3A_847 = arith.cmpi slt, %jit3A_834, %sign3A_846 : i32
    %sign3A_848 = arith.extui %sign3A_847 : i1 to i32
    %sign3A_849 = arith.subi %sign3A_845, %sign3A_848 : i32
    %ne3A_850 = arith.cmpi ne, %sign3A_842, %sign3A_849 : i32
    %rem3A_851 = arith.remsi %reduce_sum3A_833, %jit3A_834 : i32
    %ne3A_852 = arith.constant 0 : i32
    %ne3A_853 = arith.cmpi ne, %rem3A_851, %ne3A_852 : i32
    %and3A_854 = arith.andi %ne3A_850, %ne3A_853 : i1
    %sub3A_855 = arith.constant 1 : i32
    %sub3A_856 = arith.subi %div3A_835, %sub3A_855 : i32
    %select_n3A_857 = arith.select %and3A_854, %sub3A_856, %div3A_835 : i32
    %mul3A_858 = arith.constant 128 : i32
    %mul3A_859 = arith.muli %select_n3A_857, %mul3A_858 : i32
    %multiple_of3A_860 = tpu.assume_multiple %mul3A_859, 128 : i32
    %add3A_861 = arith.constant 17 : i32
    %add3A_862 = arith.addi %mul3A_2, %add3A_861 : i32
    %dma_start3A_863 = arith.constant 17 : i32
    %dma_start3A_864 = arith.constant 0 : i32
    %dma_start3A_865 = tpu.memref_slice %arg6[%dma_start3A_863, %dma_start3A_864] : memref<32x128xf32, #tpu.memory_space<vmem>> -> memref<1x128xf32, #tpu.memory_space<vmem>>
    %dma_start3A_866 = tpu.memref_slice %arg2[%add3A_862, %multiple_of3A_860] : memref<1024x100000xf32, #tpu.memory_space<hbm>> -> memref<1x128xf32, #tpu.memory_space<hbm>>
    %dma_start3A_867 = arith.constant 17 : i32
    %dma_start3A_868 = arith.constant 0 : i32
    %dma_start3A_869 = tpu.memref_slice %arg6[%dma_start3A_867, %dma_start3A_868] : memref<32x128xf32, #tpu.memory_space<vmem>> -> memref<1x128xf32, #tpu.memory_space<vmem>>
    %dma_start3A_870 = tpu.memref_slice %arg2[%add3A_862, %multiple_of3A_860] : memref<1024x100000xf32, #tpu.memory_space<hbm>> -> memref<1x128xf32, #tpu.memory_space<hbm>>
    tpu.enqueue_dma source(%dma_start3A_870 : memref<1x128xf32, #tpu.memory_space<hbm>>) target(%dma_start3A_869 : memref<1x128xf32, #tpu.memory_space<vmem>>) target_semaphore(%arg8 : memref<!tpu.dma_semaphore, #tpu.memory_space<semaphore_mem>>)
    %get3A_871 = arith.constant 16 : index
    %get3A_872 = tpu.vector_load %arg5[%get3A_871] {strides = array<i32>} : memref<32xi32, #tpu.memory_space<vmem>>, vector<16xi32>,
    %eq3A_873 = arith.constant 2 : i32
    %eq3A_874 = vector.broadcast %eq3A_873 : i32 to vector<16xi32>
    %eq3A_875 = arith.cmpi eq, %iota3A, %eq3A_874 : vector<16xi32>
    %jit3A_876 = arith.constant 0 : i32
    %broadcast_in_dim3A_877 = vector.broadcast %jit3A_876 : i32 to vector<16xi32>
    %select_n3A_878 = arith.select %eq3A_875, %get3A_872, %broadcast_in_dim3A_877 : vector<16xi1>, vector<16xi32>
    %reduce_sum3A_879 = arith.constant true
    %reduce_sum3A_880 = vector.broadcast %reduce_sum3A_879 : i1 to vector<16xi1>
    %reduce_sum3A_881 = tpu.scan <sum>, %select_n3A_878 masked %reduce_sum3A_880 : vector<16xi32>, vector<16xi1> -> vector<16xi32>
    %reduce_sum3A_882 = vector.extract %reduce_sum3A_881[15] : i32 from vector<16xi32>
    %jit3A_883 = arith.constant 128 : i32
    %div3A_884 = arith.divsi %reduce_sum3A_882, %jit3A_883 : i32
    %sign3A_885 = arith.constant 0 : i32
    %sign3A_886 = arith.cmpi sgt, %reduce_sum3A_882, %sign3A_885 : i32
    %sign3A_887 = arith.extui %sign3A_886 : i1 to i32
    %sign3A_888 = arith.constant 0 : i32
    %sign3A_889 = arith.cmpi slt, %reduce_sum3A_882, %sign3A_888 : i32
    %sign3A_890 = arith.extui %sign3A_889 : i1 to i32
    %sign3A_891 = arith.subi %sign3A_887, %sign3A_890 : i32
    %sign3A_892 = arith.constant 0 : i32
    %sign3A_893 = arith.cmpi sgt, %jit3A_883, %sign3A_892 : i32
    %sign3A_894 = arith.extui %sign3A_893 : i1 to i32
    %sign3A_895 = arith.constant 0 : i32
    %sign3A_896 = arith.cmpi slt, %jit3A_883, %sign3A_895 : i32
    %sign3A_897 = arith.extui %sign3A_896 : i1 to i32
    %sign3A_898 = arith.subi %sign3A_894, %sign3A_897 : i32
    %ne3A_899 = arith.cmpi ne, %sign3A_891, %sign3A_898 : i32
    %rem3A_900 = arith.remsi %reduce_sum3A_882, %jit3A_883 : i32
    %ne3A_901 = arith.constant 0 : i32
    %ne3A_902 = arith.cmpi ne, %rem3A_900, %ne3A_901 : i32
    %and3A_903 = arith.andi %ne3A_899, %ne3A_902 : i1
    %sub3A_904 = arith.constant 1 : i32
    %sub3A_905 = arith.subi %div3A_884, %sub3A_904 : i32
    %select_n3A_906 = arith.select %and3A_903, %sub3A_905, %div3A_884 : i32
    %mul3A_907 = arith.constant 128 : i32
    %mul3A_908 = arith.muli %select_n3A_906, %mul3A_907 : i32
    %multiple_of3A_909 = tpu.assume_multiple %mul3A_908, 128 : i32
    %add3A_910 = arith.constant 18 : i32
    %add3A_911 = arith.addi %mul3A_2, %add3A_910 : i32
    %dma_start3A_912 = arith.constant 18 : i32
    %dma_start3A_913 = arith.constant 0 : i32
    %dma_start3A_914 = tpu.memref_slice %arg6[%dma_start3A_912, %dma_start3A_913] : memref<32x128xf32, #tpu.memory_space<vmem>> -> memref<1x128xf32, #tpu.memory_space<vmem>>
    %dma_start3A_915 = tpu.memref_slice %arg2[%add3A_911, %multiple_of3A_909] : memref<1024x100000xf32, #tpu.memory_space<hbm>> -> memref<1x128xf32, #tpu.memory_space<hbm>>
    %dma_start3A_916 = arith.constant 18 : i32
    %dma_start3A_917 = arith.constant 0 : i32
    %dma_start3A_918 = tpu.memref_slice %arg6[%dma_start3A_916, %dma_start3A_917] : memref<32x128xf32, #tpu.memory_space<vmem>> -> memref<1x128xf32, #tpu.memory_space<vmem>>
    %dma_start3A_919 = tpu.memref_slice %arg2[%add3A_911, %multiple_of3A_909] : memref<1024x100000xf32, #tpu.memory_space<hbm>> -> memref<1x128xf32, #tpu.memory_space<hbm>>
    tpu.enqueue_dma source(%dma_start3A_919 : memref<1x128xf32, #tpu.memory_space<hbm>>) target(%dma_start3A_918 : memref<1x128xf32, #tpu.memory_space<vmem>>) target_semaphore(%arg8 : memref<!tpu.dma_semaphore, #tpu.memory_space<semaphore_mem>>)
    %get3A_920 = arith.constant 16 : index
    %get3A_921 = tpu.vector_load %arg5[%get3A_920] {strides = array<i32>} : memref<32xi32, #tpu.memory_space<vmem>>, vector<16xi32>,
    %eq3A_922 = arith.constant 3 : i32
    %eq3A_923 = vector.broadcast %eq3A_922 : i32 to vector<16xi32>
    %eq3A_924 = arith.cmpi eq, %iota3A, %eq3A_923 : vector<16xi32>
    %jit3A_925 = arith.constant 0 : i32
    %broadcast_in_dim3A_926 = vector.broadcast %jit3A_925 : i32 to vector<16xi32>
    %select_n3A_927 = arith.select %eq3A_924, %get3A_921, %broadcast_in_dim3A_926 : vector<16xi1>, vector<16xi32>
    %reduce_sum3A_928 = arith.constant true
    %reduce_sum3A_929 = vector.broadcast %reduce_sum3A_928 : i1 to vector<16xi1>
    %reduce_sum3A_930 = tpu.scan <sum>, %select_n3A_927 masked %reduce_sum3A_929 : vector<16xi32>, vector<16xi1> -> vector<16xi32>
    %reduce_sum3A_931 = vector.extract %reduce_sum3A_930[15] : i32 from vector<16xi32>
    %jit3A_932 = arith.constant 128 : i32
    %div3A_933 = arith.divsi %reduce_sum3A_931, %jit3A_932 : i32
    %sign3A_934 = arith.constant 0 : i32
    %sign3A_935 = arith.cmpi sgt, %reduce_sum3A_931, %sign3A_934 : i32
    %sign3A_936 = arith.extui %sign3A_935 : i1 to i32
    %sign3A_937 = arith.constant 0 : i32
    %sign3A_938 = arith.cmpi slt, %reduce_sum3A_931, %sign3A_937 : i32
    %sign3A_939 = arith.extui %sign3A_938 : i1 to i32
    %sign3A_940 = arith.subi %sign3A_936, %sign3A_939 : i32
    %sign3A_941 = arith.constant 0 : i32
    %sign3A_942 = arith.cmpi sgt, %jit3A_932, %sign3A_941 : i32
    %sign3A_943 = arith.extui %sign3A_942 : i1 to i32
    %sign3A_944 = arith.constant 0 : i32
    %sign3A_945 = arith.cmpi slt, %jit3A_932, %sign3A_944 : i32
    %sign3A_946 = arith.extui %sign3A_945 : i1 to i32
    %sign3A_947 = arith.subi %sign3A_943, %sign3A_946 : i32
    %ne3A_948 = arith.cmpi ne, %sign3A_940, %sign3A_947 : i32
    %rem3A_949 = arith.remsi %reduce_sum3A_931, %jit3A_932 : i32
    %ne3A_950 = arith.constant 0 : i32
    %ne3A_951 = arith.cmpi ne, %rem3A_949, %ne3A_950 : i32
    %and3A_952 = arith.andi %ne3A_948, %ne3A_951 : i1
    %sub3A_953 = arith.constant 1 : i32
    %sub3A_954 = arith.subi %div3A_933, %sub3A_953 : i32
    %select_n3A_955 = arith.select %and3A_952, %sub3A_954, %div3A_933 : i32
    %mul3A_956 = arith.constant 128 : i32
    %mul3A_957 = arith.muli %select_n3A_955, %mul3A_956 : i32
    %multiple_of3A_958 = tpu.assume_multiple %mul3A_957, 128 : i32
    %add3A_959 = arith.constant 19 : i32
    %add3A_960 = arith.addi %mul3A_2, %add3A_959 : i32
    %dma_start3A_961 = arith.constant 19 : i32
    %dma_start3A_962 = arith.constant 0 : i32
    %dma_start3A_963 = tpu.memref_slice %arg6[%dma_start3A_961, %dma_start3A_962] : memref<32x128xf32, #tpu.memory_space<vmem>> -> memref<1x128xf32, #tpu.memory_space<vmem>>
    %dma_start3A_964 = tpu.memref_slice %arg2[%add3A_960, %multiple_of3A_958] : memref<1024x100000xf32, #tpu.memory_space<hbm>> -> memref<1x128xf32, #tpu.memory_space<hbm>>
    %dma_start3A_965 = arith.constant 19 : i32
    %dma_start3A_966 = arith.constant 0 : i32
    %dma_start3A_967 = tpu.memref_slice %arg6[%dma_start3A_965, %dma_start3A_966] : memref<32x128xf32, #tpu.memory_space<vmem>> -> memref<1x128xf32, #tpu.memory_space<vmem>>
    %dma_start3A_968 = tpu.memref_slice %arg2[%add3A_960, %multiple_of3A_958] : memref<1024x100000xf32, #tpu.memory_space<hbm>> -> memref<1x128xf32, #tpu.memory_space<hbm>>
    tpu.enqueue_dma source(%dma_start3A_968 : memref<1x128xf32, #tpu.memory_space<hbm>>) target(%dma_start3A_967 : memref<1x128xf32, #tpu.memory_space<vmem>>) target_semaphore(%arg8 : memref<!tpu.dma_semaphore, #tpu.memory_space<semaphore_mem>>)
    %get3A_969 = arith.constant 16 : index
    %get3A_970 = tpu.vector_load %arg5[%get3A_969] {strides = array<i32>} : memref<32xi32, #tpu.memory_space<vmem>>, vector<16xi32>,
    %eq3A_971 = arith.constant 4 : i32
    %eq3A_972 = vector.broadcast %eq3A_971 : i32 to vector<16xi32>
    %eq3A_973 = arith.cmpi eq, %iota3A, %eq3A_972 : vector<16xi32>
    %jit3A_974 = arith.constant 0 : i32
    %broadcast_in_dim3A_975 = vector.broadcast %jit3A_974 : i32 to vector<16xi32>
    %select_n3A_976 = arith.select %eq3A_973, %get3A_970, %broadcast_in_dim3A_975 : vector<16xi1>, vector<16xi32>
    %reduce_sum3A_977 = arith.constant true
    %reduce_sum3A_978 = vector.broadcast %reduce_sum3A_977 : i1 to vector<16xi1>
    %reduce_sum3A_979 = tpu.scan <sum>, %select_n3A_976 masked %reduce_sum3A_978 : vector<16xi32>, vector<16xi1> -> vector<16xi32>
    %reduce_sum3A_980 = vector.extract %reduce_sum3A_979[15] : i32 from vector<16xi32>
    %jit3A_981 = arith.constant 128 : i32
    %div3A_982 = arith.divsi %reduce_sum3A_980, %jit3A_981 : i32
    %sign3A_983 = arith.constant 0 : i32
    %sign3A_984 = arith.cmpi sgt, %reduce_sum3A_980, %sign3A_983 : i32
    %sign3A_985 = arith.extui %sign3A_984 : i1 to i32
    %sign3A_986 = arith.constant 0 : i32
    %sign3A_987 = arith.cmpi slt, %reduce_sum3A_980, %sign3A_986 : i32
    %sign3A_988 = arith.extui %sign3A_987 : i1 to i32
    %sign3A_989 = arith.subi %sign3A_985, %sign3A_988 : i32
    %sign3A_990 = arith.constant 0 : i32
    %sign3A_991 = arith.cmpi sgt, %jit3A_981, %sign3A_990 : i32
    %sign3A_992 = arith.extui %sign3A_991 : i1 to i32
    %sign3A_993 = arith.constant 0 : i32
    %sign3A_994 = arith.cmpi slt, %jit3A_981, %sign3A_993 : i32
    %sign3A_995 = arith.extui %sign3A_994 : i1 to i32
    %sign3A_996 = arith.subi %sign3A_992, %sign3A_995 : i32
    %ne3A_997 = arith.cmpi ne, %sign3A_989, %sign3A_996 : i32
    %rem3A_998 = arith.remsi %reduce_sum3A_980, %jit3A_981 : i32
    %ne3A_999 = arith.constant 0 : i32
    %ne3A_1000 = arith.cmpi ne, %rem3A_998, %ne3A_999 : i32
    %and3A_1001 = arith.andi %ne3A_997, %ne3A_1000 : i1
    %sub3A_1002 = arith.constant 1 : i32
    %sub3A_1003 = arith.subi %div3A_982, %sub3A_1002 : i32
    %select_n3A_1004 = arith.select %and3A_1001, %sub3A_1003, %div3A_982 : i32
    %mul3A_1005 = arith.constant 128 : i32
    %mul3A_1006 = arith.muli %select_n3A_1004, %mul3A_1005 : i32
    %multiple_of3A_1007 = tpu.assume_multiple %mul3A_1006, 128 : i32
    %add3A_1008 = arith.constant 20 : i32
    %add3A_1009 = arith.addi %mul3A_2, %add3A_1008 : i32
    %dma_start3A_1010 = arith.constant 20 : i32
    %dma_start3A_1011 = arith.constant 0 : i32
    %dma_start3A_1012 = tpu.memref_slice %arg6[%dma_start3A_1010, %dma_start3A_1011] : memref<32x128xf32, #tpu.memory_space<vmem>> -> memref<1x128xf32, #tpu.memory_space<vmem>>
    %dma_start3A_1013 = tpu.memref_slice %arg2[%add3A_1009, %multiple_of3A_1007] : memref<1024x100000xf32, #tpu.memory_space<hbm>> -> memref<1x128xf32, #tpu.memory_space<hbm>>
    %dma_start3A_1014 = arith.constant 20 : i32
    %dma_start3A_1015 = arith.constant 0 : i32
    %dma_start3A_1016 = tpu.memref_slice %arg6[%dma_start3A_1014, %dma_start3A_1015] : memref<32x128xf32, #tpu.memory_space<vmem>> -> memref<1x128xf32, #tpu.memory_space<vmem>>
    %dma_start3A_1017 = tpu.memref_slice %arg2[%add3A_1009, %multiple_of3A_1007] : memref<1024x100000xf32, #tpu.memory_space<hbm>> -> memref<1x128xf32, #tpu.memory_space<hbm>>
    tpu.enqueue_dma source(%dma_start3A_1017 : memref<1x128xf32, #tpu.memory_space<hbm>>) target(%dma_start3A_1016 : memref<1x128xf32, #tpu.memory_space<vmem>>) target_semaphore(%arg8 : memref<!tpu.dma_semaphore, #tpu.memory_space<semaphore_mem>>)
    %get3A_1018 = arith.constant 16 : index
    %get3A_1019 = tpu.vector_load %arg5[%get3A_1018] {strides = array<i32>} : memref<32xi32, #tpu.memory_space<vmem>>, vector<16xi32>,
    %eq3A_1020 = arith.constant 5 : i32
    %eq3A_1021 = vector.broadcast %eq3A_1020 : i32 to vector<16xi32>
    %eq3A_1022 = arith.cmpi eq, %iota3A, %eq3A_1021 : vector<16xi32>
    %jit3A_1023 = arith.constant 0 : i32
    %broadcast_in_dim3A_1024 = vector.broadcast %jit3A_1023 : i32 to vector<16xi32>
    %select_n3A_1025 = arith.select %eq3A_1022, %get3A_1019, %broadcast_in_dim3A_1024 : vector<16xi1>, vector<16xi32>
    %reduce_sum3A_1026 = arith.constant true
    %reduce_sum3A_1027 = vector.broadcast %reduce_sum3A_1026 : i1 to vector<16xi1>
    %reduce_sum3A_1028 = tpu.scan <sum>, %select_n3A_1025 masked %reduce_sum3A_1027 : vector<16xi32>, vector<16xi1> -> vector<16xi32>
    %reduce_sum3A_1029 = vector.extract %reduce_sum3A_1028[15] : i32 from vector<16xi32>
    %jit3A_1030 = arith.constant 128 : i32
    %div3A_1031 = arith.divsi %reduce_sum3A_1029, %jit3A_1030 : i32
    %sign3A_1032 = arith.constant 0 : i32
    %sign3A_1033 = arith.cmpi sgt, %reduce_sum3A_1029, %sign3A_1032 : i32
    %sign3A_1034 = arith.extui %sign3A_1033 : i1 to i32
    %sign3A_1035 = arith.constant 0 : i32
    %sign3A_1036 = arith.cmpi slt, %reduce_sum3A_1029, %sign3A_1035 : i32
    %sign3A_1037 = arith.extui %sign3A_1036 : i1 to i32
    %sign3A_1038 = arith.subi %sign3A_1034, %sign3A_1037 : i32
    %sign3A_1039 = arith.constant 0 : i32
    %sign3A_1040 = arith.cmpi sgt, %jit3A_1030, %sign3A_1039 : i32
    %sign3A_1041 = arith.extui %sign3A_1040 : i1 to i32
    %sign3A_1042 = arith.constant 0 : i32
    %sign3A_1043 = arith.cmpi slt, %jit3A_1030, %sign3A_1042 : i32
    %sign3A_1044 = arith.extui %sign3A_1043 : i1 to i32
    %sign3A_1045 = arith.subi %sign3A_1041, %sign3A_1044 : i32
    %ne3A_1046 = arith.cmpi ne, %sign3A_1038, %sign3A_1045 : i32
    %rem3A_1047 = arith.remsi %reduce_sum3A_1029, %jit3A_1030 : i32
    %ne3A_1048 = arith.constant 0 : i32
    %ne3A_1049 = arith.cmpi ne, %rem3A_1047, %ne3A_1048 : i32
    %and3A_1050 = arith.andi %ne3A_1046, %ne3A_1049 : i1
    %sub3A_1051 = arith.constant 1 : i32
    %sub3A_1052 = arith.subi %div3A_1031, %sub3A_1051 : i32
    %select_n3A_1053 = arith.select %and3A_1050, %sub3A_1052, %div3A_1031 : i32
    %mul3A_1054 = arith.constant 128 : i32
    %mul3A_1055 = arith.muli %select_n3A_1053, %mul3A_1054 : i32
    %multiple_of3A_1056 = tpu.assume_multiple %mul3A_1055, 128 : i32
    %add3A_1057 = arith.constant 21 : i32
    %add3A_1058 = arith.addi %mul3A_2, %add3A_1057 : i32
    %dma_start3A_1059 = arith.constant 21 : i32
    %dma_start3A_1060 = arith.constant 0 : i32
    %dma_start3A_1061 = tpu.memref_slice %arg6[%dma_start3A_1059, %dma_start3A_1060] : memref<32x128xf32, #tpu.memory_space<vmem>> -> memref<1x128xf32, #tpu.memory_space<vmem>>
    %dma_start3A_1062 = tpu.memref_slice %arg2[%add3A_1058, %multiple_of3A_1056] : memref<1024x100000xf32, #tpu.memory_space<hbm>> -> memref<1x128xf32, #tpu.memory_space<hbm>>
    %dma_start3A_1063 = arith.constant 21 : i32
    %dma_start3A_1064 = arith.constant 0 : i32
    %dma_start3A_1065 = tpu.memref_slice %arg6[%dma_start3A_1063, %dma_start3A_1064] : memref<32x128xf32, #tpu.memory_space<vmem>> -> memref<1x128xf32, #tpu.memory_space<vmem>>
    %dma_start3A_1066 = tpu.memref_slice %arg2[%add3A_1058, %multiple_of3A_1056] : memref<1024x100000xf32, #tpu.memory_space<hbm>> -> memref<1x128xf32, #tpu.memory_space<hbm>>
    tpu.enqueue_dma source(%dma_start3A_1066 : memref<1x128xf32, #tpu.memory_space<hbm>>) target(%dma_start3A_1065 : memref<1x128xf32, #tpu.memory_space<vmem>>) target_semaphore(%arg8 : memref<!tpu.dma_semaphore, #tpu.memory_space<semaphore_mem>>)
    %get3A_1067 = arith.constant 16 : index
    %get3A_1068 = tpu.vector_load %arg5[%get3A_1067] {strides = array<i32>} : memref<32xi32, #tpu.memory_space<vmem>>, vector<16xi32>,
    %eq3A_1069 = arith.constant 6 : i32
    %eq3A_1070 = vector.broadcast %eq3A_1069 : i32 to vector<16xi32>
    %eq3A_1071 = arith.cmpi eq, %iota3A, %eq3A_1070 : vector<16xi32>
    %jit3A_1072 = arith.constant 0 : i32
    %broadcast_in_dim3A_1073 = vector.broadcast %jit3A_1072 : i32 to vector<16xi32>
    %select_n3A_1074 = arith.select %eq3A_1071, %get3A_1068, %broadcast_in_dim3A_1073 : vector<16xi1>, vector<16xi32>
    %reduce_sum3A_1075 = arith.constant true
    %reduce_sum3A_1076 = vector.broadcast %reduce_sum3A_1075 : i1 to vector<16xi1>
    %reduce_sum3A_1077 = tpu.scan <sum>, %select_n3A_1074 masked %reduce_sum3A_1076 : vector<16xi32>, vector<16xi1> -> vector<16xi32>
    %reduce_sum3A_1078 = vector.extract %reduce_sum3A_1077[15] : i32 from vector<16xi32>
    %jit3A_1079 = arith.constant 128 : i32
    %div3A_1080 = arith.divsi %reduce_sum3A_1078, %jit3A_1079 : i32
    %sign3A_1081 = arith.constant 0 : i32
    %sign3A_1082 = arith.cmpi sgt, %reduce_sum3A_1078, %sign3A_1081 : i32
    %sign3A_1083 = arith.extui %sign3A_1082 : i1 to i32
    %sign3A_1084 = arith.constant 0 : i32
    %sign3A_1085 = arith.cmpi slt, %reduce_sum3A_1078, %sign3A_1084 : i32
    %sign3A_1086 = arith.extui %sign3A_1085 : i1 to i32
    %sign3A_1087 = arith.subi %sign3A_1083, %sign3A_1086 : i32
    %sign3A_1088 = arith.constant 0 : i32
    %sign3A_1089 = arith.cmpi sgt, %jit3A_1079, %sign3A_1088 : i32
    %sign3A_1090 = arith.extui %sign3A_1089 : i1 to i32
    %sign3A_1091 = arith.constant 0 : i32
    %sign3A_1092 = arith.cmpi slt, %jit3A_1079, %sign3A_1091 : i32
    %sign3A_1093 = arith.extui %sign3A_1092 : i1 to i32
    %sign3A_1094 = arith.subi %sign3A_1090, %sign3A_1093 : i32
    %ne3A_1095 = arith.cmpi ne, %sign3A_1087, %sign3A_1094 : i32
    %rem3A_1096 = arith.remsi %reduce_sum3A_1078, %jit3A_1079 : i32
    %ne3A_1097 = arith.constant 0 : i32
    %ne3A_1098 = arith.cmpi ne, %rem3A_1096, %ne3A_1097 : i32
    %and3A_1099 = arith.andi %ne3A_1095, %ne3A_1098 : i1
    %sub3A_1100 = arith.constant 1 : i32
    %sub3A_1101 = arith.subi %div3A_1080, %sub3A_1100 : i32
    %select_n3A_1102 = arith.select %and3A_1099, %sub3A_1101, %div3A_1080 : i32
    %mul3A_1103 = arith.constant 128 : i32
    %mul3A_1104 = arith.muli %select_n3A_1102, %mul3A_1103 : i32
    %multiple_of3A_1105 = tpu.assume_multiple %mul3A_1104, 128 : i32
    %add3A_1106 = arith.constant 22 : i32
    %add3A_1107 = arith.addi %mul3A_2, %add3A_1106 : i32
    %dma_start3A_1108 = arith.constant 22 : i32
    %dma_start3A_1109 = arith.constant 0 : i32
    %dma_start3A_1110 = tpu.memref_slice %arg6[%dma_start3A_1108, %dma_start3A_1109] : memref<32x128xf32, #tpu.memory_space<vmem>> -> memref<1x128xf32, #tpu.memory_space<vmem>>
    %dma_start3A_1111 = tpu.memref_slice %arg2[%add3A_1107, %multiple_of3A_1105] : memref<1024x100000xf32, #tpu.memory_space<hbm>> -> memref<1x128xf32, #tpu.memory_space<hbm>>
    %dma_start3A_1112 = arith.constant 22 : i32
    %dma_start3A_1113 = arith.constant 0 : i32
    %dma_start3A_1114 = tpu.memref_slice %arg6[%dma_start3A_1112, %dma_start3A_1113] : memref<32x128xf32, #tpu.memory_space<vmem>> -> memref<1x128xf32, #tpu.memory_space<vmem>>
    %dma_start3A_1115 = tpu.memref_slice %arg2[%add3A_1107, %multiple_of3A_1105] : memref<1024x100000xf32, #tpu.memory_space<hbm>> -> memref<1x128xf32, #tpu.memory_space<hbm>>
    tpu.enqueue_dma source(%dma_start3A_1115 : memref<1x128xf32, #tpu.memory_space<hbm>>) target(%dma_start3A_1114 : memref<1x128xf32, #tpu.memory_space<vmem>>) target_semaphore(%arg8 : memref<!tpu.dma_semaphore, #tpu.memory_space<semaphore_mem>>)
    %get3A_1116 = arith.constant 16 : index
    %get3A_1117 = tpu.vector_load %arg5[%get3A_1116] {strides = array<i32>} : memref<32xi32, #tpu.memory_space<vmem>>, vector<16xi32>,
    %eq3A_1118 = arith.constant 7 : i32
    %eq3A_1119 = vector.broadcast %eq3A_1118 : i32 to vector<16xi32>
    %eq3A_1120 = arith.cmpi eq, %iota3A, %eq3A_1119 : vector<16xi32>
    %jit3A_1121 = arith.constant 0 : i32
    %broadcast_in_dim3A_1122 = vector.broadcast %jit3A_1121 : i32 to vector<16xi32>
    %select_n3A_1123 = arith.select %eq3A_1120, %get3A_1117, %broadcast_in_dim3A_1122 : vector<16xi1>, vector<16xi32>
    %reduce_sum3A_1124 = arith.constant true
    %reduce_sum3A_1125 = vector.broadcast %reduce_sum3A_1124 : i1 to vector<16xi1>
    %reduce_sum3A_1126 = tpu.scan <sum>, %select_n3A_1123 masked %reduce_sum3A_1125 : vector<16xi32>, vector<16xi1> -> vector<16xi32>
    %reduce_sum3A_1127 = vector.extract %reduce_sum3A_1126[15] : i32 from vector<16xi32>
    %jit3A_1128 = arith.constant 128 : i32
    %div3A_1129 = arith.divsi %reduce_sum3A_1127, %jit3A_1128 : i32
    %sign3A_1130 = arith.constant 0 : i32
    %sign3A_1131 = arith.cmpi sgt, %reduce_sum3A_1127, %sign3A_1130 : i32
    %sign3A_1132 = arith.extui %sign3A_1131 : i1 to i32
    %sign3A_1133 = arith.constant 0 : i32
    %sign3A_1134 = arith.cmpi slt, %reduce_sum3A_1127, %sign3A_1133 : i32
    %sign3A_1135 = arith.extui %sign3A_1134 : i1 to i32
    %sign3A_1136 = arith.subi %sign3A_1132, %sign3A_1135 : i32
    %sign3A_1137 = arith.constant 0 : i32
    %sign3A_1138 = arith.cmpi sgt, %jit3A_1128, %sign3A_1137 : i32
    %sign3A_1139 = arith.extui %sign3A_1138 : i1 to i32
    %sign3A_1140 = arith.constant 0 : i32
    %sign3A_1141 = arith.cmpi slt, %jit3A_1128, %sign3A_1140 : i32
    %sign3A_1142 = arith.extui %sign3A_1141 : i1 to i32
    %sign3A_1143 = arith.subi %sign3A_1139, %sign3A_1142 : i32
    %ne3A_1144 = arith.cmpi ne, %sign3A_1136, %sign3A_1143 : i32
    %rem3A_1145 = arith.remsi %reduce_sum3A_1127, %jit3A_1128 : i32
    %ne3A_1146 = arith.constant 0 : i32
    %ne3A_1147 = arith.cmpi ne, %rem3A_1145, %ne3A_1146 : i32
    %and3A_1148 = arith.andi %ne3A_1144, %ne3A_1147 : i1
    %sub3A_1149 = arith.constant 1 : i32
    %sub3A_1150 = arith.subi %div3A_1129, %sub3A_1149 : i32
    %select_n3A_1151 = arith.select %and3A_1148, %sub3A_1150, %div3A_1129 : i32
    %mul3A_1152 = arith.constant 128 : i32
    %mul3A_1153 = arith.muli %select_n3A_1151, %mul3A_1152 : i32
    %multiple_of3A_1154 = tpu.assume_multiple %mul3A_1153, 128 : i32
    %add3A_1155 = arith.constant 23 : i32
    %add3A_1156 = arith.addi %mul3A_2, %add3A_1155 : i32
    %dma_start3A_1157 = arith.constant 23 : i32
    %dma_start3A_1158 = arith.constant 0 : i32
    %dma_start3A_1159 = tpu.memref_slice %arg6[%dma_start3A_1157, %dma_start3A_1158] : memref<32x128xf32, #tpu.memory_space<vmem>> -> memref<1x128xf32, #tpu.memory_space<vmem>>
    %dma_start3A_1160 = tpu.memref_slice %arg2[%add3A_1156, %multiple_of3A_1154] : memref<1024x100000xf32, #tpu.memory_space<hbm>> -> memref<1x128xf32, #tpu.memory_space<hbm>>
    %dma_start3A_1161 = arith.constant 23 : i32
    %dma_start3A_1162 = arith.constant 0 : i32
    %dma_start3A_1163 = tpu.memref_slice %arg6[%dma_start3A_1161, %dma_start3A_1162] : memref<32x128xf32, #tpu.memory_space<vmem>> -> memref<1x128xf32, #tpu.memory_space<vmem>>
    %dma_start3A_1164 = tpu.memref_slice %arg2[%add3A_1156, %multiple_of3A_1154] : memref<1024x100000xf32, #tpu.memory_space<hbm>> -> memref<1x128xf32, #tpu.memory_space<hbm>>
    tpu.enqueue_dma source(%dma_start3A_1164 : memref<1x128xf32, #tpu.memory_space<hbm>>) target(%dma_start3A_1163 : memref<1x128xf32, #tpu.memory_space<vmem>>) target_semaphore(%arg8 : memref<!tpu.dma_semaphore, #tpu.memory_space<semaphore_mem>>)
    %get3A_1165 = arith.constant 16 : index
    %get3A_1166 = tpu.vector_load %arg5[%get3A_1165] {strides = array<i32>} : memref<32xi32, #tpu.memory_space<vmem>>, vector<16xi32>,
    %eq3A_1167 = arith.constant 8 : i32
    %eq3A_1168 = vector.broadcast %eq3A_1167 : i32 to vector<16xi32>
    %eq3A_1169 = arith.cmpi eq, %iota3A, %eq3A_1168 : vector<16xi32>
    %jit3A_1170 = arith.constant 0 : i32
    %broadcast_in_dim3A_1171 = vector.broadcast %jit3A_1170 : i32 to vector<16xi32>
    %select_n3A_1172 = arith.select %eq3A_1169, %get3A_1166, %broadcast_in_dim3A_1171 : vector<16xi1>, vector<16xi32>
    %reduce_sum3A_1173 = arith.constant true
    %reduce_sum3A_1174 = vector.broadcast %reduce_sum3A_1173 : i1 to vector<16xi1>
    %reduce_sum3A_1175 = tpu.scan <sum>, %select_n3A_1172 masked %reduce_sum3A_1174 : vector<16xi32>, vector<16xi1> -> vector<16xi32>
    %reduce_sum3A_1176 = vector.extract %reduce_sum3A_1175[15] : i32 from vector<16xi32>
    %jit3A_1177 = arith.constant 128 : i32
    %div3A_1178 = arith.divsi %reduce_sum3A_1176, %jit3A_1177 : i32
    %sign3A_1179 = arith.constant 0 : i32
    %sign3A_1180 = arith.cmpi sgt, %reduce_sum3A_1176, %sign3A_1179 : i32
    %sign3A_1181 = arith.extui %sign3A_1180 : i1 to i32
    %sign3A_1182 = arith.constant 0 : i32
    %sign3A_1183 = arith.cmpi slt, %reduce_sum3A_1176, %sign3A_1182 : i32
    %sign3A_1184 = arith.extui %sign3A_1183 : i1 to i32
    %sign3A_1185 = arith.subi %sign3A_1181, %sign3A_1184 : i32
    %sign3A_1186 = arith.constant 0 : i32
    %sign3A_1187 = arith.cmpi sgt, %jit3A_1177, %sign3A_1186 : i32
    %sign3A_1188 = arith.extui %sign3A_1187 : i1 to i32
    %sign3A_1189 = arith.constant 0 : i32
    %sign3A_1190 = arith.cmpi slt, %jit3A_1177, %sign3A_1189 : i32
    %sign3A_1191 = arith.extui %sign3A_1190 : i1 to i32
    %sign3A_1192 = arith.subi %sign3A_1188, %sign3A_1191 : i32
    %ne3A_1193 = arith.cmpi ne, %sign3A_1185, %sign3A_1192 : i32
    %rem3A_1194 = arith.remsi %reduce_sum3A_1176, %jit3A_1177 : i32
    %ne3A_1195 = arith.constant 0 : i32
    %ne3A_1196 = arith.cmpi ne, %rem3A_1194, %ne3A_1195 : i32
    %and3A_1197 = arith.andi %ne3A_1193, %ne3A_1196 : i1
    %sub3A_1198 = arith.constant 1 : i32
    %sub3A_1199 = arith.subi %div3A_1178, %sub3A_1198 : i32
    %select_n3A_1200 = arith.select %and3A_1197, %sub3A_1199, %div3A_1178 : i32
    %mul3A_1201 = arith.constant 128 : i32
    %mul3A_1202 = arith.muli %select_n3A_1200, %mul3A_1201 : i32
    %multiple_of3A_1203 = tpu.assume_multiple %mul3A_1202, 128 : i32
    %add3A_1204 = arith.constant 24 : i32
    %add3A_1205 = arith.addi %mul3A_2, %add3A_1204 : i32
    %dma_start3A_1206 = arith.constant 24 : i32
    %dma_start3A_1207 = arith.constant 0 : i32
    %dma_start3A_1208 = tpu.memref_slice %arg6[%dma_start3A_1206, %dma_start3A_1207] : memref<32x128xf32, #tpu.memory_space<vmem>> -> memref<1x128xf32, #tpu.memory_space<vmem>>
    %dma_start3A_1209 = tpu.memref_slice %arg2[%add3A_1205, %multiple_of3A_1203] : memref<1024x100000xf32, #tpu.memory_space<hbm>> -> memref<1x128xf32, #tpu.memory_space<hbm>>
    %dma_start3A_1210 = arith.constant 24 : i32
    %dma_start3A_1211 = arith.constant 0 : i32
    %dma_start3A_1212 = tpu.memref_slice %arg6[%dma_start3A_1210, %dma_start3A_1211] : memref<32x128xf32, #tpu.memory_space<vmem>> -> memref<1x128xf32, #tpu.memory_space<vmem>>
    %dma_start3A_1213 = tpu.memref_slice %arg2[%add3A_1205, %multiple_of3A_1203] : memref<1024x100000xf32, #tpu.memory_space<hbm>> -> memref<1x128xf32, #tpu.memory_space<hbm>>
    tpu.enqueue_dma source(%dma_start3A_1213 : memref<1x128xf32, #tpu.memory_space<hbm>>) target(%dma_start3A_1212 : memref<1x128xf32, #tpu.memory_space<vmem>>) target_semaphore(%arg8 : memref<!tpu.dma_semaphore, #tpu.memory_space<semaphore_mem>>)
    %get3A_1214 = arith.constant 16 : index
    %get3A_1215 = tpu.vector_load %arg5[%get3A_1214] {strides = array<i32>} : memref<32xi32, #tpu.memory_space<vmem>>, vector<16xi32>,
    %eq3A_1216 = arith.constant 9 : i32
    %eq3A_1217 = vector.broadcast %eq3A_1216 : i32 to vector<16xi32>
    %eq3A_1218 = arith.cmpi eq, %iota3A, %eq3A_1217 : vector<16xi32>
    %jit3A_1219 = arith.constant 0 : i32
    %broadcast_in_dim3A_1220 = vector.broadcast %jit3A_1219 : i32 to vector<16xi32>
    %select_n3A_1221 = arith.select %eq3A_1218, %get3A_1215, %broadcast_in_dim3A_1220 : vector<16xi1>, vector<16xi32>
    %reduce_sum3A_1222 = arith.constant true
    %reduce_sum3A_1223 = vector.broadcast %reduce_sum3A_1222 : i1 to vector<16xi1>
    %reduce_sum3A_1224 = tpu.scan <sum>, %select_n3A_1221 masked %reduce_sum3A_1223 : vector<16xi32>, vector<16xi1> -> vector<16xi32>
    %reduce_sum3A_1225 = vector.extract %reduce_sum3A_1224[15] : i32 from vector<16xi32>
    %jit3A_1226 = arith.constant 128 : i32
    %div3A_1227 = arith.divsi %reduce_sum3A_1225, %jit3A_1226 : i32
    %sign3A_1228 = arith.constant 0 : i32
    %sign3A_1229 = arith.cmpi sgt, %reduce_sum3A_1225, %sign3A_1228 : i32
    %sign3A_1230 = arith.extui %sign3A_1229 : i1 to i32
    %sign3A_1231 = arith.constant 0 : i32
    %sign3A_1232 = arith.cmpi slt, %reduce_sum3A_1225, %sign3A_1231 : i32
    %sign3A_1233 = arith.extui %sign3A_1232 : i1 to i32
    %sign3A_1234 = arith.subi %sign3A_1230, %sign3A_1233 : i32
    %sign3A_1235 = arith.constant 0 : i32
    %sign3A_1236 = arith.cmpi sgt, %jit3A_1226, %sign3A_1235 : i32
    %sign3A_1237 = arith.extui %sign3A_1236 : i1 to i32
    %sign3A_1238 = arith.constant 0 : i32
    %sign3A_1239 = arith.cmpi slt, %jit3A_1226, %sign3A_1238 : i32
    %sign3A_1240 = arith.extui %sign3A_1239 : i1 to i32
    %sign3A_1241 = arith.subi %sign3A_1237, %sign3A_1240 : i32
    %ne3A_1242 = arith.cmpi ne, %sign3A_1234, %sign3A_1241 : i32
    %rem3A_1243 = arith.remsi %reduce_sum3A_1225, %jit3A_1226 : i32
    %ne3A_1244 = arith.constant 0 : i32
    %ne3A_1245 = arith.cmpi ne, %rem3A_1243, %ne3A_1244 : i32
    %and3A_1246 = arith.andi %ne3A_1242, %ne3A_1245 : i1
    %sub3A_1247 = arith.constant 1 : i32
    %sub3A_1248 = arith.subi %div3A_1227, %sub3A_1247 : i32
    %select_n3A_1249 = arith.select %and3A_1246, %sub3A_1248, %div3A_1227 : i32
    %mul3A_1250 = arith.constant 128 : i32
    %mul3A_1251 = arith.muli %select_n3A_1249, %mul3A_1250 : i32
    %multiple_of3A_1252 = tpu.assume_multiple %mul3A_1251, 128 : i32
    %add3A_1253 = arith.constant 25 : i32
    %add3A_1254 = arith.addi %mul3A_2, %add3A_1253 : i32
    %dma_start3A_1255 = arith.constant 25 : i32
    %dma_start3A_1256 = arith.constant 0 : i32
    %dma_start3A_1257 = tpu.memref_slice %arg6[%dma_start3A_1255, %dma_start3A_1256] : memref<32x128xf32, #tpu.memory_space<vmem>> -> memref<1x128xf32, #tpu.memory_space<vmem>>
    %dma_start3A_1258 = tpu.memref_slice %arg2[%add3A_1254, %multiple_of3A_1252] : memref<1024x100000xf32, #tpu.memory_space<hbm>> -> memref<1x128xf32, #tpu.memory_space<hbm>>
    %dma_start3A_1259 = arith.constant 25 : i32
    %dma_start3A_1260 = arith.constant 0 : i32
    %dma_start3A_1261 = tpu.memref_slice %arg6[%dma_start3A_1259, %dma_start3A_1260] : memref<32x128xf32, #tpu.memory_space<vmem>> -> memref<1x128xf32, #tpu.memory_space<vmem>>
    %dma_start3A_1262 = tpu.memref_slice %arg2[%add3A_1254, %multiple_of3A_1252] : memref<1024x100000xf32, #tpu.memory_space<hbm>> -> memref<1x128xf32, #tpu.memory_space<hbm>>
    tpu.enqueue_dma source(%dma_start3A_1262 : memref<1x128xf32, #tpu.memory_space<hbm>>) target(%dma_start3A_1261 : memref<1x128xf32, #tpu.memory_space<vmem>>) target_semaphore(%arg8 : memref<!tpu.dma_semaphore, #tpu.memory_space<semaphore_mem>>)
    %get3A_1263 = arith.constant 16 : index
    %get3A_1264 = tpu.vector_load %arg5[%get3A_1263] {strides = array<i32>} : memref<32xi32, #tpu.memory_space<vmem>>, vector<16xi32>,
    %eq3A_1265 = arith.constant 10 : i32
    %eq3A_1266 = vector.broadcast %eq3A_1265 : i32 to vector<16xi32>
    %eq3A_1267 = arith.cmpi eq, %iota3A, %eq3A_1266 : vector<16xi32>
    %jit3A_1268 = arith.constant 0 : i32
    %broadcast_in_dim3A_1269 = vector.broadcast %jit3A_1268 : i32 to vector<16xi32>
    %select_n3A_1270 = arith.select %eq3A_1267, %get3A_1264, %broadcast_in_dim3A_1269 : vector<16xi1>, vector<16xi32>
    %reduce_sum3A_1271 = arith.constant true
    %reduce_sum3A_1272 = vector.broadcast %reduce_sum3A_1271 : i1 to vector<16xi1>
    %reduce_sum3A_1273 = tpu.scan <sum>, %select_n3A_1270 masked %reduce_sum3A_1272 : vector<16xi32>, vector<16xi1> -> vector<16xi32>
    %reduce_sum3A_1274 = vector.extract %reduce_sum3A_1273[15] : i32 from vector<16xi32>
    %jit3A_1275 = arith.constant 128 : i32
    %div3A_1276 = arith.divsi %reduce_sum3A_1274, %jit3A_1275 : i32
    %sign3A_1277 = arith.constant 0 : i32
    %sign3A_1278 = arith.cmpi sgt, %reduce_sum3A_1274, %sign3A_1277 : i32
    %sign3A_1279 = arith.extui %sign3A_1278 : i1 to i32
    %sign3A_1280 = arith.constant 0 : i32
    %sign3A_1281 = arith.cmpi slt, %reduce_sum3A_1274, %sign3A_1280 : i32
    %sign3A_1282 = arith.extui %sign3A_1281 : i1 to i32
    %sign3A_1283 = arith.subi %sign3A_1279, %sign3A_1282 : i32
    %sign3A_1284 = arith.constant 0 : i32
    %sign3A_1285 = arith.cmpi sgt, %jit3A_1275, %sign3A_1284 : i32
    %sign3A_1286 = arith.extui %sign3A_1285 : i1 to i32
    %sign3A_1287 = arith.constant 0 : i32
    %sign3A_1288 = arith.cmpi slt, %jit3A_1275, %sign3A_1287 : i32
    %sign3A_1289 = arith.extui %sign3A_1288 : i1 to i32
    %sign3A_1290 = arith.subi %sign3A_1286, %sign3A_1289 : i32
    %ne3A_1291 = arith.cmpi ne, %sign3A_1283, %sign3A_1290 : i32
    %rem3A_1292 = arith.remsi %reduce_sum3A_1274, %jit3A_1275 : i32
    %ne3A_1293 = arith.constant 0 : i32
    %ne3A_1294 = arith.cmpi ne, %rem3A_1292, %ne3A_1293 : i32
    %and3A_1295 = arith.andi %ne3A_1291, %ne3A_1294 : i1
    %sub3A_1296 = arith.constant 1 : i32
    %sub3A_1297 = arith.subi %div3A_1276, %sub3A_1296 : i32
    %select_n3A_1298 = arith.select %and3A_1295, %sub3A_1297, %div3A_1276 : i32
    %mul3A_1299 = arith.constant 128 : i32
    %mul3A_1300 = arith.muli %select_n3A_1298, %mul3A_1299 : i32
    %multiple_of3A_1301 = tpu.assume_multiple %mul3A_1300, 128 : i32
    %add3A_1302 = arith.constant 26 : i32
    %add3A_1303 = arith.addi %mul3A_2, %add3A_1302 : i32
    %dma_start3A_1304 = arith.constant 26 : i32
    %dma_start3A_1305 = arith.constant 0 : i32
    %dma_start3A_1306 = tpu.memref_slice %arg6[%dma_start3A_1304, %dma_start3A_1305] : memref<32x128xf32, #tpu.memory_space<vmem>> -> memref<1x128xf32, #tpu.memory_space<vmem>>
    %dma_start3A_1307 = tpu.memref_slice %arg2[%add3A_1303, %multiple_of3A_1301] : memref<1024x100000xf32, #tpu.memory_space<hbm>> -> memref<1x128xf32, #tpu.memory_space<hbm>>
    %dma_start3A_1308 = arith.constant 26 : i32
    %dma_start3A_1309 = arith.constant 0 : i32
    %dma_start3A_1310 = tpu.memref_slice %arg6[%dma_start3A_1308, %dma_start3A_1309] : memref<32x128xf32, #tpu.memory_space<vmem>> -> memref<1x128xf32, #tpu.memory_space<vmem>>
    %dma_start3A_1311 = tpu.memref_slice %arg2[%add3A_1303, %multiple_of3A_1301] : memref<1024x100000xf32, #tpu.memory_space<hbm>> -> memref<1x128xf32, #tpu.memory_space<hbm>>
    tpu.enqueue_dma source(%dma_start3A_1311 : memref<1x128xf32, #tpu.memory_space<hbm>>) target(%dma_start3A_1310 : memref<1x128xf32, #tpu.memory_space<vmem>>) target_semaphore(%arg8 : memref<!tpu.dma_semaphore, #tpu.memory_space<semaphore_mem>>)
    %get3A_1312 = arith.constant 16 : index
    %get3A_1313 = tpu.vector_load %arg5[%get3A_1312] {strides = array<i32>} : memref<32xi32, #tpu.memory_space<vmem>>, vector<16xi32>,
    %eq3A_1314 = arith.constant 11 : i32
    %eq3A_1315 = vector.broadcast %eq3A_1314 : i32 to vector<16xi32>
    %eq3A_1316 = arith.cmpi eq, %iota3A, %eq3A_1315 : vector<16xi32>
    %jit3A_1317 = arith.constant 0 : i32
    %broadcast_in_dim3A_1318 = vector.broadcast %jit3A_1317 : i32 to vector<16xi32>
    %select_n3A_1319 = arith.select %eq3A_1316, %get3A_1313, %broadcast_in_dim3A_1318 : vector<16xi1>, vector<16xi32>
    %reduce_sum3A_1320 = arith.constant true
    %reduce_sum3A_1321 = vector.broadcast %reduce_sum3A_1320 : i1 to vector<16xi1>
    %reduce_sum3A_1322 = tpu.scan <sum>, %select_n3A_1319 masked %reduce_sum3A_1321 : vector<16xi32>, vector<16xi1> -> vector<16xi32>
    %reduce_sum3A_1323 = vector.extract %reduce_sum3A_1322[15] : i32 from vector<16xi32>
    %jit3A_1324 = arith.constant 128 : i32
    %div3A_1325 = arith.divsi %reduce_sum3A_1323, %jit3A_1324 : i32
    %sign3A_1326 = arith.constant 0 : i32
    %sign3A_1327 = arith.cmpi sgt, %reduce_sum3A_1323, %sign3A_1326 : i32
    %sign3A_1328 = arith.extui %sign3A_1327 : i1 to i32
    %sign3A_1329 = arith.constant 0 : i32
    %sign3A_1330 = arith.cmpi slt, %reduce_sum3A_1323, %sign3A_1329 : i32
    %sign3A_1331 = arith.extui %sign3A_1330 : i1 to i32
    %sign3A_1332 = arith.subi %sign3A_1328, %sign3A_1331 : i32
    %sign3A_1333 = arith.constant 0 : i32
    %sign3A_1334 = arith.cmpi sgt, %jit3A_1324, %sign3A_1333 : i32
    %sign3A_1335 = arith.extui %sign3A_1334 : i1 to i32
    %sign3A_1336 = arith.constant 0 : i32
    %sign3A_1337 = arith.cmpi slt, %jit3A_1324, %sign3A_1336 : i32
    %sign3A_1338 = arith.extui %sign3A_1337 : i1 to i32
    %sign3A_1339 = arith.subi %sign3A_1335, %sign3A_1338 : i32
    %ne3A_1340 = arith.cmpi ne, %sign3A_1332, %sign3A_1339 : i32
    %rem3A_1341 = arith.remsi %reduce_sum3A_1323, %jit3A_1324 : i32
    %ne3A_1342 = arith.constant 0 : i32
    %ne3A_1343 = arith.cmpi ne, %rem3A_1341, %ne3A_1342 : i32
    %and3A_1344 = arith.andi %ne3A_1340, %ne3A_1343 : i1
    %sub3A_1345 = arith.constant 1 : i32
    %sub3A_1346 = arith.subi %div3A_1325, %sub3A_1345 : i32
    %select_n3A_1347 = arith.select %and3A_1344, %sub3A_1346, %div3A_1325 : i32
    %mul3A_1348 = arith.constant 128 : i32
    %mul3A_1349 = arith.muli %select_n3A_1347, %mul3A_1348 : i32
    %multiple_of3A_1350 = tpu.assume_multiple %mul3A_1349, 128 : i32
    %add3A_1351 = arith.constant 27 : i32
    %add3A_1352 = arith.addi %mul3A_2, %add3A_1351 : i32
    %dma_start3A_1353 = arith.constant 27 : i32
    %dma_start3A_1354 = arith.constant 0 : i32
    %dma_start3A_1355 = tpu.memref_slice %arg6[%dma_start3A_1353, %dma_start3A_1354] : memref<32x128xf32, #tpu.memory_space<vmem>> -> memref<1x128xf32, #tpu.memory_space<vmem>>
    %dma_start3A_1356 = tpu.memref_slice %arg2[%add3A_1352, %multiple_of3A_1350] : memref<1024x100000xf32, #tpu.memory_space<hbm>> -> memref<1x128xf32, #tpu.memory_space<hbm>>
    %dma_start3A_1357 = arith.constant 27 : i32
    %dma_start3A_1358 = arith.constant 0 : i32
    %dma_start3A_1359 = tpu.memref_slice %arg6[%dma_start3A_1357, %dma_start3A_1358] : memref<32x128xf32, #tpu.memory_space<vmem>> -> memref<1x128xf32, #tpu.memory_space<vmem>>
    %dma_start3A_1360 = tpu.memref_slice %arg2[%add3A_1352, %multiple_of3A_1350] : memref<1024x100000xf32, #tpu.memory_space<hbm>> -> memref<1x128xf32, #tpu.memory_space<hbm>>
    tpu.enqueue_dma source(%dma_start3A_1360 : memref<1x128xf32, #tpu.memory_space<hbm>>) target(%dma_start3A_1359 : memref<1x128xf32, #tpu.memory_space<vmem>>) target_semaphore(%arg8 : memref<!tpu.dma_semaphore, #tpu.memory_space<semaphore_mem>>)
    %get3A_1361 = arith.constant 16 : index
    %get3A_1362 = tpu.vector_load %arg5[%get3A_1361] {strides = array<i32>} : memref<32xi32, #tpu.memory_space<vmem>>, vector<16xi32>,
    %eq3A_1363 = arith.constant 12 : i32
    %eq3A_1364 = vector.broadcast %eq3A_1363 : i32 to vector<16xi32>
    %eq3A_1365 = arith.cmpi eq, %iota3A, %eq3A_1364 : vector<16xi32>
    %jit3A_1366 = arith.constant 0 : i32
    %broadcast_in_dim3A_1367 = vector.broadcast %jit3A_1366 : i32 to vector<16xi32>
    %select_n3A_1368 = arith.select %eq3A_1365, %get3A_1362, %broadcast_in_dim3A_1367 : vector<16xi1>, vector<16xi32>
    %reduce_sum3A_1369 = arith.constant true
    %reduce_sum3A_1370 = vector.broadcast %reduce_sum3A_1369 : i1 to vector<16xi1>
    %reduce_sum3A_1371 = tpu.scan <sum>, %select_n3A_1368 masked %reduce_sum3A_1370 : vector<16xi32>, vector<16xi1> -> vector<16xi32>
    %reduce_sum3A_1372 = vector.extract %reduce_sum3A_1371[15] : i32 from vector<16xi32>
    %jit3A_1373 = arith.constant 128 : i32
    %div3A_1374 = arith.divsi %reduce_sum3A_1372, %jit3A_1373 : i32
    %sign3A_1375 = arith.constant 0 : i32
    %sign3A_1376 = arith.cmpi sgt, %reduce_sum3A_1372, %sign3A_1375 : i32
    %sign3A_1377 = arith.extui %sign3A_1376 : i1 to i32
    %sign3A_1378 = arith.constant 0 : i32
    %sign3A_1379 = arith.cmpi slt, %reduce_sum3A_1372, %sign3A_1378 : i32
    %sign3A_1380 = arith.extui %sign3A_1379 : i1 to i32
    %sign3A_1381 = arith.subi %sign3A_1377, %sign3A_1380 : i32
    %sign3A_1382 = arith.constant 0 : i32
    %sign3A_1383 = arith.cmpi sgt, %jit3A_1373, %sign3A_1382 : i32
    %sign3A_1384 = arith.extui %sign3A_1383 : i1 to i32
    %sign3A_1385 = arith.constant 0 : i32
    %sign3A_1386 = arith.cmpi slt, %jit3A_1373, %sign3A_1385 : i32
    %sign3A_1387 = arith.extui %sign3A_1386 : i1 to i32
    %sign3A_1388 = arith.subi %sign3A_1384, %sign3A_1387 : i32
    %ne3A_1389 = arith.cmpi ne, %sign3A_1381, %sign3A_1388 : i32
    %rem3A_1390 = arith.remsi %reduce_sum3A_1372, %jit3A_1373 : i32
    %ne3A_1391 = arith.constant 0 : i32
    %ne3A_1392 = arith.cmpi ne, %rem3A_1390, %ne3A_1391 : i32
    %and3A_1393 = arith.andi %ne3A_1389, %ne3A_1392 : i1
    %sub3A_1394 = arith.constant 1 : i32
    %sub3A_1395 = arith.subi %div3A_1374, %sub3A_1394 : i32
    %select_n3A_1396 = arith.select %and3A_1393, %sub3A_1395, %div3A_1374 : i32
    %mul3A_1397 = arith.constant 128 : i32
    %mul3A_1398 = arith.muli %select_n3A_1396, %mul3A_1397 : i32
    %multiple_of3A_1399 = tpu.assume_multiple %mul3A_1398, 128 : i32
    %add3A_1400 = arith.constant 28 : i32
    %add3A_1401 = arith.addi %mul3A_2, %add3A_1400 : i32
    %dma_start3A_1402 = arith.constant 28 : i32
    %dma_start3A_1403 = arith.constant 0 : i32
    %dma_start3A_1404 = tpu.memref_slice %arg6[%dma_start3A_1402, %dma_start3A_1403] : memref<32x128xf32, #tpu.memory_space<vmem>> -> memref<1x128xf32, #tpu.memory_space<vmem>>
    %dma_start3A_1405 = tpu.memref_slice %arg2[%add3A_1401, %multiple_of3A_1399] : memref<1024x100000xf32, #tpu.memory_space<hbm>> -> memref<1x128xf32, #tpu.memory_space<hbm>>
    %dma_start3A_1406 = arith.constant 28 : i32
    %dma_start3A_1407 = arith.constant 0 : i32
    %dma_start3A_1408 = tpu.memref_slice %arg6[%dma_start3A_1406, %dma_start3A_1407] : memref<32x128xf32, #tpu.memory_space<vmem>> -> memref<1x128xf32, #tpu.memory_space<vmem>>
    %dma_start3A_1409 = tpu.memref_slice %arg2[%add3A_1401, %multiple_of3A_1399] : memref<1024x100000xf32, #tpu.memory_space<hbm>> -> memref<1x128xf32, #tpu.memory_space<hbm>>
    tpu.enqueue_dma source(%dma_start3A_1409 : memref<1x128xf32, #tpu.memory_space<hbm>>) target(%dma_start3A_1408 : memref<1x128xf32, #tpu.memory_space<vmem>>) target_semaphore(%arg8 : memref<!tpu.dma_semaphore, #tpu.memory_space<semaphore_mem>>)
    %get3A_1410 = arith.constant 16 : index
    %get3A_1411 = tpu.vector_load %arg5[%get3A_1410] {strides = array<i32>} : memref<32xi32, #tpu.memory_space<vmem>>, vector<16xi32>,
    %eq3A_1412 = arith.constant 13 : i32
    %eq3A_1413 = vector.broadcast %eq3A_1412 : i32 to vector<16xi32>
    %eq3A_1414 = arith.cmpi eq, %iota3A, %eq3A_1413 : vector<16xi32>
    %jit3A_1415 = arith.constant 0 : i32
    %broadcast_in_dim3A_1416 = vector.broadcast %jit3A_1415 : i32 to vector<16xi32>
    %select_n3A_1417 = arith.select %eq3A_1414, %get3A_1411, %broadcast_in_dim3A_1416 : vector<16xi1>, vector<16xi32>
    %reduce_sum3A_1418 = arith.constant true
    %reduce_sum3A_1419 = vector.broadcast %reduce_sum3A_1418 : i1 to vector<16xi1>
    %reduce_sum3A_1420 = tpu.scan <sum>, %select_n3A_1417 masked %reduce_sum3A_1419 : vector<16xi32>, vector<16xi1> -> vector<16xi32>
    %reduce_sum3A_1421 = vector.extract %reduce_sum3A_1420[15] : i32 from vector<16xi32>
    %jit3A_1422 = arith.constant 128 : i32
    %div3A_1423 = arith.divsi %reduce_sum3A_1421, %jit3A_1422 : i32
    %sign3A_1424 = arith.constant 0 : i32
    %sign3A_1425 = arith.cmpi sgt, %reduce_sum3A_1421, %sign3A_1424 : i32
    %sign3A_1426 = arith.extui %sign3A_1425 : i1 to i32
    %sign3A_1427 = arith.constant 0 : i32
    %sign3A_1428 = arith.cmpi slt, %reduce_sum3A_1421, %sign3A_1427 : i32
    %sign3A_1429 = arith.extui %sign3A_1428 : i1 to i32
    %sign3A_1430 = arith.subi %sign3A_1426, %sign3A_1429 : i32
    %sign3A_1431 = arith.constant 0 : i32
    %sign3A_1432 = arith.cmpi sgt, %jit3A_1422, %sign3A_1431 : i32
    %sign3A_1433 = arith.extui %sign3A_1432 : i1 to i32
    %sign3A_1434 = arith.constant 0 : i32
    %sign3A_1435 = arith.cmpi slt, %jit3A_1422, %sign3A_1434 : i32
    %sign3A_1436 = arith.extui %sign3A_1435 : i1 to i32
    %sign3A_1437 = arith.subi %sign3A_1433, %sign3A_1436 : i32
    %ne3A_1438 = arith.cmpi ne, %sign3A_1430, %sign3A_1437 : i32
    %rem3A_1439 = arith.remsi %reduce_sum3A_1421, %jit3A_1422 : i32
    %ne3A_1440 = arith.constant 0 : i32
    %ne3A_1441 = arith.cmpi ne, %rem3A_1439, %ne3A_1440 : i32
    %and3A_1442 = arith.andi %ne3A_1438, %ne3A_1441 : i1
    %sub3A_1443 = arith.constant 1 : i32
    %sub3A_1444 = arith.subi %div3A_1423, %sub3A_1443 : i32
    %select_n3A_1445 = arith.select %and3A_1442, %sub3A_1444, %div3A_1423 : i32
    %mul3A_1446 = arith.constant 128 : i32
    %mul3A_1447 = arith.muli %select_n3A_1445, %mul3A_1446 : i32
    %multiple_of3A_1448 = tpu.assume_multiple %mul3A_1447, 128 : i32
    %add3A_1449 = arith.constant 29 : i32
    %add3A_1450 = arith.addi %mul3A_2, %add3A_1449 : i32
    %dma_start3A_1451 = arith.constant 29 : i32
    %dma_start3A_1452 = arith.constant 0 : i32
    %dma_start3A_1453 = tpu.memref_slice %arg6[%dma_start3A_1451, %dma_start3A_1452] : memref<32x128xf32, #tpu.memory_space<vmem>> -> memref<1x128xf32, #tpu.memory_space<vmem>>
    %dma_start3A_1454 = tpu.memref_slice %arg2[%add3A_1450, %multiple_of3A_1448] : memref<1024x100000xf32, #tpu.memory_space<hbm>> -> memref<1x128xf32, #tpu.memory_space<hbm>>
    %dma_start3A_1455 = arith.constant 29 : i32
    %dma_start3A_1456 = arith.constant 0 : i32
    %dma_start3A_1457 = tpu.memref_slice %arg6[%dma_start3A_1455, %dma_start3A_1456] : memref<32x128xf32, #tpu.memory_space<vmem>> -> memref<1x128xf32, #tpu.memory_space<vmem>>
    %dma_start3A_1458 = tpu.memref_slice %arg2[%add3A_1450, %multiple_of3A_1448] : memref<1024x100000xf32, #tpu.memory_space<hbm>> -> memref<1x128xf32, #tpu.memory_space<hbm>>
    tpu.enqueue_dma source(%dma_start3A_1458 : memref<1x128xf32, #tpu.memory_space<hbm>>) target(%dma_start3A_1457 : memref<1x128xf32, #tpu.memory_space<vmem>>) target_semaphore(%arg8 : memref<!tpu.dma_semaphore, #tpu.memory_space<semaphore_mem>>)
    %get3A_1459 = arith.constant 16 : index
    %get3A_1460 = tpu.vector_load %arg5[%get3A_1459] {strides = array<i32>} : memref<32xi32, #tpu.memory_space<vmem>>, vector<16xi32>,
    %eq3A_1461 = arith.constant 14 : i32
    %eq3A_1462 = vector.broadcast %eq3A_1461 : i32 to vector<16xi32>
    %eq3A_1463 = arith.cmpi eq, %iota3A, %eq3A_1462 : vector<16xi32>
    %jit3A_1464 = arith.constant 0 : i32
    %broadcast_in_dim3A_1465 = vector.broadcast %jit3A_1464 : i32 to vector<16xi32>
    %select_n3A_1466 = arith.select %eq3A_1463, %get3A_1460, %broadcast_in_dim3A_1465 : vector<16xi1>, vector<16xi32>
    %reduce_sum3A_1467 = arith.constant true
    %reduce_sum3A_1468 = vector.broadcast %reduce_sum3A_1467 : i1 to vector<16xi1>
    %reduce_sum3A_1469 = tpu.scan <sum>, %select_n3A_1466 masked %reduce_sum3A_1468 : vector<16xi32>, vector<16xi1> -> vector<16xi32>
    %reduce_sum3A_1470 = vector.extract %reduce_sum3A_1469[15] : i32 from vector<16xi32>
    %jit3A_1471 = arith.constant 128 : i32
    %div3A_1472 = arith.divsi %reduce_sum3A_1470, %jit3A_1471 : i32
    %sign3A_1473 = arith.constant 0 : i32
    %sign3A_1474 = arith.cmpi sgt, %reduce_sum3A_1470, %sign3A_1473 : i32
    %sign3A_1475 = arith.extui %sign3A_1474 : i1 to i32
    %sign3A_1476 = arith.constant 0 : i32
    %sign3A_1477 = arith.cmpi slt, %reduce_sum3A_1470, %sign3A_1476 : i32
    %sign3A_1478 = arith.extui %sign3A_1477 : i1 to i32
    %sign3A_1479 = arith.subi %sign3A_1475, %sign3A_1478 : i32
    %sign3A_1480 = arith.constant 0 : i32
    %sign3A_1481 = arith.cmpi sgt, %jit3A_1471, %sign3A_1480 : i32
    %sign3A_1482 = arith.extui %sign3A_1481 : i1 to i32
    %sign3A_1483 = arith.constant 0 : i32
    %sign3A_1484 = arith.cmpi slt, %jit3A_1471, %sign3A_1483 : i32
    %sign3A_1485 = arith.extui %sign3A_1484 : i1 to i32
    %sign3A_1486 = arith.subi %sign3A_1482, %sign3A_1485 : i32
    %ne3A_1487 = arith.cmpi ne, %sign3A_1479, %sign3A_1486 : i32
    %rem3A_1488 = arith.remsi %reduce_sum3A_1470, %jit3A_1471 : i32
    %ne3A_1489 = arith.constant 0 : i32
    %ne3A_1490 = arith.cmpi ne, %rem3A_1488, %ne3A_1489 : i32
    %and3A_1491 = arith.andi %ne3A_1487, %ne3A_1490 : i1
    %sub3A_1492 = arith.constant 1 : i32
    %sub3A_1493 = arith.subi %div3A_1472, %sub3A_1492 : i32
    %select_n3A_1494 = arith.select %and3A_1491, %sub3A_1493, %div3A_1472 : i32
    %mul3A_1495 = arith.constant 128 : i32
    %mul3A_1496 = arith.muli %select_n3A_1494, %mul3A_1495 : i32
    %multiple_of3A_1497 = tpu.assume_multiple %mul3A_1496, 128 : i32
    %add3A_1498 = arith.constant 30 : i32
    %add3A_1499 = arith.addi %mul3A_2, %add3A_1498 : i32
    %dma_start3A_1500 = arith.constant 30 : i32
    %dma_start3A_1501 = arith.constant 0 : i32
    %dma_start3A_1502 = tpu.memref_slice %arg6[%dma_start3A_1500, %dma_start3A_1501] : memref<32x128xf32, #tpu.memory_space<vmem>> -> memref<1x128xf32, #tpu.memory_space<vmem>>
    %dma_start3A_1503 = tpu.memref_slice %arg2[%add3A_1499, %multiple_of3A_1497] : memref<1024x100000xf32, #tpu.memory_space<hbm>> -> memref<1x128xf32, #tpu.memory_space<hbm>>
    %dma_start3A_1504 = arith.constant 30 : i32
    %dma_start3A_1505 = arith.constant 0 : i32
    %dma_start3A_1506 = tpu.memref_slice %arg6[%dma_start3A_1504, %dma_start3A_1505] : memref<32x128xf32, #tpu.memory_space<vmem>> -> memref<1x128xf32, #tpu.memory_space<vmem>>
    %dma_start3A_1507 = tpu.memref_slice %arg2[%add3A_1499, %multiple_of3A_1497] : memref<1024x100000xf32, #tpu.memory_space<hbm>> -> memref<1x128xf32, #tpu.memory_space<hbm>>
    tpu.enqueue_dma source(%dma_start3A_1507 : memref<1x128xf32, #tpu.memory_space<hbm>>) target(%dma_start3A_1506 : memref<1x128xf32, #tpu.memory_space<vmem>>) target_semaphore(%arg8 : memref<!tpu.dma_semaphore, #tpu.memory_space<semaphore_mem>>)
    %get3A_1508 = arith.constant 16 : index
    %get3A_1509 = tpu.vector_load %arg5[%get3A_1508] {strides = array<i32>} : memref<32xi32, #tpu.memory_space<vmem>>, vector<16xi32>,
    %eq3A_1510 = arith.constant 15 : i32
    %eq3A_1511 = vector.broadcast %eq3A_1510 : i32 to vector<16xi32>
    %eq3A_1512 = arith.cmpi eq, %iota3A, %eq3A_1511 : vector<16xi32>
    %jit3A_1513 = arith.constant 0 : i32
    %broadcast_in_dim3A_1514 = vector.broadcast %jit3A_1513 : i32 to vector<16xi32>
    %select_n3A_1515 = arith.select %eq3A_1512, %get3A_1509, %broadcast_in_dim3A_1514 : vector<16xi1>, vector<16xi32>
    %reduce_sum3A_1516 = arith.constant true
    %reduce_sum3A_1517 = vector.broadcast %reduce_sum3A_1516 : i1 to vector<16xi1>
    %reduce_sum3A_1518 = tpu.scan <sum>, %select_n3A_1515 masked %reduce_sum3A_1517 : vector<16xi32>, vector<16xi1> -> vector<16xi32>
    %reduce_sum3A_1519 = vector.extract %reduce_sum3A_1518[15] : i32 from vector<16xi32>
    %jit3A_1520 = arith.constant 128 : i32
    %div3A_1521 = arith.divsi %reduce_sum3A_1519, %jit3A_1520 : i32
    %sign3A_1522 = arith.constant 0 : i32
    %sign3A_1523 = arith.cmpi sgt, %reduce_sum3A_1519, %sign3A_1522 : i32
    %sign3A_1524 = arith.extui %sign3A_1523 : i1 to i32
    %sign3A_1525 = arith.constant 0 : i32
    %sign3A_1526 = arith.cmpi slt, %reduce_sum3A_1519, %sign3A_1525 : i32
    %sign3A_1527 = arith.extui %sign3A_1526 : i1 to i32
    %sign3A_1528 = arith.subi %sign3A_1524, %sign3A_1527 : i32
    %sign3A_1529 = arith.constant 0 : i32
    %sign3A_1530 = arith.cmpi sgt, %jit3A_1520, %sign3A_1529 : i32
    %sign3A_1531 = arith.extui %sign3A_1530 : i1 to i32
    %sign3A_1532 = arith.constant 0 : i32
    %sign3A_1533 = arith.cmpi slt, %jit3A_1520, %sign3A_1532 : i32
    %sign3A_1534 = arith.extui %sign3A_1533 : i1 to i32
    %sign3A_1535 = arith.subi %sign3A_1531, %sign3A_1534 : i32
    %ne3A_1536 = arith.cmpi ne, %sign3A_1528, %sign3A_1535 : i32
    %rem3A_1537 = arith.remsi %reduce_sum3A_1519, %jit3A_1520 : i32
    %ne3A_1538 = arith.constant 0 : i32
    %ne3A_1539 = arith.cmpi ne, %rem3A_1537, %ne3A_1538 : i32
    %and3A_1540 = arith.andi %ne3A_1536, %ne3A_1539 : i1
    %sub3A_1541 = arith.constant 1 : i32
    %sub3A_1542 = arith.subi %div3A_1521, %sub3A_1541 : i32
    %select_n3A_1543 = arith.select %and3A_1540, %sub3A_1542, %div3A_1521 : i32
    %mul3A_1544 = arith.constant 128 : i32
    %mul3A_1545 = arith.muli %select_n3A_1543, %mul3A_1544 : i32
    %multiple_of3A_1546 = tpu.assume_multiple %mul3A_1545, 128 : i32
    %add3A_1547 = arith.constant 31 : i32
    %add3A_1548 = arith.addi %mul3A_2, %add3A_1547 : i32
    %dma_start3A_1549 = arith.constant 31 : i32
    %dma_start3A_1550 = arith.constant 0 : i32
    %dma_start3A_1551 = tpu.memref_slice %arg6[%dma_start3A_1549, %dma_start3A_1550] : memref<32x128xf32, #tpu.memory_space<vmem>> -> memref<1x128xf32, #tpu.memory_space<vmem>>
    %dma_start3A_1552 = tpu.memref_slice %arg2[%add3A_1548, %multiple_of3A_1546] : memref<1024x100000xf32, #tpu.memory_space<hbm>> -> memref<1x128xf32, #tpu.memory_space<hbm>>
    %dma_start3A_1553 = arith.constant 31 : i32
    %dma_start3A_1554 = arith.constant 0 : i32
    %dma_start3A_1555 = tpu.memref_slice %arg6[%dma_start3A_1553, %dma_start3A_1554] : memref<32x128xf32, #tpu.memory_space<vmem>> -> memref<1x128xf32, #tpu.memory_space<vmem>>
    %dma_start3A_1556 = tpu.memref_slice %arg2[%add3A_1548, %multiple_of3A_1546] : memref<1024x100000xf32, #tpu.memory_space<hbm>> -> memref<1x128xf32, #tpu.memory_space<hbm>>
    tpu.enqueue_dma source(%dma_start3A_1556 : memref<1x128xf32, #tpu.memory_space<hbm>>) target(%dma_start3A_1555 : memref<1x128xf32, #tpu.memory_space<vmem>>) target_semaphore(%arg8 : memref<!tpu.dma_semaphore, #tpu.memory_space<semaphore_mem>>)
    %dma_wait3A = arith.constant 0 : i32
    %dma_wait3A_1557 = arith.constant 0 : i32
    %dma_wait3A_1558 = tpu.memref_slice %arg6[%dma_wait3A, %dma_wait3A_1557] : memref<32x128xf32, #tpu.memory_space<vmem>> -> memref<1x128xf32, #tpu.memory_space<vmem>>
    %dma_wait3A_1559 = tpu.memref_slice %arg2[%add3A_30, %multiple_of3A] : memref<1024x100000xf32, #tpu.memory_space<hbm>> -> memref<1x128xf32, #tpu.memory_space<hbm>>
    %dma_wait3A_1560 = arith.constant 0 : i32
    %dma_wait3A_1561 = arith.constant 0 : i32
    %dma_wait3A_1562 = tpu.memref_slice %arg6[%dma_wait3A_1560, %dma_wait3A_1561] : memref<32x128xf32, #tpu.memory_space<vmem>> -> memref<1x128xf32, #tpu.memory_space<vmem>>
    %dma_wait3A_1563 = tpu.memref_slice %arg2[%add3A_30, %multiple_of3A] : memref<1024x100000xf32, #tpu.memory_space<hbm>> -> memref<1x128xf32, #tpu.memory_space<hbm>>
    tpu.wait_dma2 semaphore(%arg8 : memref<!tpu.dma_semaphore, #tpu.memory_space<semaphore_mem>>) src(%dma_wait3A_1563 : memref<1x128xf32, #tpu.memory_space<hbm>>) dst(%dma_wait3A_1562 : memref<1x128xf32, #tpu.memory_space<vmem>>)
    %dma_wait3A_1564 = arith.constant 1 : i32
    %dma_wait3A_1565 = arith.constant 0 : i32
    %dma_wait3A_1566 = tpu.memref_slice %arg6[%dma_wait3A_1564, %dma_wait3A_1565] : memref<32x128xf32, #tpu.memory_space<vmem>> -> memref<1x128xf32, #tpu.memory_space<vmem>>
    %dma_wait3A_1567 = tpu.memref_slice %arg2[%add3A_78, %multiple_of3A_76] : memref<1024x100000xf32, #tpu.memory_space<hbm>> -> memref<1x128xf32, #tpu.memory_space<hbm>>
    %dma_wait3A_1568 = arith.constant 1 : i32
    %dma_wait3A_1569 = arith.constant 0 : i32
    %dma_wait3A_1570 = tpu.memref_slice %arg6[%dma_wait3A_1568, %dma_wait3A_1569] : memref<32x128xf32, #tpu.memory_space<vmem>> -> memref<1x128xf32, #tpu.memory_space<vmem>>
    %dma_wait3A_1571 = tpu.memref_slice %arg2[%add3A_78, %multiple_of3A_76] : memref<1024x100000xf32, #tpu.memory_space<hbm>> -> memref<1x128xf32, #tpu.memory_space<hbm>>
    tpu.wait_dma2 semaphore(%arg8 : memref<!tpu.dma_semaphore, #tpu.memory_space<semaphore_mem>>) src(%dma_wait3A_1571 : memref<1x128xf32, #tpu.memory_space<hbm>>) dst(%dma_wait3A_1570 : memref<1x128xf32, #tpu.memory_space<vmem>>)
    %dma_wait3A_1572 = arith.constant 2 : i32
    %dma_wait3A_1573 = arith.constant 0 : i32
    %dma_wait3A_1574 = tpu.memref_slice %arg6[%dma_wait3A_1572, %dma_wait3A_1573] : memref<32x128xf32, #tpu.memory_space<vmem>> -> memref<1x128xf32, #tpu.memory_space<vmem>>
    %dma_wait3A_1575 = tpu.memref_slice %arg2[%add3A_127, %multiple_of3A_125] : memref<1024x100000xf32, #tpu.memory_space<hbm>> -> memref<1x128xf32, #tpu.memory_space<hbm>>
    %dma_wait3A_1576 = arith.constant 2 : i32
    %dma_wait3A_1577 = arith.constant 0 : i32
    %dma_wait3A_1578 = tpu.memref_slice %arg6[%dma_wait3A_1576, %dma_wait3A_1577] : memref<32x128xf32, #tpu.memory_space<vmem>> -> memref<1x128xf32, #tpu.memory_space<vmem>>
    %dma_wait3A_1579 = tpu.memref_slice %arg2[%add3A_127, %multiple_of3A_125] : memref<1024x100000xf32, #tpu.memory_space<hbm>> -> memref<1x128xf32, #tpu.memory_space<hbm>>
    tpu.wait_dma2 semaphore(%arg8 : memref<!tpu.dma_semaphore, #tpu.memory_space<semaphore_mem>>) src(%dma_wait3A_1579 : memref<1x128xf32, #tpu.memory_space<hbm>>) dst(%dma_wait3A_1578 : memref<1x128xf32, #tpu.memory_space<vmem>>)
    %dma_wait3A_1580 = arith.constant 3 : i32
    %dma_wait3A_1581 = arith.constant 0 : i32
    %dma_wait3A_1582 = tpu.memref_slice %arg6[%dma_wait3A_1580, %dma_wait3A_1581] : memref<32x128xf32, #tpu.memory_space<vmem>> -> memref<1x128xf32, #tpu.memory_space<vmem>>
    %dma_wait3A_1583 = tpu.memref_slice %arg2[%add3A_176, %multiple_of3A_174] : memref<1024x100000xf32, #tpu.memory_space<hbm>> -> memref<1x128xf32, #tpu.memory_space<hbm>>
    %dma_wait3A_1584 = arith.constant 3 : i32
    %dma_wait3A_1585 = arith.constant 0 : i32
    %dma_wait3A_1586 = tpu.memref_slice %arg6[%dma_wait3A_1584, %dma_wait3A_1585] : memref<32x128xf32, #tpu.memory_space<vmem>> -> memref<1x128xf32, #tpu.memory_space<vmem>>
    %dma_wait3A_1587 = tpu.memref_slice %arg2[%add3A_176, %multiple_of3A_174] : memref<1024x100000xf32, #tpu.memory_space<hbm>> -> memref<1x128xf32, #tpu.memory_space<hbm>>
    tpu.wait_dma2 semaphore(%arg8 : memref<!tpu.dma_semaphore, #tpu.memory_space<semaphore_mem>>) src(%dma_wait3A_1587 : memref<1x128xf32, #tpu.memory_space<hbm>>) dst(%dma_wait3A_1586 : memref<1x128xf32, #tpu.memory_space<vmem>>)
    %dma_wait3A_1588 = arith.constant 4 : i32
    %dma_wait3A_1589 = arith.constant 0 : i32
    %dma_wait3A_1590 = tpu.memref_slice %arg6[%dma_wait3A_1588, %dma_wait3A_1589] : memref<32x128xf32, #tpu.memory_space<vmem>> -> memref<1x128xf32, #tpu.memory_space<vmem>>
    %dma_wait3A_1591 = tpu.memref_slice %arg2[%add3A_225, %multiple_of3A_223] : memref<1024x100000xf32, #tpu.memory_space<hbm>> -> memref<1x128xf32, #tpu.memory_space<hbm>>
    %dma_wait3A_1592 = arith.constant 4 : i32
    %dma_wait3A_1593 = arith.constant 0 : i32
    %dma_wait3A_1594 = tpu.memref_slice %arg6[%dma_wait3A_1592, %dma_wait3A_1593] : memref<32x128xf32, #tpu.memory_space<vmem>> -> memref<1x128xf32, #tpu.memory_space<vmem>>
    %dma_wait3A_1595 = tpu.memref_slice %arg2[%add3A_225, %multiple_of3A_223] : memref<1024x100000xf32, #tpu.memory_space<hbm>> -> memref<1x128xf32, #tpu.memory_space<hbm>>
    tpu.wait_dma2 semaphore(%arg8 : memref<!tpu.dma_semaphore, #tpu.memory_space<semaphore_mem>>) src(%dma_wait3A_1595 : memref<1x128xf32, #tpu.memory_space<hbm>>) dst(%dma_wait3A_1594 : memref<1x128xf32, #tpu.memory_space<vmem>>)
    %dma_wait3A_1596 = arith.constant 5 : i32
    %dma_wait3A_1597 = arith.constant 0 : i32
    %dma_wait3A_1598 = tpu.memref_slice %arg6[%dma_wait3A_1596, %dma_wait3A_1597] : memref<32x128xf32, #tpu.memory_space<vmem>> -> memref<1x128xf32, #tpu.memory_space<vmem>>
    %dma_wait3A_1599 = tpu.memref_slice %arg2[%add3A_274, %multiple_of3A_272] : memref<1024x100000xf32, #tpu.memory_space<hbm>> -> memref<1x128xf32, #tpu.memory_space<hbm>>
    %dma_wait3A_1600 = arith.constant 5 : i32
    %dma_wait3A_1601 = arith.constant 0 : i32
    %dma_wait3A_1602 = tpu.memref_slice %arg6[%dma_wait3A_1600, %dma_wait3A_1601] : memref<32x128xf32, #tpu.memory_space<vmem>> -> memref<1x128xf32, #tpu.memory_space<vmem>>
    %dma_wait3A_1603 = tpu.memref_slice %arg2[%add3A_274, %multiple_of3A_272] : memref<1024x100000xf32, #tpu.memory_space<hbm>> -> memref<1x128xf32, #tpu.memory_space<hbm>>
    tpu.wait_dma2 semaphore(%arg8 : memref<!tpu.dma_semaphore, #tpu.memory_space<semaphore_mem>>) src(%dma_wait3A_1603 : memref<1x128xf32, #tpu.memory_space<hbm>>) dst(%dma_wait3A_1602 : memref<1x128xf32, #tpu.memory_space<vmem>>)
    %dma_wait3A_1604 = arith.constant 6 : i32
    %dma_wait3A_1605 = arith.constant 0 : i32
    %dma_wait3A_1606 = tpu.memref_slice %arg6[%dma_wait3A_1604, %dma_wait3A_1605] : memref<32x128xf32, #tpu.memory_space<vmem>> -> memref<1x128xf32, #tpu.memory_space<vmem>>
    %dma_wait3A_1607 = tpu.memref_slice %arg2[%add3A_323, %multiple_of3A_321] : memref<1024x100000xf32, #tpu.memory_space<hbm>> -> memref<1x128xf32, #tpu.memory_space<hbm>>
    %dma_wait3A_1608 = arith.constant 6 : i32
    %dma_wait3A_1609 = arith.constant 0 : i32
    %dma_wait3A_1610 = tpu.memref_slice %arg6[%dma_wait3A_1608, %dma_wait3A_1609] : memref<32x128xf32, #tpu.memory_space<vmem>> -> memref<1x128xf32, #tpu.memory_space<vmem>>
    %dma_wait3A_1611 = tpu.memref_slice %arg2[%add3A_323, %multiple_of3A_321] : memref<1024x100000xf32, #tpu.memory_space<hbm>> -> memref<1x128xf32, #tpu.memory_space<hbm>>
    tpu.wait_dma2 semaphore(%arg8 : memref<!tpu.dma_semaphore, #tpu.memory_space<semaphore_mem>>) src(%dma_wait3A_1611 : memref<1x128xf32, #tpu.memory_space<hbm>>) dst(%dma_wait3A_1610 : memref<1x128xf32, #tpu.memory_space<vmem>>)
    %dma_wait3A_1612 = arith.constant 7 : i32
    %dma_wait3A_1613 = arith.constant 0 : i32
    %dma_wait3A_1614 = tpu.memref_slice %arg6[%dma_wait3A_1612, %dma_wait3A_1613] : memref<32x128xf32, #tpu.memory_space<vmem>> -> memref<1x128xf32, #tpu.memory_space<vmem>>
    %dma_wait3A_1615 = tpu.memref_slice %arg2[%add3A_372, %multiple_of3A_370] : memref<1024x100000xf32, #tpu.memory_space<hbm>> -> memref<1x128xf32, #tpu.memory_space<hbm>>
    %dma_wait3A_1616 = arith.constant 7 : i32
    %dma_wait3A_1617 = arith.constant 0 : i32
    %dma_wait3A_1618 = tpu.memref_slice %arg6[%dma_wait3A_1616, %dma_wait3A_1617] : memref<32x128xf32, #tpu.memory_space<vmem>> -> memref<1x128xf32, #tpu.memory_space<vmem>>
    %dma_wait3A_1619 = tpu.memref_slice %arg2[%add3A_372, %multiple_of3A_370] : memref<1024x100000xf32, #tpu.memory_space<hbm>> -> memref<1x128xf32, #tpu.memory_space<hbm>>
    tpu.wait_dma2 semaphore(%arg8 : memref<!tpu.dma_semaphore, #tpu.memory_space<semaphore_mem>>) src(%dma_wait3A_1619 : memref<1x128xf32, #tpu.memory_space<hbm>>) dst(%dma_wait3A_1618 : memref<1x128xf32, #tpu.memory_space<vmem>>)
    %dma_wait3A_1620 = arith.constant 8 : i32
    %dma_wait3A_1621 = arith.constant 0 : i32
    %dma_wait3A_1622 = tpu.memref_slice %arg6[%dma_wait3A_1620, %dma_wait3A_1621] : memref<32x128xf32, #tpu.memory_space<vmem>> -> memref<1x128xf32, #tpu.memory_space<vmem>>
    %dma_wait3A_1623 = tpu.memref_slice %arg2[%add3A_421, %multiple_of3A_419] : memref<1024x100000xf32, #tpu.memory_space<hbm>> -> memref<1x128xf32, #tpu.memory_space<hbm>>
    %dma_wait3A_1624 = arith.constant 8 : i32
    %dma_wait3A_1625 = arith.constant 0 : i32
    %dma_wait3A_1626 = tpu.memref_slice %arg6[%dma_wait3A_1624, %dma_wait3A_1625] : memref<32x128xf32, #tpu.memory_space<vmem>> -> memref<1x128xf32, #tpu.memory_space<vmem>>
    %dma_wait3A_1627 = tpu.memref_slice %arg2[%add3A_421, %multiple_of3A_419] : memref<1024x100000xf32, #tpu.memory_space<hbm>> -> memref<1x128xf32, #tpu.memory_space<hbm>>
    tpu.wait_dma2 semaphore(%arg8 : memref<!tpu.dma_semaphore, #tpu.memory_space<semaphore_mem>>) src(%dma_wait3A_1627 : memref<1x128xf32, #tpu.memory_space<hbm>>) dst(%dma_wait3A_1626 : memref<1x128xf32, #tpu.memory_space<vmem>>)
    %dma_wait3A_1628 = arith.constant 9 : i32
    %dma_wait3A_1629 = arith.constant 0 : i32
    %dma_wait3A_1630 = tpu.memref_slice %arg6[%dma_wait3A_1628, %dma_wait3A_1629] : memref<32x128xf32, #tpu.memory_space<vmem>> -> memref<1x128xf32, #tpu.memory_space<vmem>>
    %dma_wait3A_1631 = tpu.memref_slice %arg2[%add3A_470, %multiple_of3A_468] : memref<1024x100000xf32, #tpu.memory_space<hbm>> -> memref<1x128xf32, #tpu.memory_space<hbm>>
    %dma_wait3A_1632 = arith.constant 9 : i32
    %dma_wait3A_1633 = arith.constant 0 : i32
    %dma_wait3A_1634 = tpu.memref_slice %arg6[%dma_wait3A_1632, %dma_wait3A_1633] : memref<32x128xf32, #tpu.memory_space<vmem>> -> memref<1x128xf32, #tpu.memory_space<vmem>>
    %dma_wait3A_1635 = tpu.memref_slice %arg2[%add3A_470, %multiple_of3A_468] : memref<1024x100000xf32, #tpu.memory_space<hbm>> -> memref<1x128xf32, #tpu.memory_space<hbm>>
    tpu.wait_dma2 semaphore(%arg8 : memref<!tpu.dma_semaphore, #tpu.memory_space<semaphore_mem>>) src(%dma_wait3A_1635 : memref<1x128xf32, #tpu.memory_space<hbm>>) dst(%dma_wait3A_1634 : memref<1x128xf32, #tpu.memory_space<vmem>>)
    %dma_wait3A_1636 = arith.constant 10 : i32
    %dma_wait3A_1637 = arith.constant 0 : i32
    %dma_wait3A_1638 = tpu.memref_slice %arg6[%dma_wait3A_1636, %dma_wait3A_1637] : memref<32x128xf32, #tpu.memory_space<vmem>> -> memref<1x128xf32, #tpu.memory_space<vmem>>
    %dma_wait3A_1639 = tpu.memref_slice %arg2[%add3A_519, %multiple_of3A_517] : memref<1024x100000xf32, #tpu.memory_space<hbm>> -> memref<1x128xf32, #tpu.memory_space<hbm>>
    %dma_wait3A_1640 = arith.constant 10 : i32
    %dma_wait3A_1641 = arith.constant 0 : i32
    %dma_wait3A_1642 = tpu.memref_slice %arg6[%dma_wait3A_1640, %dma_wait3A_1641] : memref<32x128xf32, #tpu.memory_space<vmem>> -> memref<1x128xf32, #tpu.memory_space<vmem>>
    %dma_wait3A_1643 = tpu.memref_slice %arg2[%add3A_519, %multiple_of3A_517] : memref<1024x100000xf32, #tpu.memory_space<hbm>> -> memref<1x128xf32, #tpu.memory_space<hbm>>
    tpu.wait_dma2 semaphore(%arg8 : memref<!tpu.dma_semaphore, #tpu.memory_space<semaphore_mem>>) src(%dma_wait3A_1643 : memref<1x128xf32, #tpu.memory_space<hbm>>) dst(%dma_wait3A_1642 : memref<1x128xf32, #tpu.memory_space<vmem>>)
    %dma_wait3A_1644 = arith.constant 11 : i32
    %dma_wait3A_1645 = arith.constant 0 : i32
    %dma_wait3A_1646 = tpu.memref_slice %arg6[%dma_wait3A_1644, %dma_wait3A_1645] : memref<32x128xf32, #tpu.memory_space<vmem>> -> memref<1x128xf32, #tpu.memory_space<vmem>>
    %dma_wait3A_1647 = tpu.memref_slice %arg2[%add3A_568, %multiple_of3A_566] : memref<1024x100000xf32, #tpu.memory_space<hbm>> -> memref<1x128xf32, #tpu.memory_space<hbm>>
    %dma_wait3A_1648 = arith.constant 11 : i32
    %dma_wait3A_1649 = arith.constant 0 : i32
    %dma_wait3A_1650 = tpu.memref_slice %arg6[%dma_wait3A_1648, %dma_wait3A_1649] : memref<32x128xf32, #tpu.memory_space<vmem>> -> memref<1x128xf32, #tpu.memory_space<vmem>>
    %dma_wait3A_1651 = tpu.memref_slice %arg2[%add3A_568, %multiple_of3A_566] : memref<1024x100000xf32, #tpu.memory_space<hbm>> -> memref<1x128xf32, #tpu.memory_space<hbm>>
    tpu.wait_dma2 semaphore(%arg8 : memref<!tpu.dma_semaphore, #tpu.memory_space<semaphore_mem>>) src(%dma_wait3A_1651 : memref<1x128xf32, #tpu.memory_space<hbm>>) dst(%dma_wait3A_1650 : memref<1x128xf32, #tpu.memory_space<vmem>>)
    %dma_wait3A_1652 = arith.constant 12 : i32
    %dma_wait3A_1653 = arith.constant 0 : i32
    %dma_wait3A_1654 = tpu.memref_slice %arg6[%dma_wait3A_1652, %dma_wait3A_1653] : memref<32x128xf32, #tpu.memory_space<vmem>> -> memref<1x128xf32, #tpu.memory_space<vmem>>
    %dma_wait3A_1655 = tpu.memref_slice %arg2[%add3A_617, %multiple_of3A_615] : memref<1024x100000xf32, #tpu.memory_space<hbm>> -> memref<1x128xf32, #tpu.memory_space<hbm>>
    %dma_wait3A_1656 = arith.constant 12 : i32
    %dma_wait3A_1657 = arith.constant 0 : i32
    %dma_wait3A_1658 = tpu.memref_slice %arg6[%dma_wait3A_1656, %dma_wait3A_1657] : memref<32x128xf32, #tpu.memory_space<vmem>> -> memref<1x128xf32, #tpu.memory_space<vmem>>
    %dma_wait3A_1659 = tpu.memref_slice %arg2[%add3A_617, %multiple_of3A_615] : memref<1024x100000xf32, #tpu.memory_space<hbm>> -> memref<1x128xf32, #tpu.memory_space<hbm>>
    tpu.wait_dma2 semaphore(%arg8 : memref<!tpu.dma_semaphore, #tpu.memory_space<semaphore_mem>>) src(%dma_wait3A_1659 : memref<1x128xf32, #tpu.memory_space<hbm>>) dst(%dma_wait3A_1658 : memref<1x128xf32, #tpu.memory_space<vmem>>)
    %dma_wait3A_1660 = arith.constant 13 : i32
    %dma_wait3A_1661 = arith.constant 0 : i32
    %dma_wait3A_1662 = tpu.memref_slice %arg6[%dma_wait3A_1660, %dma_wait3A_1661] : memref<32x128xf32, #tpu.memory_space<vmem>> -> memref<1x128xf32, #tpu.memory_space<vmem>>
    %dma_wait3A_1663 = tpu.memref_slice %arg2[%add3A_666, %multiple_of3A_664] : memref<1024x100000xf32, #tpu.memory_space<hbm>> -> memref<1x128xf32, #tpu.memory_space<hbm>>
    %dma_wait3A_1664 = arith.constant 13 : i32
    %dma_wait3A_1665 = arith.constant 0 : i32
    %dma_wait3A_1666 = tpu.memref_slice %arg6[%dma_wait3A_1664, %dma_wait3A_1665] : memref<32x128xf32, #tpu.memory_space<vmem>> -> memref<1x128xf32, #tpu.memory_space<vmem>>
    %dma_wait3A_1667 = tpu.memref_slice %arg2[%add3A_666, %multiple_of3A_664] : memref<1024x100000xf32, #tpu.memory_space<hbm>> -> memref<1x128xf32, #tpu.memory_space<hbm>>
    tpu.wait_dma2 semaphore(%arg8 : memref<!tpu.dma_semaphore, #tpu.memory_space<semaphore_mem>>) src(%dma_wait3A_1667 : memref<1x128xf32, #tpu.memory_space<hbm>>) dst(%dma_wait3A_1666 : memref<1x128xf32, #tpu.memory_space<vmem>>)
    %dma_wait3A_1668 = arith.constant 14 : i32
    %dma_wait3A_1669 = arith.constant 0 : i32
    %dma_wait3A_1670 = tpu.memref_slice %arg6[%dma_wait3A_1668, %dma_wait3A_1669] : memref<32x128xf32, #tpu.memory_space<vmem>> -> memref<1x128xf32, #tpu.memory_space<vmem>>
    %dma_wait3A_1671 = tpu.memref_slice %arg2[%add3A_715, %multiple_of3A_713] : memref<1024x100000xf32, #tpu.memory_space<hbm>> -> memref<1x128xf32, #tpu.memory_space<hbm>>
    %dma_wait3A_1672 = arith.constant 14 : i32
    %dma_wait3A_1673 = arith.constant 0 : i32
    %dma_wait3A_1674 = tpu.memref_slice %arg6[%dma_wait3A_1672, %dma_wait3A_1673] : memref<32x128xf32, #tpu.memory_space<vmem>> -> memref<1x128xf32, #tpu.memory_space<vmem>>
    %dma_wait3A_1675 = tpu.memref_slice %arg2[%add3A_715, %multiple_of3A_713] : memref<1024x100000xf32, #tpu.memory_space<hbm>> -> memref<1x128xf32, #tpu.memory_space<hbm>>
    tpu.wait_dma2 semaphore(%arg8 : memref<!tpu.dma_semaphore, #tpu.memory_space<semaphore_mem>>) src(%dma_wait3A_1675 : memref<1x128xf32, #tpu.memory_space<hbm>>) dst(%dma_wait3A_1674 : memref<1x128xf32, #tpu.memory_space<vmem>>)
    %dma_wait3A_1676 = arith.constant 15 : i32
    %dma_wait3A_1677 = arith.constant 0 : i32
    %dma_wait3A_1678 = tpu.memref_slice %arg6[%dma_wait3A_1676, %dma_wait3A_1677] : memref<32x128xf32, #tpu.memory_space<vmem>> -> memref<1x128xf32, #tpu.memory_space<vmem>>
    %dma_wait3A_1679 = tpu.memref_slice %arg2[%add3A_764, %multiple_of3A_762] : memref<1024x100000xf32, #tpu.memory_space<hbm>> -> memref<1x128xf32, #tpu.memory_space<hbm>>
    %dma_wait3A_1680 = arith.constant 15 : i32
    %dma_wait3A_1681 = arith.constant 0 : i32
    %dma_wait3A_1682 = tpu.memref_slice %arg6[%dma_wait3A_1680, %dma_wait3A_1681] : memref<32x128xf32, #tpu.memory_space<vmem>> -> memref<1x128xf32, #tpu.memory_space<vmem>>
    %dma_wait3A_1683 = tpu.memref_slice %arg2[%add3A_764, %multiple_of3A_762] : memref<1024x100000xf32, #tpu.memory_space<hbm>> -> memref<1x128xf32, #tpu.memory_space<hbm>>
    tpu.wait_dma2 semaphore(%arg8 : memref<!tpu.dma_semaphore, #tpu.memory_space<semaphore_mem>>) src(%dma_wait3A_1683 : memref<1x128xf32, #tpu.memory_space<hbm>>) dst(%dma_wait3A_1682 : memref<1x128xf32, #tpu.memory_space<vmem>>)
    %dma_wait3A_1684 = arith.constant 16 : i32
    %dma_wait3A_1685 = arith.constant 0 : i32
    %dma_wait3A_1686 = tpu.memref_slice %arg6[%dma_wait3A_1684, %dma_wait3A_1685] : memref<32x128xf32, #tpu.memory_space<vmem>> -> memref<1x128xf32, #tpu.memory_space<vmem>>
    %dma_wait3A_1687 = tpu.memref_slice %arg2[%add3A_813, %multiple_of3A_811] : memref<1024x100000xf32, #tpu.memory_space<hbm>> -> memref<1x128xf32, #tpu.memory_space<hbm>>
    %dma_wait3A_1688 = arith.constant 16 : i32
    %dma_wait3A_1689 = arith.constant 0 : i32
    %dma_wait3A_1690 = tpu.memref_slice %arg6[%dma_wait3A_1688, %dma_wait3A_1689] : memref<32x128xf32, #tpu.memory_space<vmem>> -> memref<1x128xf32, #tpu.memory_space<vmem>>
    %dma_wait3A_1691 = tpu.memref_slice %arg2[%add3A_813, %multiple_of3A_811] : memref<1024x100000xf32, #tpu.memory_space<hbm>> -> memref<1x128xf32, #tpu.memory_space<hbm>>
    tpu.wait_dma2 semaphore(%arg8 : memref<!tpu.dma_semaphore, #tpu.memory_space<semaphore_mem>>) src(%dma_wait3A_1691 : memref<1x128xf32, #tpu.memory_space<hbm>>) dst(%dma_wait3A_1690 : memref<1x128xf32, #tpu.memory_space<vmem>>)
    %dma_wait3A_1692 = arith.constant 17 : i32
    %dma_wait3A_1693 = arith.constant 0 : i32
    %dma_wait3A_1694 = tpu.memref_slice %arg6[%dma_wait3A_1692, %dma_wait3A_1693] : memref<32x128xf32, #tpu.memory_space<vmem>> -> memref<1x128xf32, #tpu.memory_space<vmem>>
    %dma_wait3A_1695 = tpu.memref_slice %arg2[%add3A_862, %multiple_of3A_860] : memref<1024x100000xf32, #tpu.memory_space<hbm>> -> memref<1x128xf32, #tpu.memory_space<hbm>>
    %dma_wait3A_1696 = arith.constant 17 : i32
    %dma_wait3A_1697 = arith.constant 0 : i32
    %dma_wait3A_1698 = tpu.memref_slice %arg6[%dma_wait3A_1696, %dma_wait3A_1697] : memref<32x128xf32, #tpu.memory_space<vmem>> -> memref<1x128xf32, #tpu.memory_space<vmem>>
    %dma_wait3A_1699 = tpu.memref_slice %arg2[%add3A_862, %multiple_of3A_860] : memref<1024x100000xf32, #tpu.memory_space<hbm>> -> memref<1x128xf32, #tpu.memory_space<hbm>>
    tpu.wait_dma2 semaphore(%arg8 : memref<!tpu.dma_semaphore, #tpu.memory_space<semaphore_mem>>) src(%dma_wait3A_1699 : memref<1x128xf32, #tpu.memory_space<hbm>>) dst(%dma_wait3A_1698 : memref<1x128xf32, #tpu.memory_space<vmem>>)
    %dma_wait3A_1700 = arith.constant 18 : i32
    %dma_wait3A_1701 = arith.constant 0 : i32
    %dma_wait3A_1702 = tpu.memref_slice %arg6[%dma_wait3A_1700, %dma_wait3A_1701] : memref<32x128xf32, #tpu.memory_space<vmem>> -> memref<1x128xf32, #tpu.memory_space<vmem>>
    %dma_wait3A_1703 = tpu.memref_slice %arg2[%add3A_911, %multiple_of3A_909] : memref<1024x100000xf32, #tpu.memory_space<hbm>> -> memref<1x128xf32, #tpu.memory_space<hbm>>
    %dma_wait3A_1704 = arith.constant 18 : i32
    %dma_wait3A_1705 = arith.constant 0 : i32
    %dma_wait3A_1706 = tpu.memref_slice %arg6[%dma_wait3A_1704, %dma_wait3A_1705] : memref<32x128xf32, #tpu.memory_space<vmem>> -> memref<1x128xf32, #tpu.memory_space<vmem>>
    %dma_wait3A_1707 = tpu.memref_slice %arg2[%add3A_911, %multiple_of3A_909] : memref<1024x100000xf32, #tpu.memory_space<hbm>> -> memref<1x128xf32, #tpu.memory_space<hbm>>
    tpu.wait_dma2 semaphore(%arg8 : memref<!tpu.dma_semaphore, #tpu.memory_space<semaphore_mem>>) src(%dma_wait3A_1707 : memref<1x128xf32, #tpu.memory_space<hbm>>) dst(%dma_wait3A_1706 : memref<1x128xf32, #tpu.memory_space<vmem>>)
    %dma_wait3A_1708 = arith.constant 19 : i32
    %dma_wait3A_1709 = arith.constant 0 : i32
    %dma_wait3A_1710 = tpu.memref_slice %arg6[%dma_wait3A_1708, %dma_wait3A_1709] : memref<32x128xf32, #tpu.memory_space<vmem>> -> memref<1x128xf32, #tpu.memory_space<vmem>>
    %dma_wait3A_1711 = tpu.memref_slice %arg2[%add3A_960, %multiple_of3A_958] : memref<1024x100000xf32, #tpu.memory_space<hbm>> -> memref<1x128xf32, #tpu.memory_space<hbm>>
    %dma_wait3A_1712 = arith.constant 19 : i32
    %dma_wait3A_1713 = arith.constant 0 : i32
    %dma_wait3A_1714 = tpu.memref_slice %arg6[%dma_wait3A_1712, %dma_wait3A_1713] : memref<32x128xf32, #tpu.memory_space<vmem>> -> memref<1x128xf32, #tpu.memory_space<vmem>>
    %dma_wait3A_1715 = tpu.memref_slice %arg2[%add3A_960, %multiple_of3A_958] : memref<1024x100000xf32, #tpu.memory_space<hbm>> -> memref<1x128xf32, #tpu.memory_space<hbm>>
    tpu.wait_dma2 semaphore(%arg8 : memref<!tpu.dma_semaphore, #tpu.memory_space<semaphore_mem>>) src(%dma_wait3A_1715 : memref<1x128xf32, #tpu.memory_space<hbm>>) dst(%dma_wait3A_1714 : memref<1x128xf32, #tpu.memory_space<vmem>>)
    %dma_wait3A_1716 = arith.constant 20 : i32
    %dma_wait3A_1717 = arith.constant 0 : i32
    %dma_wait3A_1718 = tpu.memref_slice %arg6[%dma_wait3A_1716, %dma_wait3A_1717] : memref<32x128xf32, #tpu.memory_space<vmem>> -> memref<1x128xf32, #tpu.memory_space<vmem>>
    %dma_wait3A_1719 = tpu.memref_slice %arg2[%add3A_1009, %multiple_of3A_1007] : memref<1024x100000xf32, #tpu.memory_space<hbm>> -> memref<1x128xf32, #tpu.memory_space<hbm>>
    %dma_wait3A_1720 = arith.constant 20 : i32
    %dma_wait3A_1721 = arith.constant 0 : i32
    %dma_wait3A_1722 = tpu.memref_slice %arg6[%dma_wait3A_1720, %dma_wait3A_1721] : memref<32x128xf32, #tpu.memory_space<vmem>> -> memref<1x128xf32, #tpu.memory_space<vmem>>
    %dma_wait3A_1723 = tpu.memref_slice %arg2[%add3A_1009, %multiple_of3A_1007] : memref<1024x100000xf32, #tpu.memory_space<hbm>> -> memref<1x128xf32, #tpu.memory_space<hbm>>
    tpu.wait_dma2 semaphore(%arg8 : memref<!tpu.dma_semaphore, #tpu.memory_space<semaphore_mem>>) src(%dma_wait3A_1723 : memref<1x128xf32, #tpu.memory_space<hbm>>) dst(%dma_wait3A_1722 : memref<1x128xf32, #tpu.memory_space<vmem>>)
    %dma_wait3A_1724 = arith.constant 21 : i32
    %dma_wait3A_1725 = arith.constant 0 : i32
    %dma_wait3A_1726 = tpu.memref_slice %arg6[%dma_wait3A_1724, %dma_wait3A_1725] : memref<32x128xf32, #tpu.memory_space<vmem>> -> memref<1x128xf32, #tpu.memory_space<vmem>>
    %dma_wait3A_1727 = tpu.memref_slice %arg2[%add3A_1058, %multiple_of3A_1056] : memref<1024x100000xf32, #tpu.memory_space<hbm>> -> memref<1x128xf32, #tpu.memory_space<hbm>>
    %dma_wait3A_1728 = arith.constant 21 : i32
    %dma_wait3A_1729 = arith.constant 0 : i32
    %dma_wait3A_1730 = tpu.memref_slice %arg6[%dma_wait3A_1728, %dma_wait3A_1729] : memref<32x128xf32, #tpu.memory_space<vmem>> -> memref<1x128xf32, #tpu.memory_space<vmem>>
    %dma_wait3A_1731 = tpu.memref_slice %arg2[%add3A_1058, %multiple_of3A_1056] : memref<1024x100000xf32, #tpu.memory_space<hbm>> -> memref<1x128xf32, #tpu.memory_space<hbm>>
    tpu.wait_dma2 semaphore(%arg8 : memref<!tpu.dma_semaphore, #tpu.memory_space<semaphore_mem>>) src(%dma_wait3A_1731 : memref<1x128xf32, #tpu.memory_space<hbm>>) dst(%dma_wait3A_1730 : memref<1x128xf32, #tpu.memory_space<vmem>>)
    %dma_wait3A_1732 = arith.constant 22 : i32
    %dma_wait3A_1733 = arith.constant 0 : i32
    %dma_wait3A_1734 = tpu.memref_slice %arg6[%dma_wait3A_1732, %dma_wait3A_1733] : memref<32x128xf32, #tpu.memory_space<vmem>> -> memref<1x128xf32, #tpu.memory_space<vmem>>
    %dma_wait3A_1735 = tpu.memref_slice %arg2[%add3A_1107, %multiple_of3A_1105] : memref<1024x100000xf32, #tpu.memory_space<hbm>> -> memref<1x128xf32, #tpu.memory_space<hbm>>
    %dma_wait3A_1736 = arith.constant 22 : i32
    %dma_wait3A_1737 = arith.constant 0 : i32
    %dma_wait3A_1738 = tpu.memref_slice %arg6[%dma_wait3A_1736, %dma_wait3A_1737] : memref<32x128xf32, #tpu.memory_space<vmem>> -> memref<1x128xf32, #tpu.memory_space<vmem>>
    %dma_wait3A_1739 = tpu.memref_slice %arg2[%add3A_1107, %multiple_of3A_1105] : memref<1024x100000xf32, #tpu.memory_space<hbm>> -> memref<1x128xf32, #tpu.memory_space<hbm>>
    tpu.wait_dma2 semaphore(%arg8 : memref<!tpu.dma_semaphore, #tpu.memory_space<semaphore_mem>>) src(%dma_wait3A_1739 : memref<1x128xf32, #tpu.memory_space<hbm>>) dst(%dma_wait3A_1738 : memref<1x128xf32, #tpu.memory_space<vmem>>)
    %dma_wait3A_1740 = arith.constant 23 : i32
    %dma_wait3A_1741 = arith.constant 0 : i32
    %dma_wait3A_1742 = tpu.memref_slice %arg6[%dma_wait3A_1740, %dma_wait3A_1741] : memref<32x128xf32, #tpu.memory_space<vmem>> -> memref<1x128xf32, #tpu.memory_space<vmem>>
    %dma_wait3A_1743 = tpu.memref_slice %arg2[%add3A_1156, %multiple_of3A_1154] : memref<1024x100000xf32, #tpu.memory_space<hbm>> -> memref<1x128xf32, #tpu.memory_space<hbm>>
    %dma_wait3A_1744 = arith.constant 23 : i32
    %dma_wait3A_1745 = arith.constant 0 : i32
    %dma_wait3A_1746 = tpu.memref_slice %arg6[%dma_wait3A_1744, %dma_wait3A_1745] : memref<32x128xf32, #tpu.memory_space<vmem>> -> memref<1x128xf32, #tpu.memory_space<vmem>>
    %dma_wait3A_1747 = tpu.memref_slice %arg2[%add3A_1156, %multiple_of3A_1154] : memref<1024x100000xf32, #tpu.memory_space<hbm>> -> memref<1x128xf32, #tpu.memory_space<hbm>>
    tpu.wait_dma2 semaphore(%arg8 : memref<!tpu.dma_semaphore, #tpu.memory_space<semaphore_mem>>) src(%dma_wait3A_1747 : memref<1x128xf32, #tpu.memory_space<hbm>>) dst(%dma_wait3A_1746 : memref<1x128xf32, #tpu.memory_space<vmem>>)
    %dma_wait3A_1748 = arith.constant 24 : i32
    %dma_wait3A_1749 = arith.constant 0 : i32
    %dma_wait3A_1750 = tpu.memref_slice %arg6[%dma_wait3A_1748, %dma_wait3A_1749] : memref<32x128xf32, #tpu.memory_space<vmem>> -> memref<1x128xf32, #tpu.memory_space<vmem>>
    %dma_wait3A_1751 = tpu.memref_slice %arg2[%add3A_1205, %multiple_of3A_1203] : memref<1024x100000xf32, #tpu.memory_space<hbm>> -> memref<1x128xf32, #tpu.memory_space<hbm>>
    %dma_wait3A_1752 = arith.constant 24 : i32
    %dma_wait3A_1753 = arith.constant 0 : i32
    %dma_wait3A_1754 = tpu.memref_slice %arg6[%dma_wait3A_1752, %dma_wait3A_1753] : memref<32x128xf32, #tpu.memory_space<vmem>> -> memref<1x128xf32, #tpu.memory_space<vmem>>
    %dma_wait3A_1755 = tpu.memref_slice %arg2[%add3A_1205, %multiple_of3A_1203] : memref<1024x100000xf32, #tpu.memory_space<hbm>> -> memref<1x128xf32, #tpu.memory_space<hbm>>
    tpu.wait_dma2 semaphore(%arg8 : memref<!tpu.dma_semaphore, #tpu.memory_space<semaphore_mem>>) src(%dma_wait3A_1755 : memref<1x128xf32, #tpu.memory_space<hbm>>) dst(%dma_wait3A_1754 : memref<1x128xf32, #tpu.memory_space<vmem>>)
    %dma_wait3A_1756 = arith.constant 25 : i32
    %dma_wait3A_1757 = arith.constant 0 : i32
    %dma_wait3A_1758 = tpu.memref_slice %arg6[%dma_wait3A_1756, %dma_wait3A_1757] : memref<32x128xf32, #tpu.memory_space<vmem>> -> memref<1x128xf32, #tpu.memory_space<vmem>>
    %dma_wait3A_1759 = tpu.memref_slice %arg2[%add3A_1254, %multiple_of3A_1252] : memref<1024x100000xf32, #tpu.memory_space<hbm>> -> memref<1x128xf32, #tpu.memory_space<hbm>>
    %dma_wait3A_1760 = arith.constant 25 : i32
    %dma_wait3A_1761 = arith.constant 0 : i32
    %dma_wait3A_1762 = tpu.memref_slice %arg6[%dma_wait3A_1760, %dma_wait3A_1761] : memref<32x128xf32, #tpu.memory_space<vmem>> -> memref<1x128xf32, #tpu.memory_space<vmem>>
    %dma_wait3A_1763 = tpu.memref_slice %arg2[%add3A_1254, %multiple_of3A_1252] : memref<1024x100000xf32, #tpu.memory_space<hbm>> -> memref<1x128xf32, #tpu.memory_space<hbm>>
    tpu.wait_dma2 semaphore(%arg8 : memref<!tpu.dma_semaphore, #tpu.memory_space<semaphore_mem>>) src(%dma_wait3A_1763 : memref<1x128xf32, #tpu.memory_space<hbm>>) dst(%dma_wait3A_1762 : memref<1x128xf32, #tpu.memory_space<vmem>>)
    %dma_wait3A_1764 = arith.constant 26 : i32
    %dma_wait3A_1765 = arith.constant 0 : i32
    %dma_wait3A_1766 = tpu.memref_slice %arg6[%dma_wait3A_1764, %dma_wait3A_1765] : memref<32x128xf32, #tpu.memory_space<vmem>> -> memref<1x128xf32, #tpu.memory_space<vmem>>
    %dma_wait3A_1767 = tpu.memref_slice %arg2[%add3A_1303, %multiple_of3A_1301] : memref<1024x100000xf32, #tpu.memory_space<hbm>> -> memref<1x128xf32, #tpu.memory_space<hbm>>
    %dma_wait3A_1768 = arith.constant 26 : i32
    %dma_wait3A_1769 = arith.constant 0 : i32
    %dma_wait3A_1770 = tpu.memref_slice %arg6[%dma_wait3A_1768, %dma_wait3A_1769] : memref<32x128xf32, #tpu.memory_space<vmem>> -> memref<1x128xf32, #tpu.memory_space<vmem>>
    %dma_wait3A_1771 = tpu.memref_slice %arg2[%add3A_1303, %multiple_of3A_1301] : memref<1024x100000xf32, #tpu.memory_space<hbm>> -> memref<1x128xf32, #tpu.memory_space<hbm>>
    tpu.wait_dma2 semaphore(%arg8 : memref<!tpu.dma_semaphore, #tpu.memory_space<semaphore_mem>>) src(%dma_wait3A_1771 : memref<1x128xf32, #tpu.memory_space<hbm>>) dst(%dma_wait3A_1770 : memref<1x128xf32, #tpu.memory_space<vmem>>)
    %dma_wait3A_1772 = arith.constant 27 : i32
    %dma_wait3A_1773 = arith.constant 0 : i32
    %dma_wait3A_1774 = tpu.memref_slice %arg6[%dma_wait3A_1772, %dma_wait3A_1773] : memref<32x128xf32, #tpu.memory_space<vmem>> -> memref<1x128xf32, #tpu.memory_space<vmem>>
    %dma_wait3A_1775 = tpu.memref_slice %arg2[%add3A_1352, %multiple_of3A_1350] : memref<1024x100000xf32, #tpu.memory_space<hbm>> -> memref<1x128xf32, #tpu.memory_space<hbm>>
    %dma_wait3A_1776 = arith.constant 27 : i32
    %dma_wait3A_1777 = arith.constant 0 : i32
    %dma_wait3A_1778 = tpu.memref_slice %arg6[%dma_wait3A_1776, %dma_wait3A_1777] : memref<32x128xf32, #tpu.memory_space<vmem>> -> memref<1x128xf32, #tpu.memory_space<vmem>>
    %dma_wait3A_1779 = tpu.memref_slice %arg2[%add3A_1352, %multiple_of3A_1350] : memref<1024x100000xf32, #tpu.memory_space<hbm>> -> memref<1x128xf32, #tpu.memory_space<hbm>>
    tpu.wait_dma2 semaphore(%arg8 : memref<!tpu.dma_semaphore, #tpu.memory_space<semaphore_mem>>) src(%dma_wait3A_1779 : memref<1x128xf32, #tpu.memory_space<hbm>>) dst(%dma_wait3A_1778 : memref<1x128xf32, #tpu.memory_space<vmem>>)
    %dma_wait3A_1780 = arith.constant 28 : i32
    %dma_wait3A_1781 = arith.constant 0 : i32
    %dma_wait3A_1782 = tpu.memref_slice %arg6[%dma_wait3A_1780, %dma_wait3A_1781] : memref<32x128xf32, #tpu.memory_space<vmem>> -> memref<1x128xf32, #tpu.memory_space<vmem>>
    %dma_wait3A_1783 = tpu.memref_slice %arg2[%add3A_1401, %multiple_of3A_1399] : memref<1024x100000xf32, #tpu.memory_space<hbm>> -> memref<1x128xf32, #tpu.memory_space<hbm>>
    %dma_wait3A_1784 = arith.constant 28 : i32
    %dma_wait3A_1785 = arith.constant 0 : i32
    %dma_wait3A_1786 = tpu.memref_slice %arg6[%dma_wait3A_1784, %dma_wait3A_1785] : memref<32x128xf32, #tpu.memory_space<vmem>> -> memref<1x128xf32, #tpu.memory_space<vmem>>
    %dma_wait3A_1787 = tpu.memref_slice %arg2[%add3A_1401, %multiple_of3A_1399] : memref<1024x100000xf32, #tpu.memory_space<hbm>> -> memref<1x128xf32, #tpu.memory_space<hbm>>
    tpu.wait_dma2 semaphore(%arg8 : memref<!tpu.dma_semaphore, #tpu.memory_space<semaphore_mem>>) src(%dma_wait3A_1787 : memref<1x128xf32, #tpu.memory_space<hbm>>) dst(%dma_wait3A_1786 : memref<1x128xf32, #tpu.memory_space<vmem>>)
    %dma_wait3A_1788 = arith.constant 29 : i32
    %dma_wait3A_1789 = arith.constant 0 : i32
    %dma_wait3A_1790 = tpu.memref_slice %arg6[%dma_wait3A_1788, %dma_wait3A_1789] : memref<32x128xf32, #tpu.memory_space<vmem>> -> memref<1x128xf32, #tpu.memory_space<vmem>>
    %dma_wait3A_1791 = tpu.memref_slice %arg2[%add3A_1450, %multiple_of3A_1448] : memref<1024x100000xf32, #tpu.memory_space<hbm>> -> memref<1x128xf32, #tpu.memory_space<hbm>>
    %dma_wait3A_1792 = arith.constant 29 : i32
    %dma_wait3A_1793 = arith.constant 0 : i32
    %dma_wait3A_1794 = tpu.memref_slice %arg6[%dma_wait3A_1792, %dma_wait3A_1793] : memref<32x128xf32, #tpu.memory_space<vmem>> -> memref<1x128xf32, #tpu.memory_space<vmem>>
    %dma_wait3A_1795 = tpu.memref_slice %arg2[%add3A_1450, %multiple_of3A_1448] : memref<1024x100000xf32, #tpu.memory_space<hbm>> -> memref<1x128xf32, #tpu.memory_space<hbm>>
    tpu.wait_dma2 semaphore(%arg8 : memref<!tpu.dma_semaphore, #tpu.memory_space<semaphore_mem>>) src(%dma_wait3A_1795 : memref<1x128xf32, #tpu.memory_space<hbm>>) dst(%dma_wait3A_1794 : memref<1x128xf32, #tpu.memory_space<vmem>>)
    %dma_wait3A_1796 = arith.constant 30 : i32
    %dma_wait3A_1797 = arith.constant 0 : i32
    %dma_wait3A_1798 = tpu.memref_slice %arg6[%dma_wait3A_1796, %dma_wait3A_1797] : memref<32x128xf32, #tpu.memory_space<vmem>> -> memref<1x128xf32, #tpu.memory_space<vmem>>
    %dma_wait3A_1799 = tpu.memref_slice %arg2[%add3A_1499, %multiple_of3A_1497] : memref<1024x100000xf32, #tpu.memory_space<hbm>> -> memref<1x128xf32, #tpu.memory_space<hbm>>
    %dma_wait3A_1800 = arith.constant 30 : i32
    %dma_wait3A_1801 = arith.constant 0 : i32
    %dma_wait3A_1802 = tpu.memref_slice %arg6[%dma_wait3A_1800, %dma_wait3A_1801] : memref<32x128xf32, #tpu.memory_space<vmem>> -> memref<1x128xf32, #tpu.memory_space<vmem>>
    %dma_wait3A_1803 = tpu.memref_slice %arg2[%add3A_1499, %multiple_of3A_1497] : memref<1024x100000xf32, #tpu.memory_space<hbm>> -> memref<1x128xf32, #tpu.memory_space<hbm>>
    tpu.wait_dma2 semaphore(%arg8 : memref<!tpu.dma_semaphore, #tpu.memory_space<semaphore_mem>>) src(%dma_wait3A_1803 : memref<1x128xf32, #tpu.memory_space<hbm>>) dst(%dma_wait3A_1802 : memref<1x128xf32, #tpu.memory_space<vmem>>)
    %dma_wait3A_1804 = arith.constant 31 : i32
    %dma_wait3A_1805 = arith.constant 0 : i32
    %dma_wait3A_1806 = tpu.memref_slice %arg6[%dma_wait3A_1804, %dma_wait3A_1805] : memref<32x128xf32, #tpu.memory_space<vmem>> -> memref<1x128xf32, #tpu.memory_space<vmem>>
    %dma_wait3A_1807 = tpu.memref_slice %arg2[%add3A_1548, %multiple_of3A_1546] : memref<1024x100000xf32, #tpu.memory_space<hbm>> -> memref<1x128xf32, #tpu.memory_space<hbm>>
    %dma_wait3A_1808 = arith.constant 31 : i32
    %dma_wait3A_1809 = arith.constant 0 : i32
    %dma_wait3A_1810 = tpu.memref_slice %arg6[%dma_wait3A_1808, %dma_wait3A_1809] : memref<32x128xf32, #tpu.memory_space<vmem>> -> memref<1x128xf32, #tpu.memory_space<vmem>>
    %dma_wait3A_1811 = tpu.memref_slice %arg2[%add3A_1548, %multiple_of3A_1546] : memref<1024x100000xf32, #tpu.memory_space<hbm>> -> memref<1x128xf32, #tpu.memory_space<hbm>>
    tpu.wait_dma2 semaphore(%arg8 : memref<!tpu.dma_semaphore, #tpu.memory_space<semaphore_mem>>) src(%dma_wait3A_1811 : memref<1x128xf32, #tpu.memory_space<hbm>>) dst(%dma_wait3A_1810 : memref<1x128xf32, #tpu.memory_space<vmem>>)
    %iota3A_1812 = tpu.iota {dimensions = array<i32: 0>} : vector<16xi32>
    %add3A_1813 = arith.constant 0 : i32
    %add3A_1814 = vector.broadcast %add3A_1813 : i32 to vector<16xi32>
    %add3A_1815 = arith.addi %iota3A_1812, %add3A_1814 : vector<16xi32>
    %get3A_1816 = arith.constant 0 : index
    %get3A_1817 = tpu.vector_load %arg5[%get3A_1816] {strides = array<i32>} : memref<32xi32, #tpu.memory_space<vmem>>, vector<16xi32>,
    %jit3A_1818 = arith.constant 128 : i32
    %eq3A_1819 = arith.constant 0 : i32
    %eq3A_1820 = arith.cmpi eq, %jit3A_1818, %eq3A_1819 : i32
    %jit3A_1821 = arith.constant 1 : i32
    %select_n3A_1822 = arith.select %eq3A_1820, %jit3A_1821, %jit3A_1818 : i32
    %rem3A_1823 = vector.broadcast %select_n3A_1822 : i32 to vector<16xi32>
    %rem3A_1824 = arith.remsi %get3A_1817, %rem3A_1823 : vector<16xi32>
    %ne3A_1825 = arith.constant 0 : i32
    %ne3A_1826 = vector.broadcast %ne3A_1825 : i32 to vector<16xi32>
    %ne3A_1827 = arith.cmpi ne, %rem3A_1824, %ne3A_1826 : vector<16xi32>
    %lt3A = arith.constant 0 : i32
    %lt3A_1828 = vector.broadcast %lt3A : i32 to vector<16xi32>
    %lt3A_1829 = arith.cmpi slt, %rem3A_1824, %lt3A_1828 : vector<16xi32>
    %lt3A_1830 = arith.constant 0 : i32
    %lt3A_1831 = arith.cmpi slt, %select_n3A_1822, %lt3A_1830 : i32
    %ne3A_1832 = vector.broadcast %lt3A_1831 : i1 to vector<16xi1>
    %ne3A_1833 = vector.broadcast %ne3A_1832 : vector<16xi1> to vector<16xi1>
    %ne3A_1834 = arith.xori %lt3A_1829, %ne3A_1833 : vector<16xi1>
    %and3A_1835 = arith.andi %ne3A_1834, %ne3A_1827 : vector<16xi1>
    %add3A_1836 = vector.broadcast %select_n3A_1822 : i32 to vector<16xi32>
    %add3A_1837 = arith.addi %rem3A_1824, %add3A_1836 : vector<16xi32>
    %select_n3A_1838 = arith.select %and3A_1835, %add3A_1837, %rem3A_1824 : vector<16xi1>, vector<16xi32>
    %gather3A = tpu.vector_load_idx %arg6[%add3A_1815, %select_n3A_1838] : memref<32x128xf32, #tpu.memory_space<vmem>>[vector<16xi32>, vector<16xi32>], vector<16xf32>,
    %swap3A = arith.constant 0 : index
    %swap3A_1839 = tpu.vector_load %arg7[%swap3A] {strides = array<i32>} : memref<32xf32, #tpu.memory_space<vmem>>, vector<16xf32>,
    tpu.vector_store %arg7[%swap3A], %gather3A {strides = array<i32>} : memref<32xf32, #tpu.memory_space<vmem>>, vector<16xf32>,
    %iota3A_1840 = tpu.iota {dimensions = array<i32: 0>} : vector<16xi32>
    %add3A_1841 = arith.constant 16 : i32
    %add3A_1842 = vector.broadcast %add3A_1841 : i32 to vector<16xi32>
    %add3A_1843 = arith.addi %iota3A_1840, %add3A_1842 : vector<16xi32>
    %get3A_1844 = arith.constant 16 : index
    %get3A_1845 = tpu.vector_load %arg5[%get3A_1844] {strides = array<i32>} : memref<32xi32, #tpu.memory_space<vmem>>, vector<16xi32>,
    %jit3A_1846 = arith.constant 128 : i32
    %eq3A_1847 = arith.constant 0 : i32
    %eq3A_1848 = arith.cmpi eq, %jit3A_1846, %eq3A_1847 : i32
    %jit3A_1849 = arith.constant 1 : i32
    %select_n3A_1850 = arith.select %eq3A_1848, %jit3A_1849, %jit3A_1846 : i32
    %rem3A_1851 = vector.broadcast %select_n3A_1850 : i32 to vector<16xi32>
    %rem3A_1852 = arith.remsi %get3A_1845, %rem3A_1851 : vector<16xi32>
    %ne3A_1853 = arith.constant 0 : i32
    %ne3A_1854 = vector.broadcast %ne3A_1853 : i32 to vector<16xi32>
    %ne3A_1855 = arith.cmpi ne, %rem3A_1852, %ne3A_1854 : vector<16xi32>
    %lt3A_1856 = arith.constant 0 : i32
    %lt3A_1857 = vector.broadcast %lt3A_1856 : i32 to vector<16xi32>
    %lt3A_1858 = arith.cmpi slt, %rem3A_1852, %lt3A_1857 : vector<16xi32>
    %lt3A_1859 = arith.constant 0 : i32
    %lt3A_1860 = arith.cmpi slt, %select_n3A_1850, %lt3A_1859 : i32
    %ne3A_1861 = vector.broadcast %lt3A_1860 : i1 to vector<16xi1>
    %ne3A_1862 = vector.broadcast %ne3A_1861 : vector<16xi1> to vector<16xi1>
    %ne3A_1863 = arith.xori %lt3A_1858, %ne3A_1862 : vector<16xi1>
    %and3A_1864 = arith.andi %ne3A_1863, %ne3A_1855 : vector<16xi1>
    %add3A_1865 = vector.broadcast %select_n3A_1850 : i32 to vector<16xi32>
    %add3A_1866 = arith.addi %rem3A_1852, %add3A_1865 : vector<16xi32>
    %select_n3A_1867 = arith.select %and3A_1864, %add3A_1866, %rem3A_1852 : vector<16xi1>, vector<16xi32>
    %gather3A_1868 = tpu.vector_load_idx %arg6[%add3A_1843, %select_n3A_1867] : memref<32x128xf32, #tpu.memory_space<vmem>>[vector<16xi32>, vector<16xi32>], vector<16xf32>,
    %swap3A_1869 = arith.constant 16 : index
    %swap3A_1870 = tpu.vector_load %arg7[%swap3A_1869] {strides = array<i32>} : memref<32xf32, #tpu.memory_space<vmem>>, vector<16xf32>,
    tpu.vector_store %arg7[%swap3A_1869], %gather3A_1868 {strides = array<i32>} : memref<32xf32, #tpu.memory_space<vmem>>, vector<16xf32>,
    "tpu.region"() ({
      %run_scoped3A = tpu.sem_alloc : memref<!tpu.dma_semaphore, #tpu.memory_space<semaphore_mem>>
      %dma_start3A_1871 = tpu.memref_slice %arg4[%mul3A_2] : memref<1024xf32, #tpu.memory_space<hbm>> -> memref<32xf32, #tpu.memory_space<hbm>>
      %dma_start3A_1872 = tpu.memref_slice %arg4[%mul3A_2] : memref<1024xf32, #tpu.memory_space<hbm>> -> memref<32xf32, #tpu.memory_space<hbm>>
      tpu.enqueue_dma source(%arg7 : memref<32xf32, #tpu.memory_space<vmem>>) target(%dma_start3A_1872 : memref<32xf32, #tpu.memory_space<hbm>>) target_semaphore(%run_scoped3A : memref<!tpu.dma_semaphore, #tpu.memory_space<semaphore_mem>>)
      %dma_wait3A_1873 = tpu.memref_slice %arg4[%mul3A_2] : memref<1024xf32, #tpu.memory_space<hbm>> -> memref<32xf32, #tpu.memory_space<hbm>>
      %dma_wait3A_1874 = tpu.memref_slice %arg4[%mul3A_2] : memref<1024xf32, #tpu.memory_space<hbm>> -> memref<32xf32, #tpu.memory_space<hbm>>
      tpu.wait_dma2 semaphore(%run_scoped3A : memref<!tpu.dma_semaphore, #tpu.memory_space<semaphore_mem>>) src(%arg7 : memref<32xf32, #tpu.memory_space<vmem>>) dst(%dma_wait3A_1874 : memref<32xf32, #tpu.memory_space<hbm>>)
      tpu.yield
    }) : () -> ()
    return
  }
}

</mosaic_0001>

<sc_bundles>
// kernel: kernel.3.cloned.1.call-start
scs
__scs_entry_jumppad:
0x0: {  	(pc) =	sbr.rel $0x88, $3  }
0x1: {  	(tag) =	ssettag $0x0;
	lr =	simm.s32 $0x1  }
0x2: {  	[smem:$0x3F9F] =	sst lr;
	_ =	strace $0xD0000000  }
0x3: {  	_ = 	snop  }
0x4: {  	_ = 	snop  }
0x5: {  	_ = 	snop  }
0x6: {  	_ = 	snop  }
0x7: {  	_ = 	snop  }
__scs_overlays_trampoline_lowered:
0x8: {  	[smem:$0x3FAE] =	sst s0  }
0x9: {  	[smem:$0x3FAF] =	sst s1  }
0xa: {  	[smem:$0x3FB0] =	sst s2  }
0xb: {  	[smem:$0x3FB1] =	sst s3  }
0xc: {  	[smem:$0x3FB2] =	sst s4  }
0xd: {  	[smem:$0x3FB3] =	sst s5  }
0xe: {  	[smem:$0x3FB4] =	sst s6  }
0xf: {  	[smem:$0x3FB5] =	sst s7  }
0x10: {  	[smem:$0x3FB6] =	sst s8  }
0x11: {  	[smem:$0x3FB7] =	sst s9;
	s0 =	simm.s32 @!p0 $0x0  }
0x12: {  	s1 =	sld [smem:$0x3F9D];
	s0 =	simm.s32 @p0 $0x1  }
0x13: {  	[smem:$0x3FB8] =	sst s0;
	s0 =	simm.s32 @!p1 $0x0  }
0x14: {  	s2 =	sld [smem:$0x3F9C];
	s0 =	simm.s32 @p1 $0x1  }
0x15: {  	[smem:$0x3FB9] =	sst s0;
	s0 =	simm.s32 @!p2 $0x0  }
0x16: {  	s3 =	sld [smem:$0x3FDB];
	s0 =	simm.s32 @p2 $0x1  }
0x17: {  	s4 =	simm.s32 $0x1BF5;
	[smem:$0x3FBB] =	sst s0  }
0x18: {  	s0 =	sld [smem:$0x3F9E];
	_ =	swait.ge [sflag:s4], $0x0  }
0x19: {  	s7 =	sld [smem:$0x3F9F]  }
0x1a: {  	s8 =	sadd.s32 $0xFFFFE003, lr  }
0x1b: {  	s9 =	sadd.s32 $0xFFFFFEF7, lr;
	s5 =	simm.s32 $0xFFFFFFFF;
	p2 =	slt.u32 s8, $0xFFFFF086  }
0x1c: {  	p1 =	slt.u32 s9, $0xF7A;
	s5 =	simm.s32 @!p2 $0x0  }
0x1d: {  	s5 =	simm.s32 @p1 $0x1;
	p0 =	seq.s32 s7, s2  }
0x1e: {  	s7 =	smul.u32 @!p0 $0xF7A, s2;
	p2 =	seq.s32 @!p0 s5, $0x0  }
0x1f: {  	s9 =	smul.u32 $0xF7A, s1;
	s8 =	simm.s32 @!p0 $0x1BF5;
	p2 =	por !p2, p0  }
0x20: {  	[sflag:s8] =	ssyncset.s32 @!p0 $0xFFFFF086;
	s6 =	sadd.s32 @!p0 s3, s7;
	s7 =	simm.s32 @!p0 $0x108  }
0x21: {  	s3 =	sadd.s32 s3, s9;
	s6 =	sadd.s32 @!p0 $0x88, s6;
	s7 =	simm.s32 @p2 $0x1082  }
0x22: {  	[simem:s7], [sflag:s8] =	dma.local @!p0 [hbm:s6], $0xF7A  }
0x23: {  	s9 =	sor.u32 $0xD0000000, s2;
	s6 =	simm.s32 $0x108;
	_ =	swait.ge @!p0 [sflag:s8], $0x0  }
0x24: {  	s3 =	sadd.s32 $0x88, s3;
	s6 =	simm.s32 @!p1 $0x1082;
	[sflag:s4] =	ssyncset.s32 $0xFFFFF086  }
0x25: {  	[simem:s6], [sflag:s4] =	dma.local [hbm:s3], $0xF7A  }
0x26: {  	[smem:$0x3F9F] =	sst s1;
	(tag) =	ssettag s2;
	_ =	strace s9  }
0x27: {  	s1 =	sld [smem:$0x3FAF]  }
0x28: {  	s2 =	sld [smem:$0x3FB0]  }
0x29: {  	s4 =	sld [smem:$0x3FB2]  }
0x2a: {  	p0 =	seq.s32 s5, $0x0;
	s5 =	sld [smem:$0x3FB3]  }
0x2b: {  	s6 =	sld [smem:$0x3FB4]  }
0x2c: {  	s7 =	sld [smem:$0x3FB5]  }
0x2d: {  	s3 =	simm.s32 $0x108;
	s8 =	sld [smem:$0x3FB6]  }
0x2e: {  	s3 =	simm.s32 @!p0 $0x1082;
	s9 =	sld [smem:$0x3FB7]  }
0x2f: {  	lr =	sadd.s32 s0, s3;
	s0 =	sld [smem:$0x3FAE]  }
0x30: {  	s3 =	sld [smem:$0x3FB1]  }
0x31: {  	[smem:$0x3FBA] =	sst s10  }
0x32: {  	s10 =	sld [smem:$0x3FB8];
	_ =	sdelay $0x3  }
0x33: {  	p0 =	seq.s32 s10, $0x1;
	s10 =	sld [smem:$0x3FBA];
	_ =	sdelay $0x3  }
0x34: {  	[smem:$0x3FBA] =	sst s10  }
0x35: {  	s10 =	sld [smem:$0x3FB9];
	_ =	sdelay $0x3  }
0x36: {  	p1 =	seq.s32 s10, $0x1;
	s10 =	sld [smem:$0x3FBA];
	_ =	sdelay $0x3  }
0x37: {  	[smem:$0x3FBA] =	sst s10  }
0x38: {  	s10 =	sld [smem:$0x3FBB]  }
0x39: {  	_ = 	snop;
	(pc) =	sbr.ind lr, $3  }
0x3a: {  	_ = 	snop  }
0x3b: {  	_ = 	snop  }
0x3c: {  	p2 =	seq.s32 s10, $0x1;
	s10 =	sld [smem:$0x3FBA]  }
0x3d: {  	_ =	shalt  }
0x3e: {  	_ =	shalt  }
0x3f: {  	_ =	shalt  }
0x40: {  	_ =	shalt  }
0x41: {  	_ =	shalt  }
0x42: {  	_ =	shalt  }
0x43: {  	_ =	shalt  }
0x44: {  	_ =	shalt  }
0x45: {  	_ =	shalt  }
0x46: {  	_ =	shalt  }
0x47: {  	_ =	shalt  }
0x48: {  	_ =	shalt  }
0x49: {  	_ =	shalt  }
0x4a: {  	_ =	shalt  }
0x4b: {  	_ =	shalt  }
0x4c: {  	_ =	shalt  }
0x4d: {  	_ =	shalt  }
0x4e: {  	_ =	shalt  }
0x4f: {  	_ =	shalt  }
0x50: {  	_ =	shalt  }
0x51: {  	_ =	shalt  }
0x52: {  	_ =	shalt  }
0x53: {  	_ =	shalt  }
0x54: {  	_ =	shalt  }
0x55: {  	_ =	shalt  }
0x56: {  	_ =	shalt  }
0x57: {  	_ =	shalt  }
0x58: {  	_ =	shalt  }
0x59: {  	_ =	shalt  }
0x5a: {  	_ =	shalt  }
0x5b: {  	_ =	shalt  }
0x5c: {  	_ =	shalt  }
0x5d: {  	_ =	shalt  }
0x5e: {  	_ =	shalt  }
0x5f: {  	_ =	shalt  }
0x60: {  	_ =	shalt  }
0x61: {  	_ =	shalt  }
0x62: {  	_ =	shalt  }
0x63: {  	_ =	shalt  }
0x64: {  	_ =	shalt  }
0x65: {  	_ =	shalt  }
0x66: {  	_ =	shalt  }
0x67: {  	_ =	shalt  }
0x68: {  	_ =	shalt  }
0x69: {  	_ =	shalt  }
0x6a: {  	_ =	shalt  }
0x6b: {  	_ =	shalt  }
0x6c: {  	_ =	shalt  }
0x6d: {  	_ =	shalt  }
0x6e: {  	_ =	shalt  }
0x6f: {  	_ =	shalt  }
0x70: {  	_ =	shalt  }
0x71: {  	_ =	shalt  }
0x72: {  	_ =	shalt  }
0x73: {  	_ =	shalt  }
0x74: {  	_ =	shalt  }
0x75: {  	_ =	shalt  }
0x76: {  	_ =	shalt  }
0x77: {  	_ =	shalt  }
0x78: {  	_ =	shalt  }
0x79: {  	_ =	shalt  }
0x7a: {  	_ =	shalt  }
0x7b: {  	_ =	shalt  }
0x7c: {  	_ =	shalt  }
0x7d: {  	_ =	shalt  }
0x7e: {  	_ =	shalt  }
0x7f: {  	_ =	shalt  }
0x80: {  	_ =	shalt  }
0x81: {  	_ =	shalt  }
0x82: {  	_ =	shalt  }
0x83: {  	_ =	shalt  }
0x84: {  	_ =	shalt  }
0x85: {  	_ =	shalt  }
0x86: {  	_ =	shalt  }
0x87: {  	_ =	shalt  }
.Lfunc_end0:
.L_simem_size_0:
called_computation_lowered:
.L_overlay_start_0:
0x88: {  	s2 =	sld [smem:$0x3FD9]  }
0x89: {  	s3 =	sld [smem:$0x3FFE];
	_ =	sdelay $0x1  }
0x8a: {  	s1 =	srdreg.scid  }
0x8b: {  	s0 =	sand.u32 $0x1, s1  }
0x8c: {  	s17 =	sshll.u32 s0, $0xA;
	s2 =	sadd.s32 s3, s2  }
0x8d: {  	s2 =	sadd.s32 s2, s17  }
0x8e: {  	[smem:$0x3FC6] =	sst s2  }
0x8f: {  	_ = 	snop  }
0x90: {  	s2 =	sld [smem:$0x3FC8]  }
0x91: {  	s18 =	sld [smem:$0x3FD0];
	(tm) =	ssettm $0x1  }
0x92: {  	s4 =	sld [smem:$0x3FFB];
	_ =	sdelay $0x3  }
0x93: {  	_ =	strace s4  }
0x94: {  	s4 =	sld [smem:$0x3FFC];
	_ =	sdelay $0x3  }
0x95: {  	_ =	strace s4  }
0x96: {  	s4 =	sld [smem:$0x3FFD];
	_ =	sdelay $0x3  }
0x97: {  	_ =	strace s4  }
0x98: {  	_ =	strace $0x8FFFFFFF  }
0x99: {  	s19 =	sld [smem:$0x3FDB];
	_ =	sdelay $0x1  }
0x9a: {  	s5 =	simm.s32 $_scs_section_size  }
0x9b: {  	s6 =	simm.s32 $_size__tile_overlayer_lowered;
	s7 =	simm.s32 $_tile_overlayer_lowered  }
0x9c: {  	s22 =	simm.s32 $0x1BFF;
	s21 =	sshll.u32 s7, $0x1;
	s4 =	sadd.s32 s5, s19  }
0x9d: {  	s8 =	simm.s32 $0x0;
	s20 =	sshll.u32 s6, $0x1;
	s6 =	sadd.s32 s21, s4  }
0x9e: {  	[timem:s8], [sflag:s22] =	dma.local [hbm:s6], s20  }
0x9f: {  	_ =	swait.ge [sflag:s22], s20  }
0xa0: {  	s5 =	ssub.s32 $0x0, s20;
	[sflag:s22] =	ssyncset.done $0x0  }
0xa1: {  	[sflag:s22] =	ssyncadd.s32 s5;
	_ =	sdelay $0x1  }
0xa2: {  	s23 =	simm.s32 $0x1B8B  }
0xa3: {  	_ =	swait.ge [sflag:s23], $0x1  }
0xa4: {  	[sflag:s23] =	ssyncset.done $0x0  }
0xa5: {  	s25 =	simm.s32 $0x1B8E;
	s24 =	sld [smem:$0x3FFE];
	[sflag:s23] =	ssyncadd.s32 $0xFFFFFFFF  }
0xa6: {  	s26 =	simm.s32 $execute0_lowered;
	[smem:$0x3FD2] =	sst s25  }
0xa7: {  	s6 =	sshll.u32 s26, $0x1;
	_ =	strace $0x80000046;
	[dreg:$0x1] =	wrdreg $0xFFFFFFFF  }
0xa8: {  	s28 =	simm.s32 $_size_execute0_lowered;
	s4 =	sadd.s32 s4, s6;
	[dreg:$0x0] =	wrdreg $0x0  }
0xa9: {  	s6 =	sshll.u32 s28, $0x1;
	[dreg:$0x2] =	wrdreg s4  }
0xaa: {  	[dreg:$0x3] =	wrdreg s6  }
0xab: {  	[dreg:$0x4] =	wrdreg $0xC0  }
0xac: {  	_ =	task [dreg:s8], $0x5FFFF  }
0xad: {  	[dreg:$0x1] =	wrdreg $0xFFFFFFFF  }
0xae: {  	[dreg:$0x0] =	wrdreg $0x60  }
0xaf: {  	[dreg:$0x2] =	wrdreg s24  }
0xb0: {  	[dreg:$0x3] =	wrdreg s2  }
0xb1: {  	[dreg:$0x4] =	wrdreg s18  }
0xb2: {  	[dreg:$0x5] =	wrdreg $0x9  }
0xb3: {  	_ =	task.clear_ibuf [dreg:s8], $0x6FFFF;
	_ =	strace $0x90000046  }
0xb4: {  	s29 =	simm.s32 $0x9;
	_ =	strace $0x80000048  }
0xb5: {  	_ =	swait.ge [sflag:s29], $0x1  }
0xb6: {  	[sflag:s29] =	ssyncadd.s32 $0xFFFFFFFF  }
0xb7: {  	_ =	strace $0x90000048  }
0xb8: {  	_ =	sfence  }
0xb9: {  	s30 =	sld [smem:$0x0];
	_ =	sdelay $0x2  }
0xba: {  	s31 =	sshll.u32 s1, $0xD;
	s1 =	sshrl.u32 s1, $0x2  }
0xbb: {  	s3 =	sand.u32 $0x4000, s31;
	s1 =	sadd.s32 s1, s30  }
0xbc: {  	s0 =	sor.u32 s3, s0;
	s1 =	sshll.u32 s1, $0x11  }
0xbd: {  	s0 =	sor.u32 s1, s0  }
0xbe: {  	s0 =	sadd.s32 $0x8F2B, s0  }
0xbf: {  	[sflag:s0] =	ssyncadd.remote.s32 $0x1  }
0xc0: {  	_ =	sfence.sel $0xFFFF  }
0xc1: {  	[dreg:$0x0] =	wrdreg $0xFFFFFFFF;
	(pc) =	sbr.abs _section_cstart, $3  }
0xc2: {  	[dreg:$0x1] =	wrdreg $0xFFFFFFFF  }
0xc3: {  	_ =	task.clear_ibuf [dreg:s8], $0x2FFFF;
	_ =	strace $0x9FFFFFFF  }
0xc4: {  	(tm) =	ssettm $0x7FFFFFFF  }
0xc5: {  	_ =	shalt  }
tec
execute0_lowered:
.L_overlay_start_1:
0x0: {  	(tag) =	ssettag $0x1  }
0x1: {  	s11 =	rddreg [dreg:$0x0]  }
0x2: {  	s3 =	rddreg [dreg:$0x1]  }
0x3: {  	s4 =	rddreg [dreg:$0x2];
	s2 =	srdreg.scid  }
0x4: {  	s0 =	rddreg [dreg:$0x3];
	s5 =	sand.u32 $0x1, s2;
	s2 =	simm.s32 $0x0  }
0x5: {  	s8 =	simm.s32 $0x200;
	[smem:$0x7FF] =	sst s2  }
0x6: {  	s9 =	simm.s32 $0x280;
	_ =	strace $0x80000047;
	[dreg:$0x8] =	wrdreg s8  }
0x7: {  	s10 =	simm.s32 $0x300;
	[dreg:$0x9] =	wrdreg s9  }
0x8: {  	s12 =	simm.s32 $0x380;
	[dreg:$0xa] =	wrdreg s10  }
0x9: {  	s13 =	simm.s32 $0x400;
	[dreg:$0xb] =	wrdreg s12  }
0xa: {  	s14 =	simm.s32 $0x480;
	[dreg:$0xc] =	wrdreg s13  }
0xb: {  	s15 =	simm.s32 $0x500;
	[dreg:$0xd] =	wrdreg s14  }
0xc: {  	s16 =	simm.s32 $0x580;
	[dreg:$0xe] =	wrdreg s15  }
0xd: {  	s17 =	simm.s32 $0x600;
	[dreg:$0xf] =	wrdreg s16  }
0xe: {  	s18 =	simm.s32 $0x680;
	[dreg:$0x10] =	wrdreg s17  }
0xf: {  	s19 =	simm.s32 $0x700;
	[dreg:$0x11] =	wrdreg s18  }
0x10: {  	s20 =	simm.s32 $0x780;
	[dreg:$0x12] =	wrdreg s19  }
0x11: {  	s21 =	simm.s32 $0x800;
	[dreg:$0x13] =	wrdreg s20  }
0x12: {  	s22 =	simm.s32 $0x880;
	[dreg:$0x14] =	wrdreg s21  }
0x13: {  	s23 =	simm.s32 $0x900;
	[dreg:$0x15] =	wrdreg s22  }
0x14: {  	s25 =	simm.s32 $0x980;
	[dreg:$0x16] =	wrdreg s23  }
0x15: {  	s26 =	simm.s32 $0xA00;
	[dreg:$0x17] =	wrdreg s25  }
0x16: {  	s1 =	stileid.u32;
	s28 =	simm.s32 $0xA80;
	[dreg:$0x18] =	wrdreg s26  }
0x17: {  	s29 =	simm.s32 $0xB00;
	s30 =	simm.s32 $0xD80;
	[dreg:$0x19] =	wrdreg s28  }
0x18: {  	s6 =	sshll.u32 s1, $0x3;
	s7 =	sshll.u32 s5, $0x2;
	[dreg:$0x1a] =	wrdreg s29  }
0x19: {  	s6 =	sor.u32 s7, s6;
	s7 =	simm.s32 $0x180;
	[dreg:$0x1f] =	wrdreg s30  }
0x1a: {  	s8 =	simm.s32 $0xB80;
	[dreg:$0x7] =	wrdreg s7  }
0x1b: {  	s9 =	simm.s32 $0xC00;
	[dreg:$0x1b] =	wrdreg s8  }
0x1c: {  	s5 =	ssub.s32 $0x2, s5;
	s10 =	simm.s32 $0xC80;
	[dreg:$0x1c] =	wrdreg s9  }
0x1d: {  	s24 =	sshrl.u32 s5, $0x1;
	s12 =	simm.s32 $0xD00;
	[dreg:$0x1d] =	wrdreg s10  }
0x1e: {  	s13 =	simm.s32 $0xE00;
	s14 =	simm.s32 $0xE80;
	[dreg:$0x1e] =	wrdreg s12  }
0x1f: {  	s16 =	simm.s32 $0xF00;
	s17 =	simm.s32 $0x1000;
	[smem:$0x7F8] =	sst s13  }
0x20: {  	s19 =	simm.s32 $0x1080;
	s18 =	simm.s32 $0x80;
	[smem:$0x7F9] =	sst s14  }
0x21: {  	s3 =	sadd.s32 s3, s6;
	s31 =	sadd.s32 s4, s6;
	[smem:$0x7FA] =	sst s16  }
0x22: {  	s4 =	simm.s32 $0x100;
	s15 =	ssub.s32 s5, s24;
	[smem:$0x7FC] =	sst s17  }
0x23: {  	vm0 =	vmmov $0x1;
	s5 =	sadd.s32 $0x410, s11;
	s7 =	sadd.s32 $0x430, s11;
	[smem:$0x7FD] =	sst s19  }
0x24: {  	vm1 =	vcmask $0x308;
	vm2 =	vcmask $0x70C;
	vm3 =	vcmask $0xB10;
	s8 =	sadd.s32 $0x440, s11;
	s9 =	sadd.s32 $0x450, s11;
	[dreg:$0x4] =	wrdreg s3  }
0x25: {  	vm4 =	vcmask $0xF14;
	vm5 =	vcmask $0x1318;
	vm6 =	vcmask $0x171C;
	s10 =	sadd.s32 $0x460, s11;
	s16 =	simm.s32 $0x2;
	[dreg:$0x5] =	wrdreg s31  }
0x26: {  	vm7 =	vcmask $0x1B20;
	vm8 =	vcmask $0x1F24;
	v0 =	vlaneseq.u32;
	s17 =	simm.s32 $0x1;
	[dreg:$0x6] =	wrdreg s4;
	s3 =	sadd.s32 $0x400, s11  }
0x27: {  	vm9 =	vcmask $0x2328;
	vm10 =	vcmask $0x272C;
	v0 =	vmul.u32 $0x80, v0;
	s4 =	smul.u32 $0xC3800, s6;
	s6 =	sadd.s32 $0x420, s11;
	s31 =	simm.s32 $0xF80  }
0x28: {  	vm11 =	vcmask $0x2B30;
	vm12 =	vcmask $0x2F34;
	vm13 =	vcmask $0x3338;
	s11 =	sadd.s32 $0x470, s11;
	s15 =	smax.u32 s15, $0x1;
	[smem:$0x7FB] =	sst s31  }
0x29: {  	vm14 =	vcmask $0x373C;
	vm15 =	vmmov $0x7fff;
	v1 =	vor.u32 $0x800, v0;
	s12 =	sadd.s32 $0xC3800, s4;
	s13 =	sadd.s32 $0x187000, s4;
	s14 =	sadd.s32 $0x24A800, s4  }
.LBB2_1:
0x2a: {  	s19 =	rddreg [dreg:$0x4]  }
0x2b: {  	[tilespmem:s2], [sflag:$0x2] =	stream.linear.gather [hbm4b:s19+s2], $0x20, $0x38;
	[tilespmem:$0x1100] =	vst v63  }
0x2c: {  	_ =	swait.ge [sflag:s16], $0x20  }
0x2d: {  	[sflag:s16] =	ssyncset.done $0x0  }
0x2e: {  	[sflag:s16] =	ssyncadd.s32 $0xFFFFFFE0  }
0x2f: {  	v2 =	vld [tilespmem:$0x0];
	_ =	sdelay $0x4  }
0x30: {  	v2 =	vnsel vm0, $0x0, v2  }
0x31: {  	(xrf0) =	vadd.scan.msk.s32 $0xffff, v2;
	_ =	sdelay $0x5  }
0x32: {  	v2, _, _ =	vpop (xrf0)  }
0x33: {  	(v2sf) =	vpush v2, $0xF;
	_ =	sdelay $0xe  }
0x34: {  	s23 =	spop (v2sf)  }
0x35: {  	s20 =	sand.u32 $0x7F, s23  }
0x36: {  	s24 =	sshra.s32 s23, $0x1F;
	p1 =	slt.s32 s23, $0x1;
	p0 =	sne.s32 s20, $0x0  }
0x37: {  	s20 =	sshrl.u32 s24, $0x19;
	p0 =	por !p1, !p0  }
0x38: {  	s19 =	sadd.s32 s20, s23;
	s20 =	simm.s32 $0x1;
	p0 =	por !p0, !p0  }
0x39: {  	s19 =	sshrl.u32 s19, $0x7;
	s20 =	simm.s32 @!p0 $0x0  }
0x3a: {  	s19 =	ssub.s32 s19, s20  }
0x3b: {  	s19 =	sshll.u32 s19, $0xA  }
0x3c: {  	s19 =	sadd.s32 s4, s19  }
0x3d: {  	s19 =	sshrl.u32 s19, $0x3  }
0x3e: {  	s19 =	sadd.s32 s3, s19  }
0x3f: {  	[tilespmem:s18], [sflag:$0x1] =	stream.linear.gather [hbm4b:s19+s2], $0x80, $0x38;
	[tilespmem:$0x1100] =	vst v63  }
0x40: {  	v2 =	vld [tilespmem:$0x0];
	_ =	sdelay $0x4  }
0x41: {  	v2 =	vsel vm1, $0x0, v2  }
0x42: {  	(xrf0) =	vadd.scan.msk.s32 $0xffff, v2;
	_ =	sdelay $0x5  }
0x43: {  	v2, _, _ =	vpop (xrf0)  }
0x44: {  	(v2sf) =	vpush v2, $0xF;
	_ =	sdelay $0xe  }
0x45: {  	s25 =	spop (v2sf)  }
0x46: {  	s26 =	sand.u32 $0x7F, s25  }
0x47: {  	s28 =	sshra.s32 s25, $0x1F;
	p6 =	slt.s32 s25, $0x1;
	p5 =	sne.s32 s26, $0x0  }
0x48: {  	s20 =	sshrl.u32 s28, $0x19;
	p0 =	por !p6, !p5  }
0x49: {  	s19 =	sadd.s32 s20, s25;
	s20 =	simm.s32 $0x1;
	p0 =	por !p0, !p0  }
0x4a: {  	s19 =	sshrl.u32 s19, $0x7;
	s20 =	simm.s32 @!p0 $0x0  }
0x4b: {  	s19 =	ssub.s32 s19, s20  }
0x4c: {  	s19 =	sshll.u32 s19, $0xA  }
0x4d: {  	s19 =	sadd.s32 s4, s19  }
0x4e: {  	s19 =	sshrl.u32 s19, $0x3  }
0x4f: {  	s29 =	rddreg [dreg:$0x6];
	s19 =	sadd.s32 s19, s5  }
0x50: {  	[tilespmem:s29], [sflag:$0x1] =	stream.linear.gather [hbm4b:s19+s2], $0x80, $0x38;
	[tilespmem:$0x1100] =	vst v63  }
0x51: {  	v2 =	vld [tilespmem:$0x0];
	_ =	sdelay $0x4  }
0x52: {  	v2 =	vsel vm2, $0x0, v2  }
0x53: {  	(xrf0) =	vadd.scan.msk.s32 $0xffff, v2;
	_ =	sdelay $0x5  }
0x54: {  	v2, _, _ =	vpop (xrf0)  }
0x55: {  	(v2sf) =	vpush v2, $0xF;
	_ =	sdelay $0xe  }
0x56: {  	s30 =	spop (v2sf)  }
0x57: {  	s31 =	sand.u32 $0x7F, s30  }
0x58: {  	s21 =	sshra.s32 s30, $0x1F;
	p2 =	slt.s32 s30, $0x1;
	p1 =	sne.s32 s31, $0x0  }
0x59: {  	s20 =	sshrl.u32 s21, $0x19;
	p0 =	por !p2, !p1  }
0x5a: {  	s19 =	sadd.s32 s20, s30;
	s20 =	simm.s32 $0x1;
	p0 =	por !p0, !p0  }
0x5b: {  	s19 =	sshrl.u32 s19, $0x7;
	s20 =	simm.s32 @!p0 $0x0  }
0x5c: {  	s19 =	ssub.s32 s19, s20  }
0x5d: {  	s19 =	sshll.u32 s19, $0xA  }
0x5e: {  	s19 =	sadd.s32 s4, s19  }
0x5f: {  	s19 =	sshrl.u32 s19, $0x3  }
0x60: {  	s22 =	rddreg [dreg:$0x7];
	s19 =	sadd.s32 s19, s6  }
0x61: {  	[tilespmem:s22], [sflag:$0x1] =	stream.linear.gather [hbm4b:s19+s2], $0x80, $0x38;
	[tilespmem:$0x1100] =	vst v63  }
0x62: {  	v2 =	vld [tilespmem:$0x0];
	_ =	sdelay $0x4  }
0x63: {  	v2 =	vsel vm3, $0x0, v2  }
0x64: {  	(xrf0) =	vadd.scan.msk.s32 $0xffff, v2;
	_ =	sdelay $0x5  }
0x65: {  	v2, _, _ =	vpop (xrf0)  }
0x66: {  	(v2sf) =	vpush v2, $0xF;
	_ =	sdelay $0xe  }
0x67: {  	s23 =	spop (v2sf)  }
0x68: {  	s24 =	sand.u32 $0x7F, s23  }
0x69: {  	s25 =	sshra.s32 s23, $0x1F;
	p4 =	slt.s32 s23, $0x1;
	p3 =	sne.s32 s24, $0x0  }
0x6a: {  	s20 =	sshrl.u32 s25, $0x19;
	p0 =	por !p4, !p3  }
0x6b: {  	s19 =	sadd.s32 s20, s23;
	s20 =	simm.s32 $0x1;
	p0 =	por !p0, !p0  }
0x6c: {  	s19 =	sshrl.u32 s19, $0x7;
	s20 =	simm.s32 @!p0 $0x0  }
0x6d: {  	s19 =	ssub.s32 s19, s20  }
0x6e: {  	s19 =	sshll.u32 s19, $0xA  }
0x6f: {  	s19 =	sadd.s32 s4, s19  }
0x70: {  	s19 =	sshrl.u32 s19, $0x3  }
0x71: {  	s26 =	rddreg [dreg:$0x8];
	s19 =	sadd.s32 s19, s7  }
0x72: {  	[tilespmem:s26], [sflag:$0x1] =	stream.linear.gather [hbm4b:s19+s2], $0x80, $0x38;
	[tilespmem:$0x1100] =	vst v63  }
0x73: {  	v2 =	vld [tilespmem:$0x0];
	_ =	sdelay $0x4  }
0x74: {  	v2 =	vsel vm4, $0x0, v2  }
0x75: {  	(xrf0) =	vadd.scan.msk.s32 $0xffff, v2;
	_ =	sdelay $0x5  }
0x76: {  	v2, _, _ =	vpop (xrf0)  }
0x77: {  	(v2sf) =	vpush v2, $0xF;
	_ =	sdelay $0xe  }
0x78: {  	s28 =	spop (v2sf)  }
0x79: {  	s29 =	sand.u32 $0x7F, s28  }
0x7a: {  	s30 =	sshra.s32 s28, $0x1F;
	p6 =	slt.s32 s28, $0x1;
	p5 =	sne.s32 s29, $0x0  }
0x7b: {  	s20 =	sshrl.u32 s30, $0x19;
	p0 =	por !p6, !p5  }
0x7c: {  	s19 =	sadd.s32 s20, s28;
	s20 =	simm.s32 $0x1;
	p0 =	por !p0, !p0  }
0x7d: {  	s19 =	sshrl.u32 s19, $0x7;
	s20 =	simm.s32 @!p0 $0x0  }
0x7e: {  	s19 =	ssub.s32 s19, s20  }
0x7f: {  	s19 =	sshll.u32 s19, $0xA  }
0x80: {  	s19 =	sadd.s32 s4, s19  }
0x81: {  	s19 =	sshrl.u32 s19, $0x3  }
0x82: {  	s31 =	rddreg [dreg:$0x9];
	s19 =	sadd.s32 s19, s8  }
0x83: {  	[tilespmem:s31], [sflag:$0x1] =	stream.linear.gather [hbm4b:s19+s2], $0x80, $0x38;
	[tilespmem:$0x1100] =	vst v63  }
0x84: {  	v2 =	vld [tilespmem:$0x0];
	_ =	sdelay $0x4  }
0x85: {  	v2 =	vsel vm5, $0x0, v2  }
0x86: {  	(xrf0) =	vadd.scan.msk.s32 $0xffff, v2;
	_ =	sdelay $0x5  }
0x87: {  	v2, _, _ =	vpop (xrf0)  }
0x88: {  	(v2sf) =	vpush v2, $0xF;
	_ =	sdelay $0xe  }
0x89: {  	s21 =	spop (v2sf)  }
0x8a: {  	s22 =	sand.u32 $0x7F, s21  }
0x8b: {  	s23 =	sshra.s32 s21, $0x1F;
	p2 =	slt.s32 s21, $0x1;
	p1 =	sne.s32 s22, $0x0  }
0x8c: {  	s20 =	sshrl.u32 s23, $0x19;
	p0 =	por !p2, !p1  }
0x8d: {  	s19 =	sadd.s32 s20, s21;
	s20 =	simm.s32 $0x1;
	p0 =	por !p0, !p0  }
0x8e: {  	s19 =	sshrl.u32 s19, $0x7;
	s20 =	simm.s32 @!p0 $0x0  }
0x8f: {  	s19 =	ssub.s32 s19, s20  }
0x90: {  	s19 =	sshll.u32 s19, $0xA  }
0x91: {  	s19 =	sadd.s32 s4, s19  }
0x92: {  	s19 =	sshrl.u32 s19, $0x3  }
0x93: {  	s24 =	rddreg [dreg:$0xa];
	s19 =	sadd.s32 s19, s9  }
0x94: {  	[tilespmem:s24], [sflag:$0x1] =	stream.linear.gather [hbm4b:s19+s2], $0x80, $0x38;
	[tilespmem:$0x1100] =	vst v63  }
0x95: {  	v2 =	vld [tilespmem:$0x0];
	_ =	sdelay $0x4  }
0x96: {  	v2 =	vsel vm6, $0x0, v2  }
0x97: {  	(xrf0) =	vadd.scan.msk.s32 $0xffff, v2;
	_ =	sdelay $0x5  }
0x98: {  	v2, _, _ =	vpop (xrf0)  }
0x99: {  	(v2sf) =	vpush v2, $0xF;
	_ =	sdelay $0xe  }
0x9a: {  	s25 =	spop (v2sf)  }
0x9b: {  	s26 =	sand.u32 $0x7F, s25  }
0x9c: {  	s28 =	sshra.s32 s25, $0x1F;
	p4 =	slt.s32 s25, $0x1;
	p3 =	sne.s32 s26, $0x0  }
0x9d: {  	s20 =	sshrl.u32 s28, $0x19;
	p0 =	por !p4, !p3  }
0x9e: {  	s19 =	sadd.s32 s20, s25;
	s20 =	simm.s32 $0x1;
	p0 =	por !p0, !p0  }
0x9f: {  	s19 =	sshrl.u32 s19, $0x7;
	s20 =	simm.s32 @!p0 $0x0  }
0xa0: {  	s19 =	ssub.s32 s19, s20  }
0xa1: {  	s19 =	sshll.u32 s19, $0xA  }
0xa2: {  	s19 =	sadd.s32 s4, s19  }
0xa3: {  	s19 =	sshrl.u32 s19, $0x3  }
0xa4: {  	s29 =	rddreg [dreg:$0xb];
	s19 =	sadd.s32 s19, s10  }
0xa5: {  	[tilespmem:s29], [sflag:$0x1] =	stream.linear.gather [hbm4b:s19+s2], $0x80, $0x38;
	[tilespmem:$0x1100] =	vst v63  }
0xa6: {  	v2 =	vld [tilespmem:$0x0];
	_ =	sdelay $0x4  }
0xa7: {  	v2 =	vsel vm7, $0x0, v2  }
0xa8: {  	(xrf0) =	vadd.scan.msk.s32 $0xffff, v2;
	_ =	sdelay $0x5  }
0xa9: {  	v2, _, _ =	vpop (xrf0)  }
0xaa: {  	(v2sf) =	vpush v2, $0xF;
	_ =	sdelay $0xe  }
0xab: {  	s30 =	spop (v2sf)  }
0xac: {  	s31 =	sand.u32 $0x7F, s30  }
0xad: {  	s21 =	sshra.s32 s30, $0x1F;
	p6 =	slt.s32 s30, $0x1;
	p5 =	sne.s32 s31, $0x0  }
0xae: {  	s20 =	sshrl.u32 s21, $0x19;
	p0 =	por !p6, !p5  }
0xaf: {  	s19 =	sadd.s32 s20, s30;
	s20 =	simm.s32 $0x1;
	p0 =	por !p0, !p0  }
0xb0: {  	s19 =	sshrl.u32 s19, $0x7;
	s20 =	simm.s32 @!p0 $0x0  }
0xb1: {  	s19 =	ssub.s32 s19, s20  }
0xb2: {  	s19 =	sshll.u32 s19, $0xA  }
0xb3: {  	s19 =	sadd.s32 s4, s19  }
0xb4: {  	s19 =	sshrl.u32 s19, $0x3  }
0xb5: {  	s22 =	rddreg [dreg:$0xc];
	s19 =	sadd.s32 s19, s11  }
0xb6: {  	[tilespmem:s22], [sflag:$0x1] =	stream.linear.gather [hbm4b:s19+s2], $0x80, $0x38;
	[tilespmem:$0x1100] =	vst v63  }
0xb7: {  	v2 =	vld [tilespmem:$0x0];
	_ =	sdelay $0x4  }
0xb8: {  	v2 =	vsel vm8, $0x0, v2  }
0xb9: {  	(xrf0) =	vadd.scan.msk.s32 $0xffff, v2;
	_ =	sdelay $0x5  }
0xba: {  	v2, _, _ =	vpop (xrf0)  }
0xbb: {  	(v2sf) =	vpush v2, $0xF;
	_ =	sdelay $0xe  }
0xbc: {  	s23 =	spop (v2sf)  }
0xbd: {  	s24 =	sand.u32 $0x7F, s23  }
0xbe: {  	s25 =	sshra.s32 s23, $0x1F;
	p2 =	slt.s32 s23, $0x1;
	p1 =	sne.s32 s24, $0x0  }
0xbf: {  	s20 =	sshrl.u32 s25, $0x19;
	p0 =	por !p2, !p1  }
0xc0: {  	s19 =	sadd.s32 s20, s23;
	s20 =	simm.s32 $0x1;
	p0 =	por !p0, !p0  }
0xc1: {  	s19 =	sshrl.u32 s19, $0x7;
	s20 =	simm.s32 @!p0 $0x0  }
0xc2: {  	s19 =	ssub.s32 s19, s20  }
0xc3: {  	s19 =	sshll.u32 s19, $0xA  }
0xc4: {  	s19 =	sadd.s32 s12, s19  }
0xc5: {  	s19 =	sshrl.u32 s19, $0x3  }
0xc6: {  	s26 =	rddreg [dreg:$0xd];
	s19 =	sadd.s32 s3, s19  }
0xc7: {  	[tilespmem:s26], [sflag:$0x1] =	stream.linear.gather [hbm4b:s19+s2], $0x80, $0x38;
	[tilespmem:$0x1100] =	vst v63  }
0xc8: {  	v2 =	vld [tilespmem:$0x0];
	_ =	sdelay $0x4  }
0xc9: {  	v2 =	vsel vm9, $0x0, v2  }
0xca: {  	(xrf0) =	vadd.scan.msk.s32 $0xffff, v2;
	_ =	sdelay $0x5  }
0xcb: {  	v2, _, _ =	vpop (xrf0)  }
0xcc: {  	(v2sf) =	vpush v2, $0xF;
	_ =	sdelay $0xe  }
0xcd: {  	s28 =	spop (v2sf)  }
0xce: {  	s29 =	sand.u32 $0x7F, s28  }
0xcf: {  	s30 =	sshra.s32 s28, $0x1F;
	p4 =	slt.s32 s28, $0x1;
	p3 =	sne.s32 s29, $0x0  }
0xd0: {  	s20 =	sshrl.u32 s30, $0x19;
	p0 =	por !p4, !p3  }
0xd1: {  	s19 =	sadd.s32 s20, s28;
	s20 =	simm.s32 $0x1;
	p0 =	por !p0, !p0  }
0xd2: {  	s19 =	sshrl.u32 s19, $0x7;
	s20 =	simm.s32 @!p0 $0x0  }
0xd3: {  	s19 =	ssub.s32 s19, s20  }
0xd4: {  	s19 =	sshll.u32 s19, $0xA  }
0xd5: {  	s19 =	sadd.s32 s12, s19  }
0xd6: {  	s19 =	sshrl.u32 s19, $0x3  }
0xd7: {  	s31 =	rddreg [dreg:$0xe];
	s19 =	sadd.s32 s19, s5  }
0xd8: {  	[tilespmem:s31], [sflag:$0x1] =	stream.linear.gather [hbm4b:s19+s2], $0x80, $0x38;
	[tilespmem:$0x1100] =	vst v63  }
0xd9: {  	v2 =	vld [tilespmem:$0x0];
	_ =	sdelay $0x4  }
0xda: {  	v2 =	vsel vm10, $0x0, v2  }
0xdb: {  	(xrf0) =	vadd.scan.msk.s32 $0xffff, v2;
	_ =	sdelay $0x5  }
0xdc: {  	v2, _, _ =	vpop (xrf0)  }
0xdd: {  	(v2sf) =	vpush v2, $0xF;
	_ =	sdelay $0xe  }
0xde: {  	s21 =	spop (v2sf)  }
0xdf: {  	s22 =	sand.u32 $0x7F, s21  }
0xe0: {  	s23 =	sshra.s32 s21, $0x1F;
	p6 =	slt.s32 s21, $0x1;
	p5 =	sne.s32 s22, $0x0  }
0xe1: {  	s20 =	sshrl.u32 s23, $0x19;
	p0 =	por !p6, !p5  }
0xe2: {  	s19 =	sadd.s32 s20, s21;
	s20 =	simm.s32 $0x1;
	p0 =	por !p0, !p0  }
0xe3: {  	s19 =	sshrl.u32 s19, $0x7;
	s20 =	simm.s32 @!p0 $0x0  }
0xe4: {  	s19 =	ssub.s32 s19, s20  }
0xe5: {  	s19 =	sshll.u32 s19, $0xA  }
0xe6: {  	s19 =	sadd.s32 s12, s19  }
0xe7: {  	s19 =	sshrl.u32 s19, $0x3  }
0xe8: {  	s24 =	rddreg [dreg:$0xf];
	s19 =	sadd.s32 s19, s6  }
0xe9: {  	[tilespmem:s24], [sflag:$0x1] =	stream.linear.gather [hbm4b:s19+s2], $0x80, $0x38;
	[tilespmem:$0x1100] =	vst v63  }
0xea: {  	v2 =	vld [tilespmem:$0x0];
	_ =	sdelay $0x4  }
0xeb: {  	v2 =	vsel vm11, $0x0, v2  }
0xec: {  	(xrf0) =	vadd.scan.msk.s32 $0xffff, v2;
	_ =	sdelay $0x5  }
0xed: {  	v2, _, _ =	vpop (xrf0)  }
0xee: {  	(v2sf) =	vpush v2, $0xF;
	_ =	sdelay $0xe  }
0xef: {  	s25 =	spop (v2sf)  }
0xf0: {  	s26 =	sand.u32 $0x7F, s25  }
0xf1: {  	s28 =	sshra.s32 s25, $0x1F;
	p2 =	slt.s32 s25, $0x1;
	p1 =	sne.s32 s26, $0x0  }
0xf2: {  	s20 =	sshrl.u32 s28, $0x19;
	p0 =	por !p2, !p1  }
0xf3: {  	s19 =	sadd.s32 s20, s25;
	s20 =	simm.s32 $0x1;
	p0 =	por !p0, !p0  }
0xf4: {  	s19 =	sshrl.u32 s19, $0x7;
	s20 =	simm.s32 @!p0 $0x0  }
0xf5: {  	s19 =	ssub.s32 s19, s20  }
0xf6: {  	s19 =	sshll.u32 s19, $0xA  }
0xf7: {  	s19 =	sadd.s32 s12, s19  }
0xf8: {  	s19 =	sshrl.u32 s19, $0x3  }
0xf9: {  	s29 =	rddreg [dreg:$0x10];
	s19 =	sadd.s32 s19, s7  }
0xfa: {  	[tilespmem:s29], [sflag:$0x1] =	stream.linear.gather [hbm4b:s19+s2], $0x80, $0x38;
	[tilespmem:$0x1100] =	vst v63  }
0xfb: {  	v2 =	vld [tilespmem:$0x0];
	_ =	sdelay $0x4  }
0xfc: {  	v2 =	vsel vm12, $0x0, v2  }
0xfd: {  	(xrf0) =	vadd.scan.msk.s32 $0xffff, v2;
	_ =	sdelay $0x5  }
0xfe: {  	v2, _, _ =	vpop (xrf0)  }
0xff: {  	(v2sf) =	vpush v2, $0xF;
	_ =	sdelay $0xe  }
0x100: {  	s30 =	spop (v2sf)  }
0x101: {  	s31 =	sand.u32 $0x7F, s30  }
0x102: {  	s21 =	sshra.s32 s30, $0x1F;
	p4 =	slt.s32 s30, $0x1;
	p3 =	sne.s32 s31, $0x0  }
0x103: {  	s20 =	sshrl.u32 s21, $0x19;
	p0 =	por !p4, !p3  }
0x104: {  	s19 =	sadd.s32 s20, s30;
	s20 =	simm.s32 $0x1;
	p0 =	por !p0, !p0  }
0x105: {  	s19 =	sshrl.u32 s19, $0x7;
	s20 =	simm.s32 @!p0 $0x0  }
0x106: {  	s19 =	ssub.s32 s19, s20  }
0x107: {  	s19 =	sshll.u32 s19, $0xA  }
0x108: {  	s19 =	sadd.s32 s12, s19  }
0x109: {  	s19 =	sshrl.u32 s19, $0x3  }
0x10a: {  	s22 =	rddreg [dreg:$0x11];
	s19 =	sadd.s32 s19, s8  }
0x10b: {  	[tilespmem:s22], [sflag:$0x1] =	stream.linear.gather [hbm4b:s19+s2], $0x80, $0x38;
	[tilespmem:$0x1100] =	vst v63  }
0x10c: {  	v2 =	vld [tilespmem:$0x0];
	_ =	sdelay $0x4  }
0x10d: {  	v2 =	vsel vm13, $0x0, v2  }
0x10e: {  	(xrf0) =	vadd.scan.msk.s32 $0xffff, v2;
	_ =	sdelay $0x5  }
0x10f: {  	v2, _, _ =	vpop (xrf0)  }
0x110: {  	(v2sf) =	vpush v2, $0xF;
	_ =	sdelay $0xe  }
0x111: {  	s23 =	spop (v2sf)  }
0x112: {  	s24 =	sand.u32 $0x7F, s23  }
0x113: {  	s25 =	sshra.s32 s23, $0x1F;
	p6 =	slt.s32 s23, $0x1;
	p5 =	sne.s32 s24, $0x0  }
0x114: {  	s20 =	sshrl.u32 s25, $0x19;
	p0 =	por !p6, !p5  }
0x115: {  	s19 =	sadd.s32 s20, s23;
	s20 =	simm.s32 $0x1;
	p0 =	por !p0, !p0  }
0x116: {  	s19 =	sshrl.u32 s19, $0x7;
	s20 =	simm.s32 @!p0 $0x0  }
0x117: {  	s19 =	ssub.s32 s19, s20  }
0x118: {  	s19 =	sshll.u32 s19, $0xA  }
0x119: {  	s19 =	sadd.s32 s12, s19  }
0x11a: {  	s19 =	sshrl.u32 s19, $0x3  }
0x11b: {  	s26 =	rddreg [dreg:$0x12];
	s19 =	sadd.s32 s19, s9  }
0x11c: {  	[tilespmem:s26], [sflag:$0x1] =	stream.linear.gather [hbm4b:s19+s2], $0x80, $0x38;
	[tilespmem:$0x1100] =	vst v63  }
0x11d: {  	v2 =	vld [tilespmem:$0x0];
	_ =	sdelay $0x4  }
0x11e: {  	v2 =	vsel vm14, $0x0, v2  }
0x11f: {  	(xrf0) =	vadd.scan.msk.s32 $0xffff, v2;
	_ =	sdelay $0x5  }
0x120: {  	v2, _, _ =	vpop (xrf0)  }
0x121: {  	(v2sf) =	vpush v2, $0xF;
	_ =	sdelay $0xe  }
0x122: {  	s28 =	spop (v2sf)  }
0x123: {  	s29 =	sand.u32 $0x7F, s28  }
0x124: {  	s30 =	sshra.s32 s28, $0x1F;
	p2 =	slt.s32 s28, $0x1;
	p1 =	sne.s32 s29, $0x0  }
0x125: {  	s20 =	sshrl.u32 s30, $0x19;
	p0 =	por !p2, !p1  }
0x126: {  	s19 =	sadd.s32 s20, s28;
	s20 =	simm.s32 $0x1;
	p0 =	por !p0, !p0  }
0x127: {  	s19 =	sshrl.u32 s19, $0x7;
	s20 =	simm.s32 @!p0 $0x0  }
0x128: {  	s19 =	ssub.s32 s19, s20  }
0x129: {  	s19 =	sshll.u32 s19, $0xA  }
0x12a: {  	s19 =	sadd.s32 s12, s19  }
0x12b: {  	s19 =	sshrl.u32 s19, $0x3  }
0x12c: {  	s31 =	rddreg [dreg:$0x13];
	s19 =	sadd.s32 s19, s10  }
0x12d: {  	[tilespmem:s31], [sflag:$0x1] =	stream.linear.gather [hbm4b:s19+s2], $0x80, $0x38;
	[tilespmem:$0x1100] =	vst v63  }
0x12e: {  	v2 =	vld [tilespmem:$0x0];
	_ =	sdelay $0x4  }
0x12f: {  	v2 =	vsel vm15, $0x0, v2  }
0x130: {  	(xrf0) =	vadd.scan.msk.s32 $0xffff, v2;
	_ =	sdelay $0x5  }
0x131: {  	v2, _, _ =	vpop (xrf0)  }
0x132: {  	(v2sf) =	vpush v2, $0xF;
	_ =	sdelay $0xe  }
0x133: {  	s21 =	spop (v2sf)  }
0x134: {  	s22 =	sand.u32 $0x7F, s21  }
0x135: {  	s23 =	sshra.s32 s21, $0x1F;
	p4 =	slt.s32 s21, $0x1;
	p3 =	sne.s32 s22, $0x0  }
0x136: {  	s20 =	sshrl.u32 s23, $0x19;
	p0 =	por !p4, !p3  }
0x137: {  	s19 =	sadd.s32 s20, s21;
	s20 =	simm.s32 $0x1;
	p0 =	por !p0, !p0  }
0x138: {  	s19 =	sshrl.u32 s19, $0x7;
	s20 =	simm.s32 @!p0 $0x0  }
0x139: {  	s19 =	ssub.s32 s19, s20  }
0x13a: {  	s19 =	sshll.u32 s19, $0xA  }
0x13b: {  	s19 =	sadd.s32 s12, s19  }
0x13c: {  	s19 =	sshrl.u32 s19, $0x3  }
0x13d: {  	s24 =	rddreg [dreg:$0x14];
	s19 =	sadd.s32 s19, s11  }
0x13e: {  	[tilespmem:s24], [sflag:$0x1] =	stream.linear.gather [hbm4b:s19+s2], $0x80, $0x38;
	[tilespmem:$0x1100] =	vst v63  }
0x13f: {  	v2 =	vld [tilespmem:$0x10];
	_ =	sdelay $0x4  }
0x140: {  	v2 =	vnsel vm0, $0x0, v2  }
0x141: {  	(xrf0) =	vadd.scan.msk.s32 $0xffff, v2;
	_ =	sdelay $0x5  }
0x142: {  	v2, _, _ =	vpop (xrf0)  }
0x143: {  	(v2sf) =	vpush v2, $0xF;
	_ =	sdelay $0xe  }
0x144: {  	s25 =	spop (v2sf)  }
0x145: {  	s26 =	sand.u32 $0x7F, s25  }
0x146: {  	s28 =	sshra.s32 s25, $0x1F;
	p6 =	slt.s32 s25, $0x1;
	p5 =	sne.s32 s26, $0x0  }
0x147: {  	s20 =	sshrl.u32 s28, $0x19;
	p0 =	por !p6, !p5  }
0x148: {  	s19 =	sadd.s32 s20, s25;
	s20 =	simm.s32 $0x1;
	p0 =	por !p0, !p0  }
0x149: {  	s19 =	sshrl.u32 s19, $0x7;
	s20 =	simm.s32 @!p0 $0x0  }
0x14a: {  	s19 =	ssub.s32 s19, s20  }
0x14b: {  	s19 =	sshll.u32 s19, $0xA  }
0x14c: {  	s19 =	sadd.s32 s13, s19  }
0x14d: {  	s19 =	sshrl.u32 s19, $0x3  }
0x14e: {  	s29 =	rddreg [dreg:$0x15];
	s19 =	sadd.s32 s3, s19  }
0x14f: {  	[tilespmem:s29], [sflag:$0x1] =	stream.linear.gather [hbm4b:s19+s2], $0x80, $0x38;
	[tilespmem:$0x1100] =	vst v63  }
0x150: {  	v2 =	vld [tilespmem:$0x10];
	_ =	sdelay $0x4  }
0x151: {  	v2 =	vsel vm1, $0x0, v2  }
0x152: {  	(xrf0) =	vadd.scan.msk.s32 $0xffff, v2;
	_ =	sdelay $0x5  }
0x153: {  	v2, _, _ =	vpop (xrf0)  }
0x154: {  	(v2sf) =	vpush v2, $0xF;
	_ =	sdelay $0xe  }
0x155: {  	s30 =	spop (v2sf)  }
0x156: {  	s31 =	sand.u32 $0x7F, s30  }
0x157: {  	s21 =	sshra.s32 s30, $0x1F;
	p2 =	slt.s32 s30, $0x1;
	p1 =	sne.s32 s31, $0x0  }
0x158: {  	s20 =	sshrl.u32 s21, $0x19;
	p0 =	por !p2, !p1  }
0x159: {  	s19 =	sadd.s32 s20, s30;
	s20 =	simm.s32 $0x1;
	p0 =	por !p0, !p0  }
0x15a: {  	s19 =	sshrl.u32 s19, $0x7;
	s20 =	simm.s32 @!p0 $0x0  }
0x15b: {  	s19 =	ssub.s32 s19, s20  }
0x15c: {  	s19 =	sshll.u32 s19, $0xA  }
0x15d: {  	s19 =	sadd.s32 s13, s19  }
0x15e: {  	s19 =	sshrl.u32 s19, $0x3  }
0x15f: {  	s22 =	rddreg [dreg:$0x16];
	s19 =	sadd.s32 s19, s5  }
0x160: {  	[tilespmem:s22], [sflag:$0x1] =	stream.linear.gather [hbm4b:s19+s2], $0x80, $0x38;
	[tilespmem:$0x1100] =	vst v63  }
0x161: {  	v2 =	vld [tilespmem:$0x10];
	_ =	sdelay $0x4  }
0x162: {  	v2 =	vsel vm2, $0x0, v2  }
0x163: {  	(xrf0) =	vadd.scan.msk.s32 $0xffff, v2;
	_ =	sdelay $0x5  }
0x164: {  	v2, _, _ =	vpop (xrf0)  }
0x165: {  	(v2sf) =	vpush v2, $0xF;
	_ =	sdelay $0xe  }
0x166: {  	s23 =	spop (v2sf)  }
0x167: {  	s24 =	sand.u32 $0x7F, s23  }
0x168: {  	s25 =	sshra.s32 s23, $0x1F;
	p4 =	slt.s32 s23, $0x1;
	p3 =	sne.s32 s24, $0x0  }
0x169: {  	s20 =	sshrl.u32 s25, $0x19;
	p0 =	por !p4, !p3  }
0x16a: {  	s19 =	sadd.s32 s20, s23;
	s20 =	simm.s32 $0x1;
	p0 =	por !p0, !p0  }
0x16b: {  	s19 =	sshrl.u32 s19, $0x7;
	s20 =	simm.s32 @!p0 $0x0  }
0x16c: {  	s19 =	ssub.s32 s19, s20  }
0x16d: {  	s19 =	sshll.u32 s19, $0xA  }
0x16e: {  	s19 =	sadd.s32 s13, s19  }
0x16f: {  	s19 =	sshrl.u32 s19, $0x3  }
0x170: {  	s26 =	rddreg [dreg:$0x17];
	s19 =	sadd.s32 s19, s6  }
0x171: {  	[tilespmem:s26], [sflag:$0x1] =	stream.linear.gather [hbm4b:s19+s2], $0x80, $0x38;
	[tilespmem:$0x1100] =	vst v63  }
0x172: {  	v2 =	vld [tilespmem:$0x10];
	_ =	sdelay $0x4  }
0x173: {  	v2 =	vsel vm3, $0x0, v2  }
0x174: {  	(xrf0) =	vadd.scan.msk.s32 $0xffff, v2;
	_ =	sdelay $0x5  }
0x175: {  	v2, _, _ =	vpop (xrf0)  }
0x176: {  	(v2sf) =	vpush v2, $0xF;
	_ =	sdelay $0xe  }
0x177: {  	s28 =	spop (v2sf)  }
0x178: {  	s29 =	sand.u32 $0x7F, s28  }
0x179: {  	s30 =	sshra.s32 s28, $0x1F;
	p6 =	slt.s32 s28, $0x1;
	p5 =	sne.s32 s29, $0x0  }
0x17a: {  	s20 =	sshrl.u32 s30, $0x19;
	p0 =	por !p6, !p5  }
0x17b: {  	s19 =	sadd.s32 s20, s28;
	s20 =	simm.s32 $0x1;
	p0 =	por !p0, !p0  }
0x17c: {  	s19 =	sshrl.u32 s19, $0x7;
	s20 =	simm.s32 @!p0 $0x0  }
0x17d: {  	s19 =	ssub.s32 s19, s20  }
0x17e: {  	s19 =	sshll.u32 s19, $0xA  }
0x17f: {  	s19 =	sadd.s32 s13, s19  }
0x180: {  	s19 =	sshrl.u32 s19, $0x3  }
0x181: {  	s31 =	rddreg [dreg:$0x18];
	s19 =	sadd.s32 s19, s7  }
0x182: {  	[tilespmem:s31], [sflag:$0x1] =	stream.linear.gather [hbm4b:s19+s2], $0x80, $0x38;
	[tilespmem:$0x1100] =	vst v63  }
0x183: {  	v2 =	vld [tilespmem:$0x10];
	_ =	sdelay $0x4  }
0x184: {  	v2 =	vsel vm4, $0x0, v2  }
0x185: {  	(xrf0) =	vadd.scan.msk.s32 $0xffff, v2;
	_ =	sdelay $0x5  }
0x186: {  	v2, _, _ =	vpop (xrf0)  }
0x187: {  	(v2sf) =	vpush v2, $0xF;
	_ =	sdelay $0xe  }
0x188: {  	s21 =	spop (v2sf)  }
0x189: {  	s22 =	sand.u32 $0x7F, s21  }
0x18a: {  	s23 =	sshra.s32 s21, $0x1F;
	p2 =	slt.s32 s21, $0x1;
	p1 =	sne.s32 s22, $0x0  }
0x18b: {  	s20 =	sshrl.u32 s23, $0x19;
	p0 =	por !p2, !p1  }
0x18c: {  	s19 =	sadd.s32 s20, s21;
	s20 =	simm.s32 $0x1;
	p0 =	por !p0, !p0  }
0x18d: {  	s19 =	sshrl.u32 s19, $0x7;
	s20 =	simm.s32 @!p0 $0x0  }
0x18e: {  	s19 =	ssub.s32 s19, s20  }
0x18f: {  	s19 =	sshll.u32 s19, $0xA  }
0x190: {  	s19 =	sadd.s32 s13, s19  }
0x191: {  	s19 =	sshrl.u32 s19, $0x3  }
0x192: {  	s24 =	rddreg [dreg:$0x19];
	s19 =	sadd.s32 s19, s8  }
0x193: {  	[tilespmem:s24], [sflag:$0x1] =	stream.linear.gather [hbm4b:s19+s2], $0x80, $0x38;
	[tilespmem:$0x1100] =	vst v63  }
0x194: {  	v2 =	vld [tilespmem:$0x10];
	_ =	sdelay $0x4  }
0x195: {  	v2 =	vsel vm5, $0x0, v2  }
0x196: {  	(xrf0) =	vadd.scan.msk.s32 $0xffff, v2;
	_ =	sdelay $0x5  }
0x197: {  	v2, _, _ =	vpop (xrf0)  }
0x198: {  	(v2sf) =	vpush v2, $0xF;
	_ =	sdelay $0xe  }
0x199: {  	s25 =	spop (v2sf)  }
0x19a: {  	s26 =	sand.u32 $0x7F, s25  }
0x19b: {  	s28 =	sshra.s32 s25, $0x1F;
	p4 =	slt.s32 s25, $0x1;
	p3 =	sne.s32 s26, $0x0  }
0x19c: {  	s20 =	sshrl.u32 s28, $0x19;
	p0 =	por !p4, !p3  }
0x19d: {  	s19 =	sadd.s32 s20, s25;
	s20 =	simm.s32 $0x1;
	p0 =	por !p0, !p0  }
0x19e: {  	s19 =	sshrl.u32 s19, $0x7;
	s20 =	simm.s32 @!p0 $0x0  }
0x19f: {  	s19 =	ssub.s32 s19, s20  }
0x1a0: {  	s19 =	sshll.u32 s19, $0xA  }
0x1a1: {  	s19 =	sadd.s32 s13, s19  }
0x1a2: {  	s19 =	sshrl.u32 s19, $0x3  }
0x1a3: {  	s29 =	rddreg [dreg:$0x1a];
	s19 =	sadd.s32 s19, s9  }
0x1a4: {  	[tilespmem:s29], [sflag:$0x1] =	stream.linear.gather [hbm4b:s19+s2], $0x80, $0x38;
	[tilespmem:$0x1100] =	vst v63  }
0x1a5: {  	v2 =	vld [tilespmem:$0x10];
	_ =	sdelay $0x4  }
0x1a6: {  	v2 =	vsel vm6, $0x0, v2  }
0x1a7: {  	(xrf0) =	vadd.scan.msk.s32 $0xffff, v2;
	_ =	sdelay $0x5  }
0x1a8: {  	v2, _, _ =	vpop (xrf0)  }
0x1a9: {  	(v2sf) =	vpush v2, $0xF;
	_ =	sdelay $0xe  }
0x1aa: {  	s30 =	spop (v2sf)  }
0x1ab: {  	s31 =	sand.u32 $0x7F, s30  }
0x1ac: {  	s21 =	sshra.s32 s30, $0x1F;
	p6 =	slt.s32 s30, $0x1;
	p5 =	sne.s32 s31, $0x0  }
0x1ad: {  	s20 =	sshrl.u32 s21, $0x19;
	p0 =	por !p6, !p5  }
0x1ae: {  	s19 =	sadd.s32 s20, s30;
	s20 =	simm.s32 $0x1;
	p0 =	por !p0, !p0  }
0x1af: {  	s19 =	sshrl.u32 s19, $0x7;
	s20 =	simm.s32 @!p0 $0x0  }
0x1b0: {  	s19 =	ssub.s32 s19, s20  }
0x1b1: {  	s19 =	sshll.u32 s19, $0xA  }
0x1b2: {  	s19 =	sadd.s32 s13, s19  }
0x1b3: {  	s19 =	sshrl.u32 s19, $0x3  }
0x1b4: {  	s22 =	rddreg [dreg:$0x1b];
	s19 =	sadd.s32 s19, s10  }
0x1b5: {  	[tilespmem:s22], [sflag:$0x1] =	stream.linear.gather [hbm4b:s19+s2], $0x80, $0x38;
	[tilespmem:$0x1100] =	vst v63  }
0x1b6: {  	v2 =	vld [tilespmem:$0x10];
	_ =	sdelay $0x4  }
0x1b7: {  	v2 =	vsel vm7, $0x0, v2  }
0x1b8: {  	(xrf0) =	vadd.scan.msk.s32 $0xffff, v2;
	_ =	sdelay $0x5  }
0x1b9: {  	v2, _, _ =	vpop (xrf0)  }
0x1ba: {  	(v2sf) =	vpush v2, $0xF;
	_ =	sdelay $0xe  }
0x1bb: {  	s23 =	spop (v2sf)  }
0x1bc: {  	s24 =	sand.u32 $0x7F, s23  }
0x1bd: {  	s25 =	sshra.s32 s23, $0x1F;
	p2 =	slt.s32 s23, $0x1;
	p1 =	sne.s32 s24, $0x0  }
0x1be: {  	s20 =	sshrl.u32 s25, $0x19;
	p0 =	por !p2, !p1  }
0x1bf: {  	s19 =	sadd.s32 s20, s23;
	s20 =	simm.s32 $0x1;
	p0 =	por !p0, !p0  }
0x1c0: {  	s19 =	sshrl.u32 s19, $0x7;
	s20 =	simm.s32 @!p0 $0x0  }
0x1c1: {  	s19 =	ssub.s32 s19, s20  }
0x1c2: {  	s19 =	sshll.u32 s19, $0xA  }
0x1c3: {  	s19 =	sadd.s32 s13, s19  }
0x1c4: {  	s19 =	sshrl.u32 s19, $0x3  }
0x1c5: {  	s26 =	rddreg [dreg:$0x1c];
	s19 =	sadd.s32 s19, s11  }
0x1c6: {  	[tilespmem:s26], [sflag:$0x1] =	stream.linear.gather [hbm4b:s19+s2], $0x80, $0x38;
	[tilespmem:$0x1100] =	vst v63  }
0x1c7: {  	v2 =	vld [tilespmem:$0x10];
	_ =	sdelay $0x4  }
0x1c8: {  	v2 =	vsel vm8, $0x0, v2  }
0x1c9: {  	(xrf0) =	vadd.scan.msk.s32 $0xffff, v2;
	_ =	sdelay $0x5  }
0x1ca: {  	v2, _, _ =	vpop (xrf0)  }
0x1cb: {  	(v2sf) =	vpush v2, $0xF;
	_ =	sdelay $0xe  }
0x1cc: {  	s28 =	spop (v2sf)  }
0x1cd: {  	s29 =	sand.u32 $0x7F, s28  }
0x1ce: {  	s30 =	sshra.s32 s28, $0x1F;
	p4 =	slt.s32 s28, $0x1;
	p3 =	sne.s32 s29, $0x0  }
0x1cf: {  	s20 =	sshrl.u32 s30, $0x19;
	p0 =	por !p4, !p3  }
0x1d0: {  	s19 =	sadd.s32 s20, s28;
	s20 =	simm.s32 $0x1;
	p0 =	por !p0, !p0  }
0x1d1: {  	s19 =	sshrl.u32 s19, $0x7;
	s20 =	simm.s32 @!p0 $0x0  }
0x1d2: {  	s19 =	ssub.s32 s19, s20  }
0x1d3: {  	s19 =	sshll.u32 s19, $0xA  }
0x1d4: {  	s19 =	sadd.s32 s14, s19  }
0x1d5: {  	s19 =	sshrl.u32 s19, $0x3  }
0x1d6: {  	s31 =	rddreg [dreg:$0x1d];
	s19 =	sadd.s32 s3, s19  }
0x1d7: {  	[tilespmem:s31], [sflag:$0x1] =	stream.linear.gather [hbm4b:s19+s2], $0x80, $0x38;
	[tilespmem:$0x1100] =	vst v63  }
0x1d8: {  	v2 =	vld [tilespmem:$0x10];
	_ =	sdelay $0x4  }
0x1d9: {  	v2 =	vsel vm9, $0x0, v2  }
0x1da: {  	(xrf0) =	vadd.scan.msk.s32 $0xffff, v2;
	_ =	sdelay $0x5  }
0x1db: {  	v2, _, _ =	vpop (xrf0)  }
0x1dc: {  	(v2sf) =	vpush v2, $0xF;
	_ =	sdelay $0xe  }
0x1dd: {  	s21 =	spop (v2sf)  }
0x1de: {  	s22 =	sand.u32 $0x7F, s21  }
0x1df: {  	s23 =	sshra.s32 s21, $0x1F;
	p6 =	slt.s32 s21, $0x1;
	p5 =	sne.s32 s22, $0x0  }
0x1e0: {  	s20 =	sshrl.u32 s23, $0x19;
	p0 =	por !p6, !p5  }
0x1e1: {  	s19 =	sadd.s32 s20, s21;
	s20 =	simm.s32 $0x1;
	p0 =	por !p0, !p0  }
0x1e2: {  	s19 =	sshrl.u32 s19, $0x7;
	s20 =	simm.s32 @!p0 $0x0  }
0x1e3: {  	s19 =	ssub.s32 s19, s20  }
0x1e4: {  	s19 =	sshll.u32 s19, $0xA  }
0x1e5: {  	s19 =	sadd.s32 s14, s19  }
0x1e6: {  	s19 =	sshrl.u32 s19, $0x3  }
0x1e7: {  	s24 =	rddreg [dreg:$0x1e];
	s19 =	sadd.s32 s19, s5  }
0x1e8: {  	[tilespmem:s24], [sflag:$0x1] =	stream.linear.gather [hbm4b:s19+s2], $0x80, $0x38;
	[tilespmem:$0x1100] =	vst v63  }
0x1e9: {  	v2 =	vld [tilespmem:$0x10];
	_ =	sdelay $0x4  }
0x1ea: {  	v2 =	vsel vm10, $0x0, v2  }
0x1eb: {  	(xrf0) =	vadd.scan.msk.s32 $0xffff, v2;
	_ =	sdelay $0x5  }
0x1ec: {  	v2, _, _ =	vpop (xrf0)  }
0x1ed: {  	(v2sf) =	vpush v2, $0xF;
	_ =	sdelay $0xe  }
0x1ee: {  	s25 =	spop (v2sf)  }
0x1ef: {  	s26 =	sand.u32 $0x7F, s25  }
0x1f0: {  	s28 =	sshra.s32 s25, $0x1F;
	p2 =	slt.s32 s25, $0x1;
	p1 =	sne.s32 s26, $0x0  }
0x1f1: {  	s20 =	sshrl.u32 s28, $0x19;
	p0 =	por !p2, !p1  }
0x1f2: {  	s19 =	sadd.s32 s20, s25;
	s20 =	simm.s32 $0x1;
	p0 =	por !p0, !p0  }
0x1f3: {  	s19 =	sshrl.u32 s19, $0x7;
	s20 =	simm.s32 @!p0 $0x0  }
0x1f4: {  	s19 =	ssub.s32 s19, s20  }
0x1f5: {  	s19 =	sshll.u32 s19, $0xA  }
0x1f6: {  	s19 =	sadd.s32 s14, s19  }
0x1f7: {  	s19 =	sshrl.u32 s19, $0x3  }
0x1f8: {  	s29 =	rddreg [dreg:$0x1f];
	s19 =	sadd.s32 s19, s6  }
0x1f9: {  	[tilespmem:s29], [sflag:$0x1] =	stream.linear.gather [hbm4b:s19+s2], $0x80, $0x38;
	[tilespmem:$0x1100] =	vst v63  }
0x1fa: {  	v2 =	vld [tilespmem:$0x10];
	_ =	sdelay $0x4  }
0x1fb: {  	v2 =	vsel vm11, $0x0, v2  }
0x1fc: {  	(xrf0) =	vadd.scan.msk.s32 $0xffff, v2;
	_ =	sdelay $0x5  }
0x1fd: {  	v2, _, _ =	vpop (xrf0)  }
0x1fe: {  	(v2sf) =	vpush v2, $0xF;
	_ =	sdelay $0xe  }
0x1ff: {  	s30 =	spop (v2sf)  }
0x200: {  	s31 =	sand.u32 $0x7F, s30  }
0x201: {  	s21 =	sshra.s32 s30, $0x1F;
	p4 =	slt.s32 s30, $0x1;
	p3 =	sne.s32 s31, $0x0  }
0x202: {  	s20 =	sshrl.u32 s21, $0x19;
	p0 =	por !p4, !p3  }
0x203: {  	s19 =	sadd.s32 s20, s30;
	s20 =	simm.s32 $0x1;
	p0 =	por !p0, !p0  }
0x204: {  	s19 =	sshrl.u32 s19, $0x7;
	s20 =	simm.s32 @!p0 $0x0  }
0x205: {  	s19 =	ssub.s32 s19, s20  }
0x206: {  	s19 =	sshll.u32 s19, $0xA  }
0x207: {  	s22 =	sld [smem:$0x7F8];
	s19 =	sadd.s32 s14, s19  }
0x208: {  	s19 =	sshrl.u32 s19, $0x3  }
0x209: {  	s19 =	sadd.s32 s19, s7  }
0x20a: {  	[tilespmem:s22], [sflag:$0x1] =	stream.linear.gather [hbm4b:s19+s2], $0x80, $0x38;
	[tilespmem:$0x1100] =	vst v63  }
0x20b: {  	v2 =	vld [tilespmem:$0x10];
	_ =	sdelay $0x4  }
0x20c: {  	v2 =	vsel vm12, $0x0, v2  }
0x20d: {  	(xrf0) =	vadd.scan.msk.s32 $0xffff, v2;
	_ =	sdelay $0x5  }
0x20e: {  	v2, _, _ =	vpop (xrf0)  }
0x20f: {  	(v2sf) =	vpush v2, $0xF;
	_ =	sdelay $0xe  }
0x210: {  	s23 =	spop (v2sf)  }
0x211: {  	s24 =	sand.u32 $0x7F, s23  }
0x212: {  	s25 =	sshra.s32 s23, $0x1F;
	p6 =	slt.s32 s23, $0x1;
	p5 =	sne.s32 s24, $0x0  }
0x213: {  	s20 =	sshrl.u32 s25, $0x19;
	p0 =	por !p6, !p5  }
0x214: {  	s19 =	sadd.s32 s20, s23;
	s20 =	simm.s32 $0x1;
	p0 =	por !p0, !p0  }
0x215: {  	s19 =	sshrl.u32 s19, $0x7;
	s20 =	simm.s32 @!p0 $0x0  }
0x216: {  	s19 =	ssub.s32 s19, s20  }
0x217: {  	s19 =	sshll.u32 s19, $0xA  }
0x218: {  	s26 =	sld [smem:$0x7F9];
	s19 =	sadd.s32 s14, s19  }
0x219: {  	s19 =	sshrl.u32 s19, $0x3  }
0x21a: {  	s19 =	sadd.s32 s19, s8  }
0x21b: {  	[tilespmem:s26], [sflag:$0x1] =	stream.linear.gather [hbm4b:s19+s2], $0x80, $0x38;
	[tilespmem:$0x1100] =	vst v63  }
0x21c: {  	v2 =	vld [tilespmem:$0x10];
	_ =	sdelay $0x4  }
0x21d: {  	v2 =	vsel vm13, $0x0, v2  }
0x21e: {  	(xrf0) =	vadd.scan.msk.s32 $0xffff, v2;
	_ =	sdelay $0x5  }
0x21f: {  	v2, _, _ =	vpop (xrf0)  }
0x220: {  	(v2sf) =	vpush v2, $0xF;
	_ =	sdelay $0xe  }
0x221: {  	s28 =	spop (v2sf)  }
0x222: {  	s29 =	sand.u32 $0x7F, s28  }
0x223: {  	s30 =	sshra.s32 s28, $0x1F;
	p2 =	slt.s32 s28, $0x1;
	p1 =	sne.s32 s29, $0x0  }
0x224: {  	s20 =	sshrl.u32 s30, $0x19;
	p0 =	por !p2, !p1  }
0x225: {  	s19 =	sadd.s32 s20, s28;
	s20 =	simm.s32 $0x1;
	p0 =	por !p0, !p0  }
0x226: {  	s19 =	sshrl.u32 s19, $0x7;
	s20 =	simm.s32 @!p0 $0x0  }
0x227: {  	s19 =	ssub.s32 s19, s20  }
0x228: {  	s19 =	sshll.u32 s19, $0xA  }
0x229: {  	s31 =	sld [smem:$0x7FA];
	s19 =	sadd.s32 s14, s19  }
0x22a: {  	s19 =	sshrl.u32 s19, $0x3  }
0x22b: {  	s19 =	sadd.s32 s19, s9  }
0x22c: {  	[tilespmem:s31], [sflag:$0x1] =	stream.linear.gather [hbm4b:s19+s2], $0x80, $0x38;
	[tilespmem:$0x1100] =	vst v63  }
0x22d: {  	v2 =	vld [tilespmem:$0x10];
	_ =	sdelay $0x4  }
0x22e: {  	v2 =	vsel vm14, $0x0, v2  }
0x22f: {  	(xrf0) =	vadd.scan.msk.s32 $0xffff, v2;
	_ =	sdelay $0x5  }
0x230: {  	v2, _, _ =	vpop (xrf0)  }
0x231: {  	(v2sf) =	vpush v2, $0xF;
	_ =	sdelay $0xe  }
0x232: {  	s21 =	spop (v2sf)  }
0x233: {  	s22 =	sand.u32 $0x7F, s21  }
0x234: {  	s23 =	sshra.s32 s21, $0x1F;
	p4 =	slt.s32 s21, $0x1;
	p3 =	sne.s32 s22, $0x0  }
0x235: {  	s20 =	sshrl.u32 s23, $0x19;
	p0 =	por !p4, !p3  }
0x236: {  	s19 =	sadd.s32 s20, s21;
	s20 =	simm.s32 $0x1;
	p0 =	por !p0, !p0  }
0x237: {  	s19 =	sshrl.u32 s19, $0x7;
	s20 =	simm.s32 @!p0 $0x0  }
0x238: {  	s19 =	ssub.s32 s19, s20  }
0x239: {  	s19 =	sshll.u32 s19, $0xA  }
0x23a: {  	s24 =	sld [smem:$0x7FB];
	s19 =	sadd.s32 s14, s19  }
0x23b: {  	s19 =	sshrl.u32 s19, $0x3  }
0x23c: {  	s19 =	sadd.s32 s19, s10  }
0x23d: {  	[tilespmem:s24], [sflag:$0x1] =	stream.linear.gather [hbm4b:s19+s2], $0x80, $0x38;
	[tilespmem:$0x1100] =	vst v63  }
0x23e: {  	v2 =	vld [tilespmem:$0x10];
	_ =	sdelay $0x4  }
0x23f: {  	v2 =	vsel vm15, $0x0, v2  }
0x240: {  	(xrf0) =	vadd.scan.msk.s32 $0xffff, v2;
	_ =	sdelay $0x5  }
0x241: {  	v2, _, _ =	vpop (xrf0)  }
0x242: {  	(v2sf) =	vpush v2, $0xF;
	_ =	sdelay $0xe  }
0x243: {  	s25 =	spop (v2sf)  }
0x244: {  	s26 =	sand.u32 $0x7F, s25  }
0x245: {  	s28 =	sshra.s32 s25, $0x1F;
	p6 =	slt.s32 s25, $0x1;
	p5 =	sne.s32 s26, $0x0  }
0x246: {  	s20 =	sshrl.u32 s28, $0x19;
	p0 =	por !p6, !p5  }
0x247: {  	s19 =	sadd.s32 s20, s25;
	s20 =	simm.s32 $0x1;
	p0 =	por !p0, !p0  }
0x248: {  	s19 =	sshrl.u32 s19, $0x7;
	s20 =	simm.s32 @!p0 $0x0  }
0x249: {  	s19 =	ssub.s32 s19, s20  }
0x24a: {  	s19 =	sshll.u32 s19, $0xA  }
0x24b: {  	s29 =	sld [smem:$0x7FC];
	s19 =	sadd.s32 s14, s19  }
0x24c: {  	s19 =	sshrl.u32 s19, $0x3  }
0x24d: {  	s19 =	sadd.s32 s19, s11  }
0x24e: {  	[tilespmem:s29], [sflag:$0x1] =	stream.linear.gather [hbm4b:s19+s2], $0x80, $0x38;
	[tilespmem:$0x1100] =	vst v63  }
0x24f: {  	_ =	swait.ge [sflag:s17], $0x80  }
0x250: {  	[sflag:s17] =	ssyncset.done $0x0  }
0x251: {  	[sflag:s17] =	ssyncadd.s32 $0xFFFFFF80  }
0x252: {  	_ =	swait.ge [sflag:s17], $0x80  }
0x253: {  	[sflag:s17] =	ssyncset.done $0x0  }
0x254: {  	[sflag:s17] =	ssyncadd.s32 $0xFFFFFF80  }
0x255: {  	_ =	swait.ge [sflag:s17], $0x80  }
0x256: {  	[sflag:s17] =	ssyncset.done $0x0  }
0x257: {  	[sflag:s17] =	ssyncadd.s32 $0xFFFFFF80  }
0x258: {  	_ =	swait.ge [sflag:s17], $0x80  }
0x259: {  	[sflag:s17] =	ssyncset.done $0x0  }
0x25a: {  	[sflag:s17] =	ssyncadd.s32 $0xFFFFFF80  }
0x25b: {  	_ =	swait.ge [sflag:s17], $0x80  }
0x25c: {  	[sflag:s17] =	ssyncset.done $0x0  }
0x25d: {  	[sflag:s17] =	ssyncadd.s32 $0xFFFFFF80  }
0x25e: {  	_ =	swait.ge [sflag:s17], $0x80  }
0x25f: {  	[sflag:s17] =	ssyncset.done $0x0  }
0x260: {  	[sflag:s17] =	ssyncadd.s32 $0xFFFFFF80  }
0x261: {  	_ =	swait.ge [sflag:s17], $0x80  }
0x262: {  	[sflag:s17] =	ssyncset.done $0x0  }
0x263: {  	[sflag:s17] =	ssyncadd.s32 $0xFFFFFF80  }
0x264: {  	_ =	swait.ge [sflag:s17], $0x80  }
0x265: {  	[sflag:s17] =	ssyncset.done $0x0  }
0x266: {  	[sflag:s17] =	ssyncadd.s32 $0xFFFFFF80  }
0x267: {  	_ =	swait.ge [sflag:s17], $0x80  }
0x268: {  	[sflag:s17] =	ssyncset.done $0x0  }
0x269: {  	[sflag:s17] =	ssyncadd.s32 $0xFFFFFF80  }
0x26a: {  	_ =	swait.ge [sflag:s17], $0x80  }
0x26b: {  	[sflag:s17] =	ssyncset.done $0x0  }
0x26c: {  	[sflag:s17] =	ssyncadd.s32 $0xFFFFFF80  }
0x26d: {  	_ =	swait.ge [sflag:s17], $0x80  }
0x26e: {  	[sflag:s17] =	ssyncset.done $0x0  }
0x26f: {  	[sflag:s17] =	ssyncadd.s32 $0xFFFFFF80  }
0x270: {  	_ =	swait.ge [sflag:s17], $0x80  }
0x271: {  	[sflag:s17] =	ssyncset.done $0x0  }
0x272: {  	[sflag:s17] =	ssyncadd.s32 $0xFFFFFF80  }
0x273: {  	_ =	swait.ge [sflag:s17], $0x80  }
0x274: {  	[sflag:s17] =	ssyncset.done $0x0  }
0x275: {  	[sflag:s17] =	ssyncadd.s32 $0xFFFFFF80  }
0x276: {  	_ =	swait.ge [sflag:s17], $0x80  }
0x277: {  	[sflag:s17] =	ssyncset.done $0x0  }
0x278: {  	[sflag:s17] =	ssyncadd.s32 $0xFFFFFF80  }
0x279: {  	_ =	swait.ge [sflag:s17], $0x80  }
0x27a: {  	[sflag:s17] =	ssyncset.done $0x0  }
0x27b: {  	[sflag:s17] =	ssyncadd.s32 $0xFFFFFF80  }
0x27c: {  	_ =	swait.ge [sflag:s17], $0x80  }
0x27d: {  	[sflag:s17] =	ssyncset.done $0x0  }
0x27e: {  	[sflag:s17] =	ssyncadd.s32 $0xFFFFFF80  }
0x27f: {  	_ =	swait.ge [sflag:s17], $0x80  }
0x280: {  	[sflag:s17] =	ssyncset.done $0x0  }
0x281: {  	[sflag:s17] =	ssyncadd.s32 $0xFFFFFF80  }
0x282: {  	_ =	swait.ge [sflag:s17], $0x80  }
0x283: {  	[sflag:s17] =	ssyncset.done $0x0  }
0x284: {  	[sflag:s17] =	ssyncadd.s32 $0xFFFFFF80  }
0x285: {  	_ =	swait.ge [sflag:s17], $0x80  }
0x286: {  	[sflag:s17] =	ssyncset.done $0x0  }
0x287: {  	[sflag:s17] =	ssyncadd.s32 $0xFFFFFF80  }
0x288: {  	_ =	swait.ge [sflag:s17], $0x80  }
0x289: {  	[sflag:s17] =	ssyncset.done $0x0  }
0x28a: {  	[sflag:s17] =	ssyncadd.s32 $0xFFFFFF80  }
0x28b: {  	_ =	swait.ge [sflag:s17], $0x80  }
0x28c: {  	[sflag:s17] =	ssyncset.done $0x0  }
0x28d: {  	[sflag:s17] =	ssyncadd.s32 $0xFFFFFF80  }
0x28e: {  	_ =	swait.ge [sflag:s17], $0x80  }
0x28f: {  	[sflag:s17] =	ssyncset.done $0x0  }
0x290: {  	[sflag:s17] =	ssyncadd.s32 $0xFFFFFF80  }
0x291: {  	_ =	swait.ge [sflag:s17], $0x80  }
0x292: {  	[sflag:s17] =	ssyncset.done $0x0  }
0x293: {  	[sflag:s17] =	ssyncadd.s32 $0xFFFFFF80  }
0x294: {  	_ =	swait.ge [sflag:s17], $0x80  }
0x295: {  	[sflag:s17] =	ssyncset.done $0x0  }
0x296: {  	[sflag:s17] =	ssyncadd.s32 $0xFFFFFF80  }
0x297: {  	_ =	swait.ge [sflag:s17], $0x80  }
0x298: {  	[sflag:s17] =	ssyncset.done $0x0  }
0x299: {  	[sflag:s17] =	ssyncadd.s32 $0xFFFFFF80  }
0x29a: {  	_ =	swait.ge [sflag:s17], $0x80  }
0x29b: {  	[sflag:s17] =	ssyncset.done $0x0  }
0x29c: {  	[sflag:s17] =	ssyncadd.s32 $0xFFFFFF80  }
0x29d: {  	_ =	swait.ge [sflag:s17], $0x80  }
0x29e: {  	[sflag:s17] =	ssyncset.done $0x0  }
0x29f: {  	[sflag:s17] =	ssyncadd.s32 $0xFFFFFF80  }
0x2a0: {  	_ =	swait.ge [sflag:s17], $0x80  }
0x2a1: {  	[sflag:s17] =	ssyncset.done $0x0  }
0x2a2: {  	[sflag:s17] =	ssyncadd.s32 $0xFFFFFF80  }
0x2a3: {  	_ =	swait.ge [sflag:s17], $0x80  }
0x2a4: {  	[sflag:s17] =	ssyncset.done $0x0  }
0x2a5: {  	[sflag:s17] =	ssyncadd.s32 $0xFFFFFF80  }
0x2a6: {  	_ =	swait.ge [sflag:s17], $0x80  }
0x2a7: {  	[sflag:s17] =	ssyncset.done $0x0  }
0x2a8: {  	[sflag:s17] =	ssyncadd.s32 $0xFFFFFF80  }
0x2a9: {  	_ =	swait.ge [sflag:s17], $0x80  }
0x2aa: {  	[sflag:s17] =	ssyncset.done $0x0  }
0x2ab: {  	[sflag:s17] =	ssyncadd.s32 $0xFFFFFF80  }
0x2ac: {  	_ =	swait.ge [sflag:s17], $0x80  }
0x2ad: {  	[sflag:s17] =	ssyncset.done $0x0  }
0x2ae: {  	[sflag:s17] =	ssyncadd.s32 $0xFFFFFF80  }
0x2af: {  	v2 =	vld [tilespmem:$0x0];
	_ =	sdelay $0x4  }
0x2b0: {  	v2 =	vand.u32 $0x7F, v2  }
0x2b1: {  	v3 =	vld [tilespmem:$0x10];
	v2 =	vor.u32 v0, v2;
	_ =	sdelay $0x4  }
0x2b2: {  	v3 =	vand.u32 $0x7F, v3;
	v2 =	vld.idx.msk [tilespmem:v2+s18+$0x0], $0xffff  }
0x2b3: {  	v3 =	vor.u32 v1, v3;
	_ =	sdelay $0x3  }
0x2b4: {  	[tilespmem:$0x1080] =	vst v2  }
0x2b5: {  	v2 =	vld.idx.msk [tilespmem:v3+s18+$0x0], $0xffff;
	_ =	sdelay $0x2  }
0x2b6: {  	s31 =	sld [smem:$0x7FD]  }
0x2b7: {  	p0 =	sne.s32 s15, $0x1  }
.Ltmp0:
0x2b8: {  	s30 =	rddreg [dreg:$0x5];
	[tilespmem:$0x1090] =	vst v2;
	(pc) =	sbr.rel @p0 .LBB2_1-.Ltmp0, $4  }
0x2b9: {  	[hbm4b:s30+s2] =	stream.linear.scatter [tilespmem:s31], [sflag:$0x2], $0x20, $0x38;
	[tilespmem:$0x1100] =	vst v63  }
0x2ba: {  	_ =	swait.ge [sflag:s16], $0x20  }
0x2bb: {  	[sflag:s16] =	ssyncset.done $0x0  }
0x2bc: {  	s15 =	sadd.s32 $0xFFFFFFFF, s15;
	[sflag:s16] =	ssyncadd.s32 $0xFFFFFFE0  }
0x2bd: {  	_ =	sfence.sel $0x180000  }
0x2be: {  	[bflag:$0x0] =	sbarrier.arrive $0xFFFF  }
0x2bf: {  	p0 =	sne.s32 s1, $0x0;
	_ =	strace $0x90000047  }
0x2c0: {  	s0 =	sadd.s32 @!p0 $0x100000, s0;
	[bflag:$0x2] =	sbarrier.arrive $0xFFFF  }
0x2c1: {  	[sflag:s0] =	ssyncadd.tile.s32 @!p0 $0x1;
	_ =	shalt  }
.Lfunc_end2:
_tile_overlayer_lowered:
.L_overlay_start_2:
0x2c2: {  	(tag) =	ssettag $0x2  }
0x2c3: {  	s0 =	rddreg [dreg:$0x0];
	s2 =	stileid.u32  }
0x2c4: {  	s1 =	rddreg [dreg:$0x1];
	p0 =	sne.s32 s2, $0x0  }
0x2c5: {  	s3 =	rddreg [dreg:$0x2];
	[bflag:$0x3] =	sbarrier.arrive $0xFFFF;
	s2 =	simm.s32 @!p0 $0x1C02  }
0x2c6: {  	[timem:s3], [sflag:s2] =	dma.local @!p0 [hbm:s0], s1  }
0x2c7: {  	s0 =	simm.s32 @!p0 $0x2  }
0x2c8: {  	_ =	swait.ge @!p0 [sflag:s0], s1  }
0x2c9: {  	s1 =	ssub.s32 @!p0 $0x0, s1;
	[sflag:s0] =	ssyncset.done @!p0 $0x0  }
0x2ca: {  	[sflag:s0] =	ssyncadd.s32 @!p0 s1  }
0x2cb: {  	[bflag:$0x3] =	sbarrier.arrive $0xFFFF  }
0x2cc: {  	_ =	shalt  }

</sc_bundles>
